<compile_context>
chip_gen: v7x
topology: tpu7x:2x2x1
jax: 0.10.2.dev20260603
libtpu: 0.0.44.dev20260713+nightly
codegen_flags: <defaults>
</compile_context>

<pallas_src>
import functools

import jax
import jax.numpy as jnp
from jax import lax
from jax.experimental import pallas as pl
from jax.experimental.pallas import tpu as pltpu
from jax.experimental.pallas import tpu_sc as plsc

N_NODES = 10000
N_EDGES = 320000
D_FEAT = 128
N_HID = 64
N_CLASS = 41
C_PAD = 48
P1W = 80

NC = 2
NS = 16
NW = NC * NS
EW = N_EDGES // NW
CHUNK = 100
KG = 4
GROUP = KG * CHUNK
NG = EW // GROUP
ROWS_PER_W = EW // CHUNK
NPAD = 10240
RPW = NPAD // NS
WB = 624


def _zero_vmem_2d(ref, n_rows, n_cols):
  def row(r, _):
    for j in range(n_cols // 16):
      ref[r, pl.ds(j * 16, 16)] = jnp.zeros((16,), jnp.float32)
    return _
  lax.fori_loop(0, n_rows, row, 0)


def _make_sc_agg(feat: int):
  mesh = plsc.VectorSubcoreMesh(core_axis_name="c", subcore_axis_name="s")
  out_type = jax.ShapeDtypeStruct((NC, N_NODES, feat), jnp.float32)
  scratch = [
      [pltpu.VMEM((KG, CHUNK), jnp.int32) for _ in range(2)],
      [pltpu.VMEM((KG, CHUNK), jnp.int32) for _ in range(2)],
      [[pltpu.VMEM((CHUNK, feat), jnp.float32) for _ in range(KG)]
       for _ in range(2)],
      pltpu.VMEM_SHARED((NPAD, feat), jnp.float32),
      pltpu.SemaphoreType.DMA,
      pltpu.SemaphoreType.DMA,
      pltpu.SemaphoreType.DMA,
  ]

  def body(p_hbm, edges_hbm, out_hbm, idx_s, idx_d, rows, acc,
           sem_i, sem_g, sem_s):
    src_hbm = edges_hbm.at[0]
    dst_hbm = edges_hbm.at[1]
    c = lax.axis_index("c")
    s = lax.axis_index("s")
    w = c * NS + s

    def idx_descs(slot, grow):
      return (pltpu.make_async_copy(src_hbm.at[pl.ds(grow, KG)], idx_s[slot],
                                    sem_i),
              pltpu.make_async_copy(dst_hbm.at[pl.ds(grow, KG)], idx_d[slot],
                                    sem_i))

    def fire_idx(slot, g):
      grow = w * ROWS_PER_W + g * KG
      for d in idx_descs(slot, grow):
        d.start()

    def drain_idx(slot):
      for d in idx_descs(slot, 0):
        d.wait()

    def gather_desc(rslot, qslot, j):
      return pltpu.make_async_copy(p_hbm.at[idx_s[qslot].at[j]],
                                   rows[rslot][j], sem_g)

    def drain_scatters(rslot, qslot):
      for j in range(KG):
        pltpu.make_async_copy(rows[rslot][j], acc.at[idx_d[qslot].at[j]],
                              sem_s).wait()

    zbuf = rows[0][0]
    _zero_vmem_2d(zbuf, CHUNK, feat)
    zbase = s * RPW
    for k in range(RPW // CHUNK):
      pltpu.sync_copy(zbuf, acc.at[pl.ds(zbase + k * CHUNK, CHUNK)])
    ztail = RPW % CHUNK
    if ztail:
      pltpu.sync_copy(zbuf.at[pl.ds(0, ztail)],
                      acc.at[pl.ds(zbase + RPW - ztail, ztail)])
    plsc.subcore_barrier()

    fire_idx(0, 0)

    def pair_body(gi, carry):
      for phase in range(2):
        g = gi * 2 + phase
        slot = phase
        other = 1 - phase

        @pl.when(g < NG)
        def _():
          drain_idx(slot)
          for j in range(KG):
            gather_desc(slot, slot, j).start()

          @pl.when(g >= 1)
          def _():
            drain_scatters(other, other)

          @pl.when(g + 1 < NG)
          def _():
            fire_idx(other, g + 1)

          for j in range(KG):
            gather_desc(slot, slot, j).wait()
          for j in range(KG):
            pltpu.async_copy(rows[slot][j], acc.at[idx_d[slot].at[j]], sem_s,
                             add=True)
      return carry
    lax.fori_loop(0, (NG + 1) // 2, pair_body, 0)
    drain_scatters((NG - 1) % 2, (NG - 1) % 2)

    plsc.subcore_barrier()
    wb = s * WB
    pltpu.sync_copy(acc.at[pl.ds(wb, WB)], out_hbm.at[c, pl.ds(wb, WB)])

    @pl.when(s == NS - 1)
    def _():
      pltpu.sync_copy(acc.at[pl.ds(NS * WB, N_NODES - NS * WB)],
                      out_hbm.at[c, pl.ds(NS * WB, N_NODES - NS * WB)])

  return pl.kernel(body, out_type=out_type, mesh=mesh,
                   scratch_types=scratch,
                   compiler_params=pltpu.CompilerParams(
                       use_tc_tiling_on_sc=False))


_sc_agg_l1 = _make_sc_agg(P1W)
_sc_agg_l2 = _make_sc_agg(C_PAD)

_RB = 1000
_GRID = N_NODES // _RB


def _tc_p1_body(x_ref, wn_ref, p_ref):
  ones_col = lax.broadcasted_iota(jnp.int32, (_RB, P1W), 1) == N_HID
  p_ref[...] = (
      jnp.dot(x_ref[...], wn_ref[...], preferred_element_type=jnp.float32)
      + jnp.where(ones_col, 1.0, 0.0))


def _tc_p1(x, w1n_pad):
  return pl.pallas_call(
      _tc_p1_body,
      grid=(_GRID,),
      in_specs=[
          pl.BlockSpec((_RB, D_FEAT), lambda i: (i, 0)),
          pl.BlockSpec((D_FEAT, P1W), lambda i: (0, 0)),
      ],
      out_specs=pl.BlockSpec((_RB, P1W), lambda i: (i, 0)),
      out_shape=jax.ShapeDtypeStruct((N_NODES, P1W), jnp.float32),
  )(x, w1n_pad)


def _tc_s1_body(x_ref, ws_ref, s_ref):
  s_ref[...] = jnp.dot(x_ref[...], ws_ref[...],
                       preferred_element_type=jnp.float32)


def _tc_s1(x, w_self):
  return pl.pallas_call(
      _tc_s1_body,
      grid=(_GRID,),
      in_specs=[
          pl.BlockSpec((_RB, D_FEAT), lambda i: (i, 0)),
          pl.BlockSpec((D_FEAT, N_HID), lambda i: (0, 0)),
      ],
      out_specs=pl.BlockSpec((_RB, N_HID), lambda i: (i, 0)),
      out_shape=jax.ShapeDtypeStruct((N_NODES, N_HID), jnp.float32),
  )(x, w_self)


def _tc_mid_body(s1_ref, agg_ref, b1_ref, w2s_ref, w2n_ref, s2_ref, p2_ref):
  a = agg_ref[0] + agg_ref[1]
  deg = jnp.clip(a[:, N_HID:N_HID + 1], 1.0, None)
  mean = a[:, :N_HID] / deg
  h = jnp.maximum(s1_ref[...] + mean + b1_ref[...], 0.0)
  s2 = jnp.dot(h, w2s_ref[...], preferred_element_type=jnp.float32)
  deg_col = lax.broadcasted_iota(jnp.int32, (_RB, C_PAD), 1) == C_PAD - 1
  s2_ref[...] = jnp.where(deg_col, deg, s2)
  p2_ref[...] = jnp.dot(h, w2n_ref[...], preferred_element_type=jnp.float32)


def _tc_mid(s1, agg1, b1, w2s_pad, w2n_pad):
  return pl.pallas_call(
      _tc_mid_body,
      grid=(_GRID,),
      in_specs=[
          pl.BlockSpec((_RB, N_HID), lambda i: (i, 0)),
          pl.BlockSpec((NC, _RB, P1W), lambda i: (0, i, 0)),
          pl.BlockSpec((1, N_HID), lambda i: (0, 0)),
          pl.BlockSpec((N_HID, C_PAD), lambda i: (0, 0)),
          pl.BlockSpec((N_HID, C_PAD), lambda i: (0, 0)),
      ],
      out_specs=[
          pl.BlockSpec((_RB, C_PAD), lambda i: (i, 0)),
          pl.BlockSpec((_RB, C_PAD), lambda i: (i, 0)),
      ],
      out_shape=[
          jax.ShapeDtypeStruct((N_NODES, C_PAD), jnp.float32),
          jax.ShapeDtypeStruct((N_NODES, C_PAD), jnp.float32),
      ],
  )(s1, agg1, b1, w2s_pad, w2n_pad)


def _tc_out_body(s2_ref, agg_ref, b2_ref, out_ref):
  s2 = s2_ref[...]
  deg = s2[:, C_PAD - 1:C_PAD]
  z = s2 + (agg_ref[0] + agg_ref[1]) / deg + b2_ref[...]
  mask = lax.broadcasted_iota(jnp.int32, (_RB, C_PAD), 1) < N_CLASS
  zm = jnp.where(mask, z, -jnp.inf)
  m = jnp.max(zm, axis=-1, keepdims=True)
  e = jnp.where(mask, jnp.exp(zm - m), 0.0)
  lse = jnp.log(jnp.sum(e, axis=-1, keepdims=True)) + m
  out_ref[...] = (z - lse)[:, :N_CLASS]


def _tc_out(s2, agg2, b2_pad):
  return pl.pallas_call(
      _tc_out_body,
      grid=(_GRID,),
      in_specs=[
          pl.BlockSpec((_RB, C_PAD), lambda i: (i, 0)),
          pl.BlockSpec((NC, _RB, C_PAD), lambda i: (0, i, 0)),
          pl.BlockSpec((1, C_PAD), lambda i: (0, 0)),
      ],
      out_specs=pl.BlockSpec((_RB, N_CLASS), lambda i: (i, 0)),
      out_shape=jax.ShapeDtypeStruct((N_NODES, N_CLASS), jnp.float32),
  )(s2, agg2, b2_pad)


@jax.jit
def kernel(feature, edge_index, W1_self, W1_neigh, b1, W2_self, W2_neigh, b2):
  edges = edge_index.astype(jnp.int32).reshape(2, N_EDGES // CHUNK, CHUNK)

  w1n = jnp.pad(W1_neigh, ((0, 0), (0, P1W - N_HID)))
  p1 = _tc_p1(feature, w1n)
  agg1 = _sc_agg_l1(p1, edges)
  s1 = _tc_s1(feature, W1_self)

  w2s = jnp.pad(W2_self, ((0, 0), (0, C_PAD - N_CLASS)))
  w2n = jnp.pad(W2_neigh, ((0, 0), (0, C_PAD - N_CLASS)))
  s2, p2 = _tc_mid(s1, agg1, b1.reshape(1, N_HID), w2s, w2n)

  agg2 = _sc_agg_l2(p2, edges)

  b2p = jnp.pad(b2, (0, C_PAD - N_CLASS)).reshape(1, C_PAD)
  return _tc_out(s2, agg2, b2p)

# --- scband reference (transcript-rebuilt; emitter-appended) ---
"""Pipeline reference for scband-dgl-model-51677046505719 (READ-ONLY COPY).

The authoritative reference and input builder live on the scoring server;
editing this copy changes nothing except your own understanding.
"""

import jax, jax.numpy as jnp
import numpy as np

N_NODES = 10000
N_EDGES = 320000
D_FEAT = 128
N_HID = 64
N_CLASS = 41


def setup_inputs(seed: int = 0) -> dict:
    key = jax.random.key(seed)
    ks = jax.random.split(key, 9)
    feature = jax.random.normal(ks[0], (N_NODES, D_FEAT), dtype=jnp.float32)
    edge_index = jax.random.randint(ks[1], (2, N_EDGES), 0, N_NODES, dtype=jnp.int64)
    s1 = 1.0 / np.sqrt(D_FEAT)
    s2 = 1.0 / np.sqrt(N_HID)
    W1_self = jax.random.uniform(ks[2], (D_FEAT, N_HID), jnp.float32, -s1, s1)
    W1_neigh = jax.random.uniform(ks[3], (D_FEAT, N_HID), jnp.float32, -s1, s1)
    b1 = jnp.zeros((N_HID,), jnp.float32)
    W2_self = jax.random.uniform(ks[4], (N_HID, N_CLASS), jnp.float32, -s2, s2)
    W2_neigh = jax.random.uniform(ks[5], (N_HID, N_CLASS), jnp.float32, -s2, s2)
    b2 = jnp.zeros((N_CLASS,), jnp.float32)
    return {"feature": feature, "edge_index": edge_index,
            "W1_self": W1_self, "W1_neigh": W1_neigh, "b1": b1,
            "W2_self": W2_self, "W2_neigh": W2_neigh, "b2": b2}


def _sage_conv(x, edge_index, W_self, W_neigh, b):
    src = edge_index[0]
    dst = edge_index[1]
    msg = jnp.take(x, src, axis=0)
    agg = jax.ops.segment_sum(msg, dst, num_segments=x.shape[0])
    deg = jax.ops.segment_sum(jnp.ones((edge_index.shape[1],), x.dtype), dst, num_segments=x.shape[0])
    mean = agg / jnp.clip(deg, 1.0, None)[:, None]
    return x @ W_self + mean @ W_neigh + b


def reference(feature, edge_index, W1_self, W1_neigh, b1, W2_self, W2_neigh, b2):
    # 2-layer GraphSAGE (mean aggregator), eval mode (dropout is identity)
    h = _sage_conv(feature, edge_index, W1_self, W1_neigh, b1)
    h = jax.nn.relu(h)
    h = _sage_conv(h, edge_index, W2_self, W2_neigh, b2)
    return jax.nn.log_softmax(h, axis=-1)

if __name__ == "__main__":
    import jax
    _d = setup_inputs()
    print(jax.jit(kernel)(*tuple(_d.values())))

</pallas_src>

<mosaic_0001>
#map = affine_map<(d0, d1) -> (0, 0)>
#map1 = affine_map<(d0, d1) -> (0, 0, 0)>
module attributes {stable_mosaic.version = 14 : i64} {
  func.func @body(%arg0: i32, %arg1: i32, %arg2: memref<10000x48xf32, #tpu.memory_space<hbm>>, %arg3: memref<2x3200x100xi32, #tpu.memory_space<hbm>>, %arg4: memref<2x10000x48xf32, #tpu.memory_space<hbm>>, %arg5: memref<4x100xi32, #tpu.memory_space<vmem>>, %arg6: memref<4x100xi32, #tpu.memory_space<vmem>>, %arg7: memref<4x100xi32, #tpu.memory_space<vmem>>, %arg8: memref<4x100xi32, #tpu.memory_space<vmem>>, %arg9: memref<100x48xf32, #tpu.memory_space<vmem>>, %arg10: memref<100x48xf32, #tpu.memory_space<vmem>>, %arg11: memref<100x48xf32, #tpu.memory_space<vmem>>, %arg12: memref<100x48xf32, #tpu.memory_space<vmem>>, %arg13: memref<100x48xf32, #tpu.memory_space<vmem>>, %arg14: memref<100x48xf32, #tpu.memory_space<vmem>>, %arg15: memref<100x48xf32, #tpu.memory_space<vmem>>, %arg16: memref<100x48xf32, #tpu.memory_space<vmem>>, %arg17: memref<10240x48xf32, #tpu.memory_space<vmem_shared>>, %arg18: memref<!tpu.dma_semaphore, #tpu.memory_space<semaphore_mem>>, %arg19: memref<!tpu.dma_semaphore, #tpu.memory_space<semaphore_mem>>, %arg20: memref<!tpu.dma_semaphore, #tpu.memory_space<semaphore_mem>>) attributes {dimension_semantics = [#tpu.dimension_semantics<core_parallel>, #tpu.dimension_semantics<subcore_parallel>], iteration_bounds = array<i64: 2, 16>, scalar_prefetch = 0 : i64, scratch_operands = 16 : i64, tpu.core_type = #tpu.core_type<sc_vector_subcore>, window_params = [{transform_indices = #map}, {transform_indices = #map1}, {transform_indices = #map1}]} {
    %mul3A = arith.constant 16 : i32
    %mul3A_0 = arith.muli %arg0, %mul3A : i32
    %add3A = arith.addi %mul3A_0, %arg1 : i32
    %scan3A = arith.constant 0 : i32
    %scan3A_1 = arith.constant 0 : i32
    %scan3A_2 = arith.constant 100 : i32
    %scan3A_3 = arith.addi %scan3A_1, %scan3A_2 : i32
    %scan3A_4 = arith.constant 1 : i32
    scf.for %scan3A_92 = %scan3A_1 to %scan3A_3 step %scan3A_4  : i32 {
      %broadcast_in_dim3A = arith.constant 0.000000e+00 : f32
      %broadcast_in_dim3A_93 = vector.broadcast %broadcast_in_dim3A : f32 to vector<16xf32>
      %swap3A = arith.index_cast %scan3A_92 : i32 to index
      %swap3A_94 = arith.constant 0 : index
      %swap3A_95 = tpu.vector_load %arg9[%swap3A, %swap3A_94] {strides = array<i32>} : memref<100x48xf32, #tpu.memory_space<vmem>>, vector<1x16xf32>,
      %swap3A_96 = vector.shape_cast %swap3A_95 : vector<1x16xf32> to vector<16xf32>
      %swap3A_97 = vector.shape_cast %broadcast_in_dim3A_93 : vector<16xf32> to vector<1x16xf32>
      tpu.vector_store %arg9[%swap3A, %swap3A_94], %swap3A_97 {strides = array<i32>} : memref<100x48xf32, #tpu.memory_space<vmem>>, vector<1x16xf32>,
      %broadcast_in_dim3A_98 = arith.constant 0.000000e+00 : f32
      %broadcast_in_dim3A_99 = vector.broadcast %broadcast_in_dim3A_98 : f32 to vector<16xf32>
      %swap3A_100 = arith.index_cast %scan3A_92 : i32 to index
      %swap3A_101 = arith.constant 16 : index
      %swap3A_102 = tpu.vector_load %arg9[%swap3A_100, %swap3A_101] {strides = array<i32>} : memref<100x48xf32, #tpu.memory_space<vmem>>, vector<1x16xf32>,
      %swap3A_103 = vector.shape_cast %swap3A_102 : vector<1x16xf32> to vector<16xf32>
      %swap3A_104 = vector.shape_cast %broadcast_in_dim3A_99 : vector<16xf32> to vector<1x16xf32>
      tpu.vector_store %arg9[%swap3A_100, %swap3A_101], %swap3A_104 {strides = array<i32>} : memref<100x48xf32, #tpu.memory_space<vmem>>, vector<1x16xf32>,
      %broadcast_in_dim3A_105 = arith.constant 0.000000e+00 : f32
      %broadcast_in_dim3A_106 = vector.broadcast %broadcast_in_dim3A_105 : f32 to vector<16xf32>
      %swap3A_107 = arith.index_cast %scan3A_92 : i32 to index
      %swap3A_108 = arith.constant 32 : index
      %swap3A_109 = tpu.vector_load %arg9[%swap3A_107, %swap3A_108] {strides = array<i32>} : memref<100x48xf32, #tpu.memory_space<vmem>>, vector<1x16xf32>,
      %swap3A_110 = vector.shape_cast %swap3A_109 : vector<1x16xf32> to vector<16xf32>
      %swap3A_111 = vector.shape_cast %broadcast_in_dim3A_106 : vector<16xf32> to vector<1x16xf32>
      tpu.vector_store %arg9[%swap3A_107, %swap3A_108], %swap3A_111 {strides = array<i32>} : memref<100x48xf32, #tpu.memory_space<vmem>>, vector<1x16xf32>,
    }
    %scan3A_5 = arith.constant 100 : i32
    %mul3A_6 = arith.constant 640 : i32
    %mul3A_7 = arith.muli %arg1, %mul3A_6 : i32
    %add3A_8 = arith.constant 0 : i32
    %add3A_9 = arith.addi %mul3A_7, %add3A_8 : i32
    "tpu.region"() ({
      %run_scoped3A = tpu.sem_alloc : memref<!tpu.dma_semaphore, #tpu.memory_space<semaphore_mem>>
      %dma_start3A_92 = arith.constant 0 : i32
      %dma_start3A_93 = tpu.memref_slice %arg17[%add3A_9, %dma_start3A_92] : memref<10240x48xf32, #tpu.memory_space<vmem_shared>> -> memref<100x48xf32, #tpu.memory_space<vmem_shared>>
      %dma_start3A_94 = arith.constant 0 : i32
      %dma_start3A_95 = tpu.memref_slice %arg17[%add3A_9, %dma_start3A_94] : memref<10240x48xf32, #tpu.memory_space<vmem_shared>> -> memref<100x48xf32, #tpu.memory_space<vmem_shared>>
      tpu.enqueue_dma source(%arg9 : memref<100x48xf32, #tpu.memory_space<vmem>>) target(%dma_start3A_95 : memref<100x48xf32, #tpu.memory_space<vmem_shared>>) target_semaphore(%run_scoped3A : memref<!tpu.dma_semaphore, #tpu.memory_space<semaphore_mem>>)
      %dma_wait3A_96 = arith.constant 0 : i32
      %dma_wait3A_97 = tpu.memref_slice %arg17[%add3A_9, %dma_wait3A_96] : memref<10240x48xf32, #tpu.memory_space<vmem_shared>> -> memref<100x48xf32, #tpu.memory_space<vmem_shared>>
      %dma_wait3A_98 = arith.constant 0 : i32
      %dma_wait3A_99 = tpu.memref_slice %arg17[%add3A_9, %dma_wait3A_98] : memref<10240x48xf32, #tpu.memory_space<vmem_shared>> -> memref<100x48xf32, #tpu.memory_space<vmem_shared>>
      tpu.wait_dma2 semaphore(%run_scoped3A : memref<!tpu.dma_semaphore, #tpu.memory_space<semaphore_mem>>) src(%arg9 : memref<100x48xf32, #tpu.memory_space<vmem>>) dst(%dma_wait3A_99 : memref<100x48xf32, #tpu.memory_space<vmem_shared>>)
      tpu.yield
    }) : () -> ()
    %add3A_10 = arith.constant 100 : i32
    %add3A_11 = arith.addi %mul3A_7, %add3A_10 : i32
    "tpu.region"() ({
      %run_scoped3A = tpu.sem_alloc : memref<!tpu.dma_semaphore, #tpu.memory_space<semaphore_mem>>
      %dma_start3A_92 = arith.constant 0 : i32
      %dma_start3A_93 = tpu.memref_slice %arg17[%add3A_11, %dma_start3A_92] : memref<10240x48xf32, #tpu.memory_space<vmem_shared>> -> memref<100x48xf32, #tpu.memory_space<vmem_shared>>
      %dma_start3A_94 = arith.constant 0 : i32
      %dma_start3A_95 = tpu.memref_slice %arg17[%add3A_11, %dma_start3A_94] : memref<10240x48xf32, #tpu.memory_space<vmem_shared>> -> memref<100x48xf32, #tpu.memory_space<vmem_shared>>
      tpu.enqueue_dma source(%arg9 : memref<100x48xf32, #tpu.memory_space<vmem>>) target(%dma_start3A_95 : memref<100x48xf32, #tpu.memory_space<vmem_shared>>) target_semaphore(%run_scoped3A : memref<!tpu.dma_semaphore, #tpu.memory_space<semaphore_mem>>)
      %dma_wait3A_96 = arith.constant 0 : i32
      %dma_wait3A_97 = tpu.memref_slice %arg17[%add3A_11, %dma_wait3A_96] : memref<10240x48xf32, #tpu.memory_space<vmem_shared>> -> memref<100x48xf32, #tpu.memory_space<vmem_shared>>
      %dma_wait3A_98 = arith.constant 0 : i32
      %dma_wait3A_99 = tpu.memref_slice %arg17[%add3A_11, %dma_wait3A_98] : memref<10240x48xf32, #tpu.memory_space<vmem_shared>> -> memref<100x48xf32, #tpu.memory_space<vmem_shared>>
      tpu.wait_dma2 semaphore(%run_scoped3A : memref<!tpu.dma_semaphore, #tpu.memory_space<semaphore_mem>>) src(%arg9 : memref<100x48xf32, #tpu.memory_space<vmem>>) dst(%dma_wait3A_99 : memref<100x48xf32, #tpu.memory_space<vmem_shared>>)
      tpu.yield
    }) : () -> ()
    %add3A_12 = arith.constant 200 : i32
    %add3A_13 = arith.addi %mul3A_7, %add3A_12 : i32
    "tpu.region"() ({
      %run_scoped3A = tpu.sem_alloc : memref<!tpu.dma_semaphore, #tpu.memory_space<semaphore_mem>>
      %dma_start3A_92 = arith.constant 0 : i32
      %dma_start3A_93 = tpu.memref_slice %arg17[%add3A_13, %dma_start3A_92] : memref<10240x48xf32, #tpu.memory_space<vmem_shared>> -> memref<100x48xf32, #tpu.memory_space<vmem_shared>>
      %dma_start3A_94 = arith.constant 0 : i32
      %dma_start3A_95 = tpu.memref_slice %arg17[%add3A_13, %dma_start3A_94] : memref<10240x48xf32, #tpu.memory_space<vmem_shared>> -> memref<100x48xf32, #tpu.memory_space<vmem_shared>>
      tpu.enqueue_dma source(%arg9 : memref<100x48xf32, #tpu.memory_space<vmem>>) target(%dma_start3A_95 : memref<100x48xf32, #tpu.memory_space<vmem_shared>>) target_semaphore(%run_scoped3A : memref<!tpu.dma_semaphore, #tpu.memory_space<semaphore_mem>>)
      %dma_wait3A_96 = arith.constant 0 : i32
      %dma_wait3A_97 = tpu.memref_slice %arg17[%add3A_13, %dma_wait3A_96] : memref<10240x48xf32, #tpu.memory_space<vmem_shared>> -> memref<100x48xf32, #tpu.memory_space<vmem_shared>>
      %dma_wait3A_98 = arith.constant 0 : i32
      %dma_wait3A_99 = tpu.memref_slice %arg17[%add3A_13, %dma_wait3A_98] : memref<10240x48xf32, #tpu.memory_space<vmem_shared>> -> memref<100x48xf32, #tpu.memory_space<vmem_shared>>
      tpu.wait_dma2 semaphore(%run_scoped3A : memref<!tpu.dma_semaphore, #tpu.memory_space<semaphore_mem>>) src(%arg9 : memref<100x48xf32, #tpu.memory_space<vmem>>) dst(%dma_wait3A_99 : memref<100x48xf32, #tpu.memory_space<vmem_shared>>)
      tpu.yield
    }) : () -> ()
    %add3A_14 = arith.constant 300 : i32
    %add3A_15 = arith.addi %mul3A_7, %add3A_14 : i32
    "tpu.region"() ({
      %run_scoped3A = tpu.sem_alloc : memref<!tpu.dma_semaphore, #tpu.memory_space<semaphore_mem>>
      %dma_start3A_92 = arith.constant 0 : i32
      %dma_start3A_93 = tpu.memref_slice %arg17[%add3A_15, %dma_start3A_92] : memref<10240x48xf32, #tpu.memory_space<vmem_shared>> -> memref<100x48xf32, #tpu.memory_space<vmem_shared>>
      %dma_start3A_94 = arith.constant 0 : i32
      %dma_start3A_95 = tpu.memref_slice %arg17[%add3A_15, %dma_start3A_94] : memref<10240x48xf32, #tpu.memory_space<vmem_shared>> -> memref<100x48xf32, #tpu.memory_space<vmem_shared>>
      tpu.enqueue_dma source(%arg9 : memref<100x48xf32, #tpu.memory_space<vmem>>) target(%dma_start3A_95 : memref<100x48xf32, #tpu.memory_space<vmem_shared>>) target_semaphore(%run_scoped3A : memref<!tpu.dma_semaphore, #tpu.memory_space<semaphore_mem>>)
      %dma_wait3A_96 = arith.constant 0 : i32
      %dma_wait3A_97 = tpu.memref_slice %arg17[%add3A_15, %dma_wait3A_96] : memref<10240x48xf32, #tpu.memory_space<vmem_shared>> -> memref<100x48xf32, #tpu.memory_space<vmem_shared>>
      %dma_wait3A_98 = arith.constant 0 : i32
      %dma_wait3A_99 = tpu.memref_slice %arg17[%add3A_15, %dma_wait3A_98] : memref<10240x48xf32, #tpu.memory_space<vmem_shared>> -> memref<100x48xf32, #tpu.memory_space<vmem_shared>>
      tpu.wait_dma2 semaphore(%run_scoped3A : memref<!tpu.dma_semaphore, #tpu.memory_space<semaphore_mem>>) src(%arg9 : memref<100x48xf32, #tpu.memory_space<vmem>>) dst(%dma_wait3A_99 : memref<100x48xf32, #tpu.memory_space<vmem_shared>>)
      tpu.yield
    }) : () -> ()
    %add3A_16 = arith.constant 400 : i32
    %add3A_17 = arith.addi %mul3A_7, %add3A_16 : i32
    "tpu.region"() ({
      %run_scoped3A = tpu.sem_alloc : memref<!tpu.dma_semaphore, #tpu.memory_space<semaphore_mem>>
      %dma_start3A_92 = arith.constant 0 : i32
      %dma_start3A_93 = tpu.memref_slice %arg17[%add3A_17, %dma_start3A_92] : memref<10240x48xf32, #tpu.memory_space<vmem_shared>> -> memref<100x48xf32, #tpu.memory_space<vmem_shared>>
      %dma_start3A_94 = arith.constant 0 : i32
      %dma_start3A_95 = tpu.memref_slice %arg17[%add3A_17, %dma_start3A_94] : memref<10240x48xf32, #tpu.memory_space<vmem_shared>> -> memref<100x48xf32, #tpu.memory_space<vmem_shared>>
      tpu.enqueue_dma source(%arg9 : memref<100x48xf32, #tpu.memory_space<vmem>>) target(%dma_start3A_95 : memref<100x48xf32, #tpu.memory_space<vmem_shared>>) target_semaphore(%run_scoped3A : memref<!tpu.dma_semaphore, #tpu.memory_space<semaphore_mem>>)
      %dma_wait3A_96 = arith.constant 0 : i32
      %dma_wait3A_97 = tpu.memref_slice %arg17[%add3A_17, %dma_wait3A_96] : memref<10240x48xf32, #tpu.memory_space<vmem_shared>> -> memref<100x48xf32, #tpu.memory_space<vmem_shared>>
      %dma_wait3A_98 = arith.constant 0 : i32
      %dma_wait3A_99 = tpu.memref_slice %arg17[%add3A_17, %dma_wait3A_98] : memref<10240x48xf32, #tpu.memory_space<vmem_shared>> -> memref<100x48xf32, #tpu.memory_space<vmem_shared>>
      tpu.wait_dma2 semaphore(%run_scoped3A : memref<!tpu.dma_semaphore, #tpu.memory_space<semaphore_mem>>) src(%arg9 : memref<100x48xf32, #tpu.memory_space<vmem>>) dst(%dma_wait3A_99 : memref<100x48xf32, #tpu.memory_space<vmem_shared>>)
      tpu.yield
    }) : () -> ()
    %add3A_18 = arith.constant 500 : i32
    %add3A_19 = arith.addi %mul3A_7, %add3A_18 : i32
    "tpu.region"() ({
      %run_scoped3A = tpu.sem_alloc : memref<!tpu.dma_semaphore, #tpu.memory_space<semaphore_mem>>
      %dma_start3A_92 = arith.constant 0 : i32
      %dma_start3A_93 = tpu.memref_slice %arg17[%add3A_19, %dma_start3A_92] : memref<10240x48xf32, #tpu.memory_space<vmem_shared>> -> memref<100x48xf32, #tpu.memory_space<vmem_shared>>
      %dma_start3A_94 = arith.constant 0 : i32
      %dma_start3A_95 = tpu.memref_slice %arg17[%add3A_19, %dma_start3A_94] : memref<10240x48xf32, #tpu.memory_space<vmem_shared>> -> memref<100x48xf32, #tpu.memory_space<vmem_shared>>
      tpu.enqueue_dma source(%arg9 : memref<100x48xf32, #tpu.memory_space<vmem>>) target(%dma_start3A_95 : memref<100x48xf32, #tpu.memory_space<vmem_shared>>) target_semaphore(%run_scoped3A : memref<!tpu.dma_semaphore, #tpu.memory_space<semaphore_mem>>)
      %dma_wait3A_96 = arith.constant 0 : i32
      %dma_wait3A_97 = tpu.memref_slice %arg17[%add3A_19, %dma_wait3A_96] : memref<10240x48xf32, #tpu.memory_space<vmem_shared>> -> memref<100x48xf32, #tpu.memory_space<vmem_shared>>
      %dma_wait3A_98 = arith.constant 0 : i32
      %dma_wait3A_99 = tpu.memref_slice %arg17[%add3A_19, %dma_wait3A_98] : memref<10240x48xf32, #tpu.memory_space<vmem_shared>> -> memref<100x48xf32, #tpu.memory_space<vmem_shared>>
      tpu.wait_dma2 semaphore(%run_scoped3A : memref<!tpu.dma_semaphore, #tpu.memory_space<semaphore_mem>>) src(%arg9 : memref<100x48xf32, #tpu.memory_space<vmem>>) dst(%dma_wait3A_99 : memref<100x48xf32, #tpu.memory_space<vmem_shared>>)
      tpu.yield
    }) : () -> ()
    %add3A_20 = arith.constant 640 : i32
    %add3A_21 = arith.addi %mul3A_7, %add3A_20 : i32
    %sub3A = arith.constant 40 : i32
    %sub3A_22 = arith.subi %add3A_21, %sub3A : i32
    "tpu.region"() ({
      %run_scoped3A = tpu.sem_alloc : memref<!tpu.dma_semaphore, #tpu.memory_space<semaphore_mem>>
      %dma_start3A_92 = arith.constant 0 : i32
      %dma_start3A_93 = arith.constant 0 : i32
      %dma_start3A_94 = tpu.memref_slice %arg9[%dma_start3A_92, %dma_start3A_93] : memref<100x48xf32, #tpu.memory_space<vmem>> -> memref<40x48xf32, #tpu.memory_space<vmem>>
      %dma_start3A_95 = arith.constant 0 : i32
      %dma_start3A_96 = tpu.memref_slice %arg17[%sub3A_22, %dma_start3A_95] : memref<10240x48xf32, #tpu.memory_space<vmem_shared>> -> memref<40x48xf32, #tpu.memory_space<vmem_shared>>
      %dma_start3A_97 = arith.constant 0 : i32
      %dma_start3A_98 = tpu.memref_slice %arg17[%sub3A_22, %dma_start3A_97] : memref<10240x48xf32, #tpu.memory_space<vmem_shared>> -> memref<40x48xf32, #tpu.memory_space<vmem_shared>>
      %dma_start3A_99 = arith.constant 0 : i32
      %dma_start3A_100 = arith.constant 0 : i32
      %dma_start3A_101 = tpu.memref_slice %arg9[%dma_start3A_99, %dma_start3A_100] : memref<100x48xf32, #tpu.memory_space<vmem>> -> memref<40x48xf32, #tpu.memory_space<vmem>>
      tpu.enqueue_dma source(%dma_start3A_101 : memref<40x48xf32, #tpu.memory_space<vmem>>) target(%dma_start3A_98 : memref<40x48xf32, #tpu.memory_space<vmem_shared>>) target_semaphore(%run_scoped3A : memref<!tpu.dma_semaphore, #tpu.memory_space<semaphore_mem>>)
      %dma_wait3A_102 = arith.constant 0 : i32
      %dma_wait3A_103 = arith.constant 0 : i32
      %dma_wait3A_104 = tpu.memref_slice %arg9[%dma_wait3A_102, %dma_wait3A_103] : memref<100x48xf32, #tpu.memory_space<vmem>> -> memref<40x48xf32, #tpu.memory_space<vmem>>
      %dma_wait3A_105 = arith.constant 0 : i32
      %dma_wait3A_106 = tpu.memref_slice %arg17[%sub3A_22, %dma_wait3A_105] : memref<10240x48xf32, #tpu.memory_space<vmem_shared>> -> memref<40x48xf32, #tpu.memory_space<vmem_shared>>
      %dma_wait3A_107 = arith.constant 0 : i32
      %dma_wait3A_108 = tpu.memref_slice %arg17[%sub3A_22, %dma_wait3A_107] : memref<10240x48xf32, #tpu.memory_space<vmem_shared>> -> memref<40x48xf32, #tpu.memory_space<vmem_shared>>
      %dma_wait3A_109 = arith.constant 0 : i32
      %dma_wait3A_110 = arith.constant 0 : i32
      %dma_wait3A_111 = tpu.memref_slice %arg9[%dma_wait3A_109, %dma_wait3A_110] : memref<100x48xf32, #tpu.memory_space<vmem>> -> memref<40x48xf32, #tpu.memory_space<vmem>>
      tpu.wait_dma2 semaphore(%run_scoped3A : memref<!tpu.dma_semaphore, #tpu.memory_space<semaphore_mem>>) src(%dma_wait3A_111 : memref<40x48xf32, #tpu.memory_space<vmem>>) dst(%dma_wait3A_108 : memref<40x48xf32, #tpu.memory_space<vmem_shared>>)
      tpu.yield
    }) : () -> ()
    %barrier3A = arith.constant 0 : index
    tpu.barrier barrier_id(%barrier3A)
    %mul3A_23 = arith.constant 100 : i32
    %mul3A_24 = arith.muli %add3A, %mul3A_23 : i32
    %add3A_25 = arith.constant 0 : i32
    %add3A_26 = arith.addi %mul3A_24, %add3A_25 : i32
    %dma_start3A = arith.constant 0 : i32
    %dma_start3A_27 = arith.constant 0 : i32
    %dma_start3A_28 = arith.constant 0 : i32
    %dma_start3A_29 = tpu.memref_slice %arg3[%dma_start3A, %dma_start3A_27, %dma_start3A_28] : memref<2x3200x100xi32, #tpu.memory_space<hbm>> -> memref<1x3200x100xi32, #tpu.memory_space<hbm>>
    %dma_start3A_30 = tpu.memref_squeeze %dma_start3A_29 : memref<1x3200x100xi32, #tpu.memory_space<hbm>> -> memref<3200x100xi32, #tpu.memory_space<hbm>>
    %dma_start3A_31 = arith.constant 0 : i32
    %dma_start3A_32 = tpu.memref_slice %dma_start3A_30[%add3A_26, %dma_start3A_31] : memref<3200x100xi32, #tpu.memory_space<hbm>> -> memref<4x100xi32, #tpu.memory_space<hbm>>
    %dma_start3A_33 = arith.constant 0 : i32
    %dma_start3A_34 = arith.constant 0 : i32
    %dma_start3A_35 = tpu.memref_slice %arg3[%dma_start3A, %dma_start3A_33, %dma_start3A_34] : memref<2x3200x100xi32, #tpu.memory_space<hbm>> -> memref<1x3200x100xi32, #tpu.memory_space<hbm>>
    %dma_start3A_36 = tpu.memref_squeeze %dma_start3A_35 : memref<1x3200x100xi32, #tpu.memory_space<hbm>> -> memref<3200x100xi32, #tpu.memory_space<hbm>>
    %dma_start3A_37 = arith.constant 0 : i32
    %dma_start3A_38 = tpu.memref_slice %dma_start3A_36[%add3A_26, %dma_start3A_37] : memref<3200x100xi32, #tpu.memory_space<hbm>> -> memref<4x100xi32, #tpu.memory_space<hbm>>
    tpu.enqueue_dma source(%dma_start3A_38 : memref<4x100xi32, #tpu.memory_space<hbm>>) target(%arg5 : memref<4x100xi32, #tpu.memory_space<vmem>>) target_semaphore(%arg18 : memref<!tpu.dma_semaphore, #tpu.memory_space<semaphore_mem>>)
    %dma_start3A_39 = arith.constant 1 : i32
    %dma_start3A_40 = arith.constant 0 : i32
    %dma_start3A_41 = arith.constant 0 : i32
    %dma_start3A_42 = tpu.memref_slice %arg3[%dma_start3A_39, %dma_start3A_40, %dma_start3A_41] : memref<2x3200x100xi32, #tpu.memory_space<hbm>> -> memref<1x3200x100xi32, #tpu.memory_space<hbm>>
    %dma_start3A_43 = tpu.memref_squeeze %dma_start3A_42 : memref<1x3200x100xi32, #tpu.memory_space<hbm>> -> memref<3200x100xi32, #tpu.memory_space<hbm>>
    %dma_start3A_44 = arith.constant 0 : i32
    %dma_start3A_45 = tpu.memref_slice %dma_start3A_43[%add3A_26, %dma_start3A_44] : memref<3200x100xi32, #tpu.memory_space<hbm>> -> memref<4x100xi32, #tpu.memory_space<hbm>>
    %dma_start3A_46 = arith.constant 0 : i32
    %dma_start3A_47 = arith.constant 0 : i32
    %dma_start3A_48 = tpu.memref_slice %arg3[%dma_start3A_39, %dma_start3A_46, %dma_start3A_47] : memref<2x3200x100xi32, #tpu.memory_space<hbm>> -> memref<1x3200x100xi32, #tpu.memory_space<hbm>>
    %dma_start3A_49 = tpu.memref_squeeze %dma_start3A_48 : memref<1x3200x100xi32, #tpu.memory_space<hbm>> -> memref<3200x100xi32, #tpu.memory_space<hbm>>
    %dma_start3A_50 = arith.constant 0 : i32
    %dma_start3A_51 = tpu.memref_slice %dma_start3A_49[%add3A_26, %dma_start3A_50] : memref<3200x100xi32, #tpu.memory_space<hbm>> -> memref<4x100xi32, #tpu.memory_space<hbm>>
    tpu.enqueue_dma source(%dma_start3A_51 : memref<4x100xi32, #tpu.memory_space<hbm>>) target(%arg7 : memref<4x100xi32, #tpu.memory_space<vmem>>) target_semaphore(%arg18 : memref<!tpu.dma_semaphore, #tpu.memory_space<semaphore_mem>>)
    %scan3A_52 = arith.constant 0 : i32
    %scan3A_53 = arith.constant 0 : i32
    %scan3A_54 = arith.constant 1 : i32
    %scan3A_55 = arith.constant 0 : i32
    %scan3A_56 = arith.constant 13 : i32
    %scan3A_57 = arith.addi %scan3A_55, %scan3A_56 : i32
    %scan3A_58 = arith.constant 1 : i32
    scf.for %scan3A_92 = %scan3A_55 to %scan3A_57 step %scan3A_58  : i32 {
      %mul3A_93 = arith.constant 2 : i32
      %mul3A_94 = arith.muli %scan3A_92, %mul3A_93 : i32
      %add3A_95 = arith.constant 0 : i32
      %add3A_96 = arith.addi %mul3A_94, %add3A_95 : i32
      %lt3A = arith.constant 25 : i32
      %lt3A_97 = arith.cmpi slt, %add3A_96, %lt3A : i32
      %convert_element_type3A_98 = arith.extui %lt3A_97 : i1 to i32
      %cond3A_99 = arith.constant 0 : i32
      %cond3A_100 = arith.cmpi ne, %convert_element_type3A_98, %cond3A_99 : i32
      scf.if %cond3A_100 {
        %dma_wait3A_110 = arith.constant 0 : i32
        %dma_wait3A_111 = arith.constant 0 : i32
        %dma_wait3A_112 = tpu.memref_slice %arg3[%scan3A_53, %dma_wait3A_110, %dma_wait3A_111] : memref<2x3200x100xi32, #tpu.memory_space<hbm>> -> memref<1x3200x100xi32, #tpu.memory_space<hbm>>
        %dma_wait3A_113 = tpu.memref_squeeze %dma_wait3A_112 : memref<1x3200x100xi32, #tpu.memory_space<hbm>> -> memref<3200x100xi32, #tpu.memory_space<hbm>>
        %dma_wait3A_114 = arith.constant 0 : i32
        %dma_wait3A_115 = arith.constant 0 : i32
        %dma_wait3A_116 = tpu.memref_slice %dma_wait3A_113[%dma_wait3A_114, %dma_wait3A_115] : memref<3200x100xi32, #tpu.memory_space<hbm>> -> memref<4x100xi32, #tpu.memory_space<hbm>>
        %dma_wait3A_117 = arith.constant 0 : i32
        %dma_wait3A_118 = arith.constant 0 : i32
        %dma_wait3A_119 = tpu.memref_slice %arg3[%scan3A_53, %dma_wait3A_117, %dma_wait3A_118] : memref<2x3200x100xi32, #tpu.memory_space<hbm>> -> memref<1x3200x100xi32, #tpu.memory_space<hbm>>
        %dma_wait3A_120 = tpu.memref_squeeze %dma_wait3A_119 : memref<1x3200x100xi32, #tpu.memory_space<hbm>> -> memref<3200x100xi32, #tpu.memory_space<hbm>>
        %dma_wait3A_121 = arith.constant 0 : i32
        %dma_wait3A_122 = arith.constant 0 : i32
        %dma_wait3A_123 = tpu.memref_slice %dma_wait3A_120[%dma_wait3A_121, %dma_wait3A_122] : memref<3200x100xi32, #tpu.memory_space<hbm>> -> memref<4x100xi32, #tpu.memory_space<hbm>>
        tpu.wait_dma2 semaphore(%arg18 : memref<!tpu.dma_semaphore, #tpu.memory_space<semaphore_mem>>) src(%dma_wait3A_123 : memref<4x100xi32, #tpu.memory_space<hbm>>) dst(%arg5 : memref<4x100xi32, #tpu.memory_space<vmem>>)
        %dma_wait3A_124 = arith.constant 0 : i32
        %dma_wait3A_125 = arith.constant 0 : i32
        %dma_wait3A_126 = tpu.memref_slice %arg3[%scan3A_54, %dma_wait3A_124, %dma_wait3A_125] : memref<2x3200x100xi32, #tpu.memory_space<hbm>> -> memref<1x3200x100xi32, #tpu.memory_space<hbm>>
        %dma_wait3A_127 = tpu.memref_squeeze %dma_wait3A_126 : memref<1x3200x100xi32, #tpu.memory_space<hbm>> -> memref<3200x100xi32, #tpu.memory_space<hbm>>
        %dma_wait3A_128 = arith.constant 0 : i32
        %dma_wait3A_129 = arith.constant 0 : i32
        %dma_wait3A_130 = tpu.memref_slice %dma_wait3A_127[%dma_wait3A_128, %dma_wait3A_129] : memref<3200x100xi32, #tpu.memory_space<hbm>> -> memref<4x100xi32, #tpu.memory_space<hbm>>
        %dma_wait3A_131 = arith.constant 0 : i32
        %dma_wait3A_132 = arith.constant 0 : i32
        %dma_wait3A_133 = tpu.memref_slice %arg3[%scan3A_54, %dma_wait3A_131, %dma_wait3A_132] : memref<2x3200x100xi32, #tpu.memory_space<hbm>> -> memref<1x3200x100xi32, #tpu.memory_space<hbm>>
        %dma_wait3A_134 = tpu.memref_squeeze %dma_wait3A_133 : memref<1x3200x100xi32, #tpu.memory_space<hbm>> -> memref<3200x100xi32, #tpu.memory_space<hbm>>
        %dma_wait3A_135 = arith.constant 0 : i32
        %dma_wait3A_136 = arith.constant 0 : i32
        %dma_wait3A_137 = tpu.memref_slice %dma_wait3A_134[%dma_wait3A_135, %dma_wait3A_136] : memref<3200x100xi32, #tpu.memory_space<hbm>> -> memref<4x100xi32, #tpu.memory_space<hbm>>
        tpu.wait_dma2 semaphore(%arg18 : memref<!tpu.dma_semaphore, #tpu.memory_space<semaphore_mem>>) src(%dma_wait3A_137 : memref<4x100xi32, #tpu.memory_space<hbm>>) dst(%arg7 : memref<4x100xi32, #tpu.memory_space<vmem>>)
        %dma_start3A_138 = arith.constant 0 : i32
        %dma_start3A_139 = arith.constant 0 : i32
        %dma_start3A_140 = tpu.memref_slice %arg5[%dma_start3A_138, %dma_start3A_139] : memref<4x100xi32, #tpu.memory_space<vmem>> -> memref<1x100xi32, #tpu.memory_space<vmem>>
        %dma_start3A_141 = tpu.memref_squeeze %dma_start3A_140 : memref<1x100xi32, #tpu.memory_space<vmem>> -> memref<100xi32, #tpu.memory_space<vmem>>
        %dma_start3A_142 = arith.constant 0 : i32
        %dma_start3A_143 = arith.constant 0 : i32
        %dma_start3A_144 = tpu.memref_slice %arg2[%dma_start3A_142, %dma_start3A_143] : memref<10000x48xf32, #tpu.memory_space<hbm>> -> memref<10000x48xf32, #tpu.memory_space<hbm>>
        tpu.enqueue_indirect_dma source(%dma_start3A_144 : memref<10000x48xf32, #tpu.memory_space<hbm>>) target(%arg9 : memref<100x48xf32, #tpu.memory_space<vmem>>) offsets(%dma_start3A_141 : memref<100xi32, #tpu.memory_space<vmem>>) semaphore(%arg19 : memref<!tpu.dma_semaphore, #tpu.memory_space<semaphore_mem>>)
        %dma_start3A_145 = arith.constant 1 : i32
        %dma_start3A_146 = arith.constant 0 : i32
        %dma_start3A_147 = tpu.memref_slice %arg5[%dma_start3A_145, %dma_start3A_146] : memref<4x100xi32, #tpu.memory_space<vmem>> -> memref<1x100xi32, #tpu.memory_space<vmem>>
        %dma_start3A_148 = tpu.memref_squeeze %dma_start3A_147 : memref<1x100xi32, #tpu.memory_space<vmem>> -> memref<100xi32, #tpu.memory_space<vmem>>
        %dma_start3A_149 = arith.constant 0 : i32
        %dma_start3A_150 = arith.constant 0 : i32
        %dma_start3A_151 = tpu.memref_slice %arg2[%dma_start3A_149, %dma_start3A_150] : memref<10000x48xf32, #tpu.memory_space<hbm>> -> memref<10000x48xf32, #tpu.memory_space<hbm>>
        tpu.enqueue_indirect_dma source(%dma_start3A_151 : memref<10000x48xf32, #tpu.memory_space<hbm>>) target(%arg10 : memref<100x48xf32, #tpu.memory_space<vmem>>) offsets(%dma_start3A_148 : memref<100xi32, #tpu.memory_space<vmem>>) semaphore(%arg19 : memref<!tpu.dma_semaphore, #tpu.memory_space<semaphore_mem>>)
        %dma_start3A_152 = arith.constant 2 : i32
        %dma_start3A_153 = arith.constant 0 : i32
        %dma_start3A_154 = tpu.memref_slice %arg5[%dma_start3A_152, %dma_start3A_153] : memref<4x100xi32, #tpu.memory_space<vmem>> -> memref<1x100xi32, #tpu.memory_space<vmem>>
        %dma_start3A_155 = tpu.memref_squeeze %dma_start3A_154 : memref<1x100xi32, #tpu.memory_space<vmem>> -> memref<100xi32, #tpu.memory_space<vmem>>
        %dma_start3A_156 = arith.constant 0 : i32
        %dma_start3A_157 = arith.constant 0 : i32
        %dma_start3A_158 = tpu.memref_slice %arg2[%dma_start3A_156, %dma_start3A_157] : memref<10000x48xf32, #tpu.memory_space<hbm>> -> memref<10000x48xf32, #tpu.memory_space<hbm>>
        tpu.enqueue_indirect_dma source(%dma_start3A_158 : memref<10000x48xf32, #tpu.memory_space<hbm>>) target(%arg11 : memref<100x48xf32, #tpu.memory_space<vmem>>) offsets(%dma_start3A_155 : memref<100xi32, #tpu.memory_space<vmem>>) semaphore(%arg19 : memref<!tpu.dma_semaphore, #tpu.memory_space<semaphore_mem>>)
        %dma_start3A_159 = arith.constant 3 : i32
        %dma_start3A_160 = arith.constant 0 : i32
        %dma_start3A_161 = tpu.memref_slice %arg5[%dma_start3A_159, %dma_start3A_160] : memref<4x100xi32, #tpu.memory_space<vmem>> -> memref<1x100xi32, #tpu.memory_space<vmem>>
        %dma_start3A_162 = tpu.memref_squeeze %dma_start3A_161 : memref<1x100xi32, #tpu.memory_space<vmem>> -> memref<100xi32, #tpu.memory_space<vmem>>
        %dma_start3A_163 = arith.constant 0 : i32
        %dma_start3A_164 = arith.constant 0 : i32
        %dma_start3A_165 = tpu.memref_slice %arg2[%dma_start3A_163, %dma_start3A_164] : memref<10000x48xf32, #tpu.memory_space<hbm>> -> memref<10000x48xf32, #tpu.memory_space<hbm>>
        tpu.enqueue_indirect_dma source(%dma_start3A_165 : memref<10000x48xf32, #tpu.memory_space<hbm>>) target(%arg12 : memref<100x48xf32, #tpu.memory_space<vmem>>) offsets(%dma_start3A_162 : memref<100xi32, #tpu.memory_space<vmem>>) semaphore(%arg19 : memref<!tpu.dma_semaphore, #tpu.memory_space<semaphore_mem>>)
        %ge3A = arith.constant 1 : i32
        %ge3A_166 = arith.cmpi sge, %add3A_96, %ge3A : i32
        %convert_element_type3A_167 = arith.extui %ge3A_166 : i1 to i32
        %cond3A_168 = arith.constant 0 : i32
        %cond3A_169 = arith.cmpi ne, %convert_element_type3A_167, %cond3A_168 : i32
        scf.if %cond3A_169 {
          %dma_wait3A_233 = arith.constant 0 : i32
          %dma_wait3A_234 = arith.constant 0 : i32
          %dma_wait3A_235 = tpu.memref_slice %arg8[%dma_wait3A_233, %dma_wait3A_234] : memref<4x100xi32, #tpu.memory_space<vmem>> -> memref<1x100xi32, #tpu.memory_space<vmem>>
          %dma_wait3A_236 = tpu.memref_squeeze %dma_wait3A_235 : memref<1x100xi32, #tpu.memory_space<vmem>> -> memref<100xi32, #tpu.memory_space<vmem>>
          %dma_wait3A_237 = arith.constant 0 : i32
          %dma_wait3A_238 = arith.constant 0 : i32
          %dma_wait3A_239 = tpu.memref_slice %arg17[%dma_wait3A_237, %dma_wait3A_238] : memref<10240x48xf32, #tpu.memory_space<vmem_shared>> -> memref<10240x48xf32, #tpu.memory_space<vmem_shared>>
          tpu.wait_indirect_dma semaphore(%arg20 : memref<!tpu.dma_semaphore, #tpu.memory_space<semaphore_mem>>) src(%arg13 : memref<100x48xf32, #tpu.memory_space<vmem>>) dst(%dma_wait3A_239 : memref<10240x48xf32, #tpu.memory_space<vmem_shared>>)
          %dma_wait3A_240 = arith.constant 1 : i32
          %dma_wait3A_241 = arith.constant 0 : i32
          %dma_wait3A_242 = tpu.memref_slice %arg8[%dma_wait3A_240, %dma_wait3A_241] : memref<4x100xi32, #tpu.memory_space<vmem>> -> memref<1x100xi32, #tpu.memory_space<vmem>>
          %dma_wait3A_243 = tpu.memref_squeeze %dma_wait3A_242 : memref<1x100xi32, #tpu.memory_space<vmem>> -> memref<100xi32, #tpu.memory_space<vmem>>
          %dma_wait3A_244 = arith.constant 0 : i32
          %dma_wait3A_245 = arith.constant 0 : i32
          %dma_wait3A_246 = tpu.memref_slice %arg17[%dma_wait3A_244, %dma_wait3A_245] : memref<10240x48xf32, #tpu.memory_space<vmem_shared>> -> memref<10240x48xf32, #tpu.memory_space<vmem_shared>>
          tpu.wait_indirect_dma semaphore(%arg20 : memref<!tpu.dma_semaphore, #tpu.memory_space<semaphore_mem>>) src(%arg14 : memref<100x48xf32, #tpu.memory_space<vmem>>) dst(%dma_wait3A_246 : memref<10240x48xf32, #tpu.memory_space<vmem_shared>>)
          %dma_wait3A_247 = arith.constant 2 : i32
          %dma_wait3A_248 = arith.constant 0 : i32
          %dma_wait3A_249 = tpu.memref_slice %arg8[%dma_wait3A_247, %dma_wait3A_248] : memref<4x100xi32, #tpu.memory_space<vmem>> -> memref<1x100xi32, #tpu.memory_space<vmem>>
          %dma_wait3A_250 = tpu.memref_squeeze %dma_wait3A_249 : memref<1x100xi32, #tpu.memory_space<vmem>> -> memref<100xi32, #tpu.memory_space<vmem>>
          %dma_wait3A_251 = arith.constant 0 : i32
          %dma_wait3A_252 = arith.constant 0 : i32
          %dma_wait3A_253 = tpu.memref_slice %arg17[%dma_wait3A_251, %dma_wait3A_252] : memref<10240x48xf32, #tpu.memory_space<vmem_shared>> -> memref<10240x48xf32, #tpu.memory_space<vmem_shared>>
          tpu.wait_indirect_dma semaphore(%arg20 : memref<!tpu.dma_semaphore, #tpu.memory_space<semaphore_mem>>) src(%arg15 : memref<100x48xf32, #tpu.memory_space<vmem>>) dst(%dma_wait3A_253 : memref<10240x48xf32, #tpu.memory_space<vmem_shared>>)
          %dma_wait3A_254 = arith.constant 3 : i32
          %dma_wait3A_255 = arith.constant 0 : i32
          %dma_wait3A_256 = tpu.memref_slice %arg8[%dma_wait3A_254, %dma_wait3A_255] : memref<4x100xi32, #tpu.memory_space<vmem>> -> memref<1x100xi32, #tpu.memory_space<vmem>>
          %dma_wait3A_257 = tpu.memref_squeeze %dma_wait3A_256 : memref<1x100xi32, #tpu.memory_space<vmem>> -> memref<100xi32, #tpu.memory_space<vmem>>
          %dma_wait3A_258 = arith.constant 0 : i32
          %dma_wait3A_259 = arith.constant 0 : i32
          %dma_wait3A_260 = tpu.memref_slice %arg17[%dma_wait3A_258, %dma_wait3A_259] : memref<10240x48xf32, #tpu.memory_space<vmem_shared>> -> memref<10240x48xf32, #tpu.memory_space<vmem_shared>>
          tpu.wait_indirect_dma semaphore(%arg20 : memref<!tpu.dma_semaphore, #tpu.memory_space<semaphore_mem>>) src(%arg16 : memref<100x48xf32, #tpu.memory_space<vmem>>) dst(%dma_wait3A_260 : memref<10240x48xf32, #tpu.memory_space<vmem_shared>>)
        } else {
        }
        %add3A_170 = arith.constant 1 : i32
        %add3A_171 = arith.addi %add3A_96, %add3A_170 : i32
        %lt3A_172 = arith.constant 25 : i32
        %lt3A_173 = arith.cmpi slt, %add3A_171, %lt3A_172 : i32
        %convert_element_type3A_174 = arith.extui %lt3A_173 : i1 to i32
        %cond3A_175 = arith.constant 0 : i32
        %cond3A_176 = arith.cmpi ne, %convert_element_type3A_174, %cond3A_175 : i32
        scf.if %cond3A_176 {
          %add3A_233 = arith.constant 1 : i32
          %add3A_234 = arith.addi %add3A_96, %add3A_233 : i32
          %mul3A_235 = arith.constant 100 : i32
          %mul3A_236 = arith.muli %add3A, %mul3A_235 : i32
          %mul3A_237 = arith.constant 4 : i32
          %mul3A_238 = arith.muli %add3A_234, %mul3A_237 : i32
          %add3A_239 = arith.addi %mul3A_236, %mul3A_238 : i32
          %dma_start3A_240 = arith.constant 0 : i32
          %dma_start3A_241 = arith.constant 0 : i32
          %dma_start3A_242 = tpu.memref_slice %arg3[%scan3A_53, %dma_start3A_240, %dma_start3A_241] : memref<2x3200x100xi32, #tpu.memory_space<hbm>> -> memref<1x3200x100xi32, #tpu.memory_space<hbm>>
          %dma_start3A_243 = tpu.memref_squeeze %dma_start3A_242 : memref<1x3200x100xi32, #tpu.memory_space<hbm>> -> memref<3200x100xi32, #tpu.memory_space<hbm>>
          %dma_start3A_244 = arith.constant 0 : i32
          %dma_start3A_245 = tpu.memref_slice %dma_start3A_243[%add3A_239, %dma_start3A_244] : memref<3200x100xi32, #tpu.memory_space<hbm>> -> memref<4x100xi32, #tpu.memory_space<hbm>>
          %dma_start3A_246 = arith.constant 0 : i32
          %dma_start3A_247 = arith.constant 0 : i32
          %dma_start3A_248 = tpu.memref_slice %arg3[%scan3A_53, %dma_start3A_246, %dma_start3A_247] : memref<2x3200x100xi32, #tpu.memory_space<hbm>> -> memref<1x3200x100xi32, #tpu.memory_space<hbm>>
          %dma_start3A_249 = tpu.memref_squeeze %dma_start3A_248 : memref<1x3200x100xi32, #tpu.memory_space<hbm>> -> memref<3200x100xi32, #tpu.memory_space<hbm>>
          %dma_start3A_250 = arith.constant 0 : i32
          %dma_start3A_251 = tpu.memref_slice %dma_start3A_249[%add3A_239, %dma_start3A_250] : memref<3200x100xi32, #tpu.memory_space<hbm>> -> memref<4x100xi32, #tpu.memory_space<hbm>>
          tpu.enqueue_dma source(%dma_start3A_251 : memref<4x100xi32, #tpu.memory_space<hbm>>) target(%arg6 : memref<4x100xi32, #tpu.memory_space<vmem>>) target_semaphore(%arg18 : memref<!tpu.dma_semaphore, #tpu.memory_space<semaphore_mem>>)
          %dma_start3A_252 = arith.constant 0 : i32
          %dma_start3A_253 = arith.constant 0 : i32
          %dma_start3A_254 = tpu.memref_slice %arg3[%scan3A_54, %dma_start3A_252, %dma_start3A_253] : memref<2x3200x100xi32, #tpu.memory_space<hbm>> -> memref<1x3200x100xi32, #tpu.memory_space<hbm>>
          %dma_start3A_255 = tpu.memref_squeeze %dma_start3A_254 : memref<1x3200x100xi32, #tpu.memory_space<hbm>> -> memref<3200x100xi32, #tpu.memory_space<hbm>>
          %dma_start3A_256 = arith.constant 0 : i32
          %dma_start3A_257 = tpu.memref_slice %dma_start3A_255[%add3A_239, %dma_start3A_256] : memref<3200x100xi32, #tpu.memory_space<hbm>> -> memref<4x100xi32, #tpu.memory_space<hbm>>
          %dma_start3A_258 = arith.constant 0 : i32
          %dma_start3A_259 = arith.constant 0 : i32
          %dma_start3A_260 = tpu.memref_slice %arg3[%scan3A_54, %dma_start3A_258, %dma_start3A_259] : memref<2x3200x100xi32, #tpu.memory_space<hbm>> -> memref<1x3200x100xi32, #tpu.memory_space<hbm>>
          %dma_start3A_261 = tpu.memref_squeeze %dma_start3A_260 : memref<1x3200x100xi32, #tpu.memory_space<hbm>> -> memref<3200x100xi32, #tpu.memory_space<hbm>>
          %dma_start3A_262 = arith.constant 0 : i32
          %dma_start3A_263 = tpu.memref_slice %dma_start3A_261[%add3A_239, %dma_start3A_262] : memref<3200x100xi32, #tpu.memory_space<hbm>> -> memref<4x100xi32, #tpu.memory_space<hbm>>
          tpu.enqueue_dma source(%dma_start3A_263 : memref<4x100xi32, #tpu.memory_space<hbm>>) target(%arg8 : memref<4x100xi32, #tpu.memory_space<vmem>>) target_semaphore(%arg18 : memref<!tpu.dma_semaphore, #tpu.memory_space<semaphore_mem>>)
        } else {
        }
        %dma_wait3A_177 = arith.constant 0 : i32
        %dma_wait3A_178 = arith.constant 0 : i32
        %dma_wait3A_179 = tpu.memref_slice %arg5[%dma_wait3A_177, %dma_wait3A_178] : memref<4x100xi32, #tpu.memory_space<vmem>> -> memref<1x100xi32, #tpu.memory_space<vmem>>
        %dma_wait3A_180 = tpu.memref_squeeze %dma_wait3A_179 : memref<1x100xi32, #tpu.memory_space<vmem>> -> memref<100xi32, #tpu.memory_space<vmem>>
        %dma_wait3A_181 = arith.constant 0 : i32
        %dma_wait3A_182 = arith.constant 0 : i32
        %dma_wait3A_183 = tpu.memref_slice %arg2[%dma_wait3A_181, %dma_wait3A_182] : memref<10000x48xf32, #tpu.memory_space<hbm>> -> memref<10000x48xf32, #tpu.memory_space<hbm>>
        tpu.wait_indirect_dma semaphore(%arg19 : memref<!tpu.dma_semaphore, #tpu.memory_space<semaphore_mem>>) src(%dma_wait3A_183 : memref<10000x48xf32, #tpu.memory_space<hbm>>) dst(%arg9 : memref<100x48xf32, #tpu.memory_space<vmem>>)
        %dma_wait3A_184 = arith.constant 1 : i32
        %dma_wait3A_185 = arith.constant 0 : i32
        %dma_wait3A_186 = tpu.memref_slice %arg5[%dma_wait3A_184, %dma_wait3A_185] : memref<4x100xi32, #tpu.memory_space<vmem>> -> memref<1x100xi32, #tpu.memory_space<vmem>>
        %dma_wait3A_187 = tpu.memref_squeeze %dma_wait3A_186 : memref<1x100xi32, #tpu.memory_space<vmem>> -> memref<100xi32, #tpu.memory_space<vmem>>
        %dma_wait3A_188 = arith.constant 0 : i32
        %dma_wait3A_189 = arith.constant 0 : i32
        %dma_wait3A_190 = tpu.memref_slice %arg2[%dma_wait3A_188, %dma_wait3A_189] : memref<10000x48xf32, #tpu.memory_space<hbm>> -> memref<10000x48xf32, #tpu.memory_space<hbm>>
        tpu.wait_indirect_dma semaphore(%arg19 : memref<!tpu.dma_semaphore, #tpu.memory_space<semaphore_mem>>) src(%dma_wait3A_190 : memref<10000x48xf32, #tpu.memory_space<hbm>>) dst(%arg10 : memref<100x48xf32, #tpu.memory_space<vmem>>)
        %dma_wait3A_191 = arith.constant 2 : i32
        %dma_wait3A_192 = arith.constant 0 : i32
        %dma_wait3A_193 = tpu.memref_slice %arg5[%dma_wait3A_191, %dma_wait3A_192] : memref<4x100xi32, #tpu.memory_space<vmem>> -> memref<1x100xi32, #tpu.memory_space<vmem>>
        %dma_wait3A_194 = tpu.memref_squeeze %dma_wait3A_193 : memref<1x100xi32, #tpu.memory_space<vmem>> -> memref<100xi32, #tpu.memory_space<vmem>>
        %dma_wait3A_195 = arith.constant 0 : i32
        %dma_wait3A_196 = arith.constant 0 : i32
        %dma_wait3A_197 = tpu.memref_slice %arg2[%dma_wait3A_195, %dma_wait3A_196] : memref<10000x48xf32, #tpu.memory_space<hbm>> -> memref<10000x48xf32, #tpu.memory_space<hbm>>
        tpu.wait_indirect_dma semaphore(%arg19 : memref<!tpu.dma_semaphore, #tpu.memory_space<semaphore_mem>>) src(%dma_wait3A_197 : memref<10000x48xf32, #tpu.memory_space<hbm>>) dst(%arg11 : memref<100x48xf32, #tpu.memory_space<vmem>>)
        %dma_wait3A_198 = arith.constant 3 : i32
        %dma_wait3A_199 = arith.constant 0 : i32
        %dma_wait3A_200 = tpu.memref_slice %arg5[%dma_wait3A_198, %dma_wait3A_199] : memref<4x100xi32, #tpu.memory_space<vmem>> -> memref<1x100xi32, #tpu.memory_space<vmem>>
        %dma_wait3A_201 = tpu.memref_squeeze %dma_wait3A_200 : memref<1x100xi32, #tpu.memory_space<vmem>> -> memref<100xi32, #tpu.memory_space<vmem>>
        %dma_wait3A_202 = arith.constant 0 : i32
        %dma_wait3A_203 = arith.constant 0 : i32
        %dma_wait3A_204 = tpu.memref_slice %arg2[%dma_wait3A_202, %dma_wait3A_203] : memref<10000x48xf32, #tpu.memory_space<hbm>> -> memref<10000x48xf32, #tpu.memory_space<hbm>>
        tpu.wait_indirect_dma semaphore(%arg19 : memref<!tpu.dma_semaphore, #tpu.memory_space<semaphore_mem>>) src(%dma_wait3A_204 : memref<10000x48xf32, #tpu.memory_space<hbm>>) dst(%arg12 : memref<100x48xf32, #tpu.memory_space<vmem>>)
        %dma_start3A_205 = arith.constant 0 : i32
        %dma_start3A_206 = arith.constant 0 : i32
        %dma_start3A_207 = tpu.memref_slice %arg7[%dma_start3A_205, %dma_start3A_206] : memref<4x100xi32, #tpu.memory_space<vmem>> -> memref<1x100xi32, #tpu.memory_space<vmem>>
        %dma_start3A_208 = tpu.memref_squeeze %dma_start3A_207 : memref<1x100xi32, #tpu.memory_space<vmem>> -> memref<100xi32, #tpu.memory_space<vmem>>
        %dma_start3A_209 = arith.constant 0 : i32
        %dma_start3A_210 = arith.constant 0 : i32
        %dma_start3A_211 = tpu.memref_slice %arg17[%dma_start3A_209, %dma_start3A_210] : memref<10240x48xf32, #tpu.memory_space<vmem_shared>> -> memref<10240x48xf32, #tpu.memory_space<vmem_shared>>
        tpu.enqueue_indirect_dma source(%arg9 : memref<100x48xf32, #tpu.memory_space<vmem>>) target(%dma_start3A_211 : memref<10240x48xf32, #tpu.memory_space<vmem_shared>>) offsets(%dma_start3A_208 : memref<100xi32, #tpu.memory_space<vmem>>) semaphore(%arg20 : memref<!tpu.dma_semaphore, #tpu.memory_space<semaphore_mem>>) {add = true}
        %dma_start3A_212 = arith.constant 1 : i32
        %dma_start3A_213 = arith.constant 0 : i32
        %dma_start3A_214 = tpu.memref_slice %arg7[%dma_start3A_212, %dma_start3A_213] : memref<4x100xi32, #tpu.memory_space<vmem>> -> memref<1x100xi32, #tpu.memory_space<vmem>>
        %dma_start3A_215 = tpu.memref_squeeze %dma_start3A_214 : memref<1x100xi32, #tpu.memory_space<vmem>> -> memref<100xi32, #tpu.memory_space<vmem>>
        %dma_start3A_216 = arith.constant 0 : i32
        %dma_start3A_217 = arith.constant 0 : i32
        %dma_start3A_218 = tpu.memref_slice %arg17[%dma_start3A_216, %dma_start3A_217] : memref<10240x48xf32, #tpu.memory_space<vmem_shared>> -> memref<10240x48xf32, #tpu.memory_space<vmem_shared>>
        tpu.enqueue_indirect_dma source(%arg10 : memref<100x48xf32, #tpu.memory_space<vmem>>) target(%dma_start3A_218 : memref<10240x48xf32, #tpu.memory_space<vmem_shared>>) offsets(%dma_start3A_215 : memref<100xi32, #tpu.memory_space<vmem>>) semaphore(%arg20 : memref<!tpu.dma_semaphore, #tpu.memory_space<semaphore_mem>>) {add = true}
        %dma_start3A_219 = arith.constant 2 : i32
        %dma_start3A_220 = arith.constant 0 : i32
        %dma_start3A_221 = tpu.memref_slice %arg7[%dma_start3A_219, %dma_start3A_220] : memref<4x100xi32, #tpu.memory_space<vmem>> -> memref<1x100xi32, #tpu.memory_space<vmem>>
        %dma_start3A_222 = tpu.memref_squeeze %dma_start3A_221 : memref<1x100xi32, #tpu.memory_space<vmem>> -> memref<100xi32, #tpu.memory_space<vmem>>
        %dma_start3A_223 = arith.constant 0 : i32
        %dma_start3A_224 = arith.constant 0 : i32
        %dma_start3A_225 = tpu.memref_slice %arg17[%dma_start3A_223, %dma_start3A_224] : memref<10240x48xf32, #tpu.memory_space<vmem_shared>> -> memref<10240x48xf32, #tpu.memory_space<vmem_shared>>
        tpu.enqueue_indirect_dma source(%arg11 : memref<100x48xf32, #tpu.memory_space<vmem>>) target(%dma_start3A_225 : memref<10240x48xf32, #tpu.memory_space<vmem_shared>>) offsets(%dma_start3A_222 : memref<100xi32, #tpu.memory_space<vmem>>) semaphore(%arg20 : memref<!tpu.dma_semaphore, #tpu.memory_space<semaphore_mem>>) {add = true}
        %dma_start3A_226 = arith.constant 3 : i32
        %dma_start3A_227 = arith.constant 0 : i32
        %dma_start3A_228 = tpu.memref_slice %arg7[%dma_start3A_226, %dma_start3A_227] : memref<4x100xi32, #tpu.memory_space<vmem>> -> memref<1x100xi32, #tpu.memory_space<vmem>>
        %dma_start3A_229 = tpu.memref_squeeze %dma_start3A_228 : memref<1x100xi32, #tpu.memory_space<vmem>> -> memref<100xi32, #tpu.memory_space<vmem>>
        %dma_start3A_230 = arith.constant 0 : i32
        %dma_start3A_231 = arith.constant 0 : i32
        %dma_start3A_232 = tpu.memref_slice %arg17[%dma_start3A_230, %dma_start3A_231] : memref<10240x48xf32, #tpu.memory_space<vmem_shared>> -> memref<10240x48xf32, #tpu.memory_space<vmem_shared>>
        tpu.enqueue_indirect_dma source(%arg12 : memref<100x48xf32, #tpu.memory_space<vmem>>) target(%dma_start3A_232 : memref<10240x48xf32, #tpu.memory_space<vmem_shared>>) offsets(%dma_start3A_229 : memref<100xi32, #tpu.memory_space<vmem>>) semaphore(%arg20 : memref<!tpu.dma_semaphore, #tpu.memory_space<semaphore_mem>>) {add = true}
      } else {
      }
      %mul3A_101 = arith.constant 2 : i32
      %mul3A_102 = arith.muli %scan3A_92, %mul3A_101 : i32
      %add3A_103 = arith.constant 1 : i32
      %add3A_104 = arith.addi %mul3A_102, %add3A_103 : i32
      %lt3A_105 = arith.constant 25 : i32
      %lt3A_106 = arith.cmpi slt, %add3A_104, %lt3A_105 : i32
      %convert_element_type3A_107 = arith.extui %lt3A_106 : i1 to i32
      %cond3A_108 = arith.constant 0 : i32
      %cond3A_109 = arith.cmpi ne, %convert_element_type3A_107, %cond3A_108 : i32
      scf.if %cond3A_109 {
        %dma_wait3A_110 = arith.constant 0 : i32
        %dma_wait3A_111 = arith.constant 0 : i32
        %dma_wait3A_112 = tpu.memref_slice %arg3[%scan3A_53, %dma_wait3A_110, %dma_wait3A_111] : memref<2x3200x100xi32, #tpu.memory_space<hbm>> -> memref<1x3200x100xi32, #tpu.memory_space<hbm>>
        %dma_wait3A_113 = tpu.memref_squeeze %dma_wait3A_112 : memref<1x3200x100xi32, #tpu.memory_space<hbm>> -> memref<3200x100xi32, #tpu.memory_space<hbm>>
        %dma_wait3A_114 = arith.constant 0 : i32
        %dma_wait3A_115 = arith.constant 0 : i32
        %dma_wait3A_116 = tpu.memref_slice %dma_wait3A_113[%dma_wait3A_114, %dma_wait3A_115] : memref<3200x100xi32, #tpu.memory_space<hbm>> -> memref<4x100xi32, #tpu.memory_space<hbm>>
        %dma_wait3A_117 = arith.constant 0 : i32
        %dma_wait3A_118 = arith.constant 0 : i32
        %dma_wait3A_119 = tpu.memref_slice %arg3[%scan3A_53, %dma_wait3A_117, %dma_wait3A_118] : memref<2x3200x100xi32, #tpu.memory_space<hbm>> -> memref<1x3200x100xi32, #tpu.memory_space<hbm>>
        %dma_wait3A_120 = tpu.memref_squeeze %dma_wait3A_119 : memref<1x3200x100xi32, #tpu.memory_space<hbm>> -> memref<3200x100xi32, #tpu.memory_space<hbm>>
        %dma_wait3A_121 = arith.constant 0 : i32
        %dma_wait3A_122 = arith.constant 0 : i32
        %dma_wait3A_123 = tpu.memref_slice %dma_wait3A_120[%dma_wait3A_121, %dma_wait3A_122] : memref<3200x100xi32, #tpu.memory_space<hbm>> -> memref<4x100xi32, #tpu.memory_space<hbm>>
        tpu.wait_dma2 semaphore(%arg18 : memref<!tpu.dma_semaphore, #tpu.memory_space<semaphore_mem>>) src(%dma_wait3A_123 : memref<4x100xi32, #tpu.memory_space<hbm>>) dst(%arg6 : memref<4x100xi32, #tpu.memory_space<vmem>>)
        %dma_wait3A_124 = arith.constant 0 : i32
        %dma_wait3A_125 = arith.constant 0 : i32
        %dma_wait3A_126 = tpu.memref_slice %arg3[%scan3A_54, %dma_wait3A_124, %dma_wait3A_125] : memref<2x3200x100xi32, #tpu.memory_space<hbm>> -> memref<1x3200x100xi32, #tpu.memory_space<hbm>>
        %dma_wait3A_127 = tpu.memref_squeeze %dma_wait3A_126 : memref<1x3200x100xi32, #tpu.memory_space<hbm>> -> memref<3200x100xi32, #tpu.memory_space<hbm>>
        %dma_wait3A_128 = arith.constant 0 : i32
        %dma_wait3A_129 = arith.constant 0 : i32
        %dma_wait3A_130 = tpu.memref_slice %dma_wait3A_127[%dma_wait3A_128, %dma_wait3A_129] : memref<3200x100xi32, #tpu.memory_space<hbm>> -> memref<4x100xi32, #tpu.memory_space<hbm>>
        %dma_wait3A_131 = arith.constant 0 : i32
        %dma_wait3A_132 = arith.constant 0 : i32
        %dma_wait3A_133 = tpu.memref_slice %arg3[%scan3A_54, %dma_wait3A_131, %dma_wait3A_132] : memref<2x3200x100xi32, #tpu.memory_space<hbm>> -> memref<1x3200x100xi32, #tpu.memory_space<hbm>>
        %dma_wait3A_134 = tpu.memref_squeeze %dma_wait3A_133 : memref<1x3200x100xi32, #tpu.memory_space<hbm>> -> memref<3200x100xi32, #tpu.memory_space<hbm>>
        %dma_wait3A_135 = arith.constant 0 : i32
        %dma_wait3A_136 = arith.constant 0 : i32
        %dma_wait3A_137 = tpu.memref_slice %dma_wait3A_134[%dma_wait3A_135, %dma_wait3A_136] : memref<3200x100xi32, #tpu.memory_space<hbm>> -> memref<4x100xi32, #tpu.memory_space<hbm>>
        tpu.wait_dma2 semaphore(%arg18 : memref<!tpu.dma_semaphore, #tpu.memory_space<semaphore_mem>>) src(%dma_wait3A_137 : memref<4x100xi32, #tpu.memory_space<hbm>>) dst(%arg8 : memref<4x100xi32, #tpu.memory_space<vmem>>)
        %dma_start3A_138 = arith.constant 0 : i32
        %dma_start3A_139 = arith.constant 0 : i32
        %dma_start3A_140 = tpu.memref_slice %arg6[%dma_start3A_138, %dma_start3A_139] : memref<4x100xi32, #tpu.memory_space<vmem>> -> memref<1x100xi32, #tpu.memory_space<vmem>>
        %dma_start3A_141 = tpu.memref_squeeze %dma_start3A_140 : memref<1x100xi32, #tpu.memory_space<vmem>> -> memref<100xi32, #tpu.memory_space<vmem>>
        %dma_start3A_142 = arith.constant 0 : i32
        %dma_start3A_143 = arith.constant 0 : i32
        %dma_start3A_144 = tpu.memref_slice %arg2[%dma_start3A_142, %dma_start3A_143] : memref<10000x48xf32, #tpu.memory_space<hbm>> -> memref<10000x48xf32, #tpu.memory_space<hbm>>
        tpu.enqueue_indirect_dma source(%dma_start3A_144 : memref<10000x48xf32, #tpu.memory_space<hbm>>) target(%arg13 : memref<100x48xf32, #tpu.memory_space<vmem>>) offsets(%dma_start3A_141 : memref<100xi32, #tpu.memory_space<vmem>>) semaphore(%arg19 : memref<!tpu.dma_semaphore, #tpu.memory_space<semaphore_mem>>)
        %dma_start3A_145 = arith.constant 1 : i32
        %dma_start3A_146 = arith.constant 0 : i32
        %dma_start3A_147 = tpu.memref_slice %arg6[%dma_start3A_145, %dma_start3A_146] : memref<4x100xi32, #tpu.memory_space<vmem>> -> memref<1x100xi32, #tpu.memory_space<vmem>>
        %dma_start3A_148 = tpu.memref_squeeze %dma_start3A_147 : memref<1x100xi32, #tpu.memory_space<vmem>> -> memref<100xi32, #tpu.memory_space<vmem>>
        %dma_start3A_149 = arith.constant 0 : i32
        %dma_start3A_150 = arith.constant 0 : i32
        %dma_start3A_151 = tpu.memref_slice %arg2[%dma_start3A_149, %dma_start3A_150] : memref<10000x48xf32, #tpu.memory_space<hbm>> -> memref<10000x48xf32, #tpu.memory_space<hbm>>
        tpu.enqueue_indirect_dma source(%dma_start3A_151 : memref<10000x48xf32, #tpu.memory_space<hbm>>) target(%arg14 : memref<100x48xf32, #tpu.memory_space<vmem>>) offsets(%dma_start3A_148 : memref<100xi32, #tpu.memory_space<vmem>>) semaphore(%arg19 : memref<!tpu.dma_semaphore, #tpu.memory_space<semaphore_mem>>)
        %dma_start3A_152 = arith.constant 2 : i32
        %dma_start3A_153 = arith.constant 0 : i32
        %dma_start3A_154 = tpu.memref_slice %arg6[%dma_start3A_152, %dma_start3A_153] : memref<4x100xi32, #tpu.memory_space<vmem>> -> memref<1x100xi32, #tpu.memory_space<vmem>>
        %dma_start3A_155 = tpu.memref_squeeze %dma_start3A_154 : memref<1x100xi32, #tpu.memory_space<vmem>> -> memref<100xi32, #tpu.memory_space<vmem>>
        %dma_start3A_156 = arith.constant 0 : i32
        %dma_start3A_157 = arith.constant 0 : i32
        %dma_start3A_158 = tpu.memref_slice %arg2[%dma_start3A_156, %dma_start3A_157] : memref<10000x48xf32, #tpu.memory_space<hbm>> -> memref<10000x48xf32, #tpu.memory_space<hbm>>
        tpu.enqueue_indirect_dma source(%dma_start3A_158 : memref<10000x48xf32, #tpu.memory_space<hbm>>) target(%arg15 : memref<100x48xf32, #tpu.memory_space<vmem>>) offsets(%dma_start3A_155 : memref<100xi32, #tpu.memory_space<vmem>>) semaphore(%arg19 : memref<!tpu.dma_semaphore, #tpu.memory_space<semaphore_mem>>)
        %dma_start3A_159 = arith.constant 3 : i32
        %dma_start3A_160 = arith.constant 0 : i32
        %dma_start3A_161 = tpu.memref_slice %arg6[%dma_start3A_159, %dma_start3A_160] : memref<4x100xi32, #tpu.memory_space<vmem>> -> memref<1x100xi32, #tpu.memory_space<vmem>>
        %dma_start3A_162 = tpu.memref_squeeze %dma_start3A_161 : memref<1x100xi32, #tpu.memory_space<vmem>> -> memref<100xi32, #tpu.memory_space<vmem>>
        %dma_start3A_163 = arith.constant 0 : i32
        %dma_start3A_164 = arith.constant 0 : i32
        %dma_start3A_165 = tpu.memref_slice %arg2[%dma_start3A_163, %dma_start3A_164] : memref<10000x48xf32, #tpu.memory_space<hbm>> -> memref<10000x48xf32, #tpu.memory_space<hbm>>
        tpu.enqueue_indirect_dma source(%dma_start3A_165 : memref<10000x48xf32, #tpu.memory_space<hbm>>) target(%arg16 : memref<100x48xf32, #tpu.memory_space<vmem>>) offsets(%dma_start3A_162 : memref<100xi32, #tpu.memory_space<vmem>>) semaphore(%arg19 : memref<!tpu.dma_semaphore, #tpu.memory_space<semaphore_mem>>)
        %ge3A = arith.constant 1 : i32
        %ge3A_166 = arith.cmpi sge, %add3A_104, %ge3A : i32
        %convert_element_type3A_167 = arith.extui %ge3A_166 : i1 to i32
        %cond3A_168 = arith.constant 0 : i32
        %cond3A_169 = arith.cmpi ne, %convert_element_type3A_167, %cond3A_168 : i32
        scf.if %cond3A_169 {
          %dma_wait3A_233 = arith.constant 0 : i32
          %dma_wait3A_234 = arith.constant 0 : i32
          %dma_wait3A_235 = tpu.memref_slice %arg7[%dma_wait3A_233, %dma_wait3A_234] : memref<4x100xi32, #tpu.memory_space<vmem>> -> memref<1x100xi32, #tpu.memory_space<vmem>>
          %dma_wait3A_236 = tpu.memref_squeeze %dma_wait3A_235 : memref<1x100xi32, #tpu.memory_space<vmem>> -> memref<100xi32, #tpu.memory_space<vmem>>
          %dma_wait3A_237 = arith.constant 0 : i32
          %dma_wait3A_238 = arith.constant 0 : i32
          %dma_wait3A_239 = tpu.memref_slice %arg17[%dma_wait3A_237, %dma_wait3A_238] : memref<10240x48xf32, #tpu.memory_space<vmem_shared>> -> memref<10240x48xf32, #tpu.memory_space<vmem_shared>>
          tpu.wait_indirect_dma semaphore(%arg20 : memref<!tpu.dma_semaphore, #tpu.memory_space<semaphore_mem>>) src(%arg9 : memref<100x48xf32, #tpu.memory_space<vmem>>) dst(%dma_wait3A_239 : memref<10240x48xf32, #tpu.memory_space<vmem_shared>>)
          %dma_wait3A_240 = arith.constant 1 : i32
          %dma_wait3A_241 = arith.constant 0 : i32
          %dma_wait3A_242 = tpu.memref_slice %arg7[%dma_wait3A_240, %dma_wait3A_241] : memref<4x100xi32, #tpu.memory_space<vmem>> -> memref<1x100xi32, #tpu.memory_space<vmem>>
          %dma_wait3A_243 = tpu.memref_squeeze %dma_wait3A_242 : memref<1x100xi32, #tpu.memory_space<vmem>> -> memref<100xi32, #tpu.memory_space<vmem>>
          %dma_wait3A_244 = arith.constant 0 : i32
          %dma_wait3A_245 = arith.constant 0 : i32
          %dma_wait3A_246 = tpu.memref_slice %arg17[%dma_wait3A_244, %dma_wait3A_245] : memref<10240x48xf32, #tpu.memory_space<vmem_shared>> -> memref<10240x48xf32, #tpu.memory_space<vmem_shared>>
          tpu.wait_indirect_dma semaphore(%arg20 : memref<!tpu.dma_semaphore, #tpu.memory_space<semaphore_mem>>) src(%arg10 : memref<100x48xf32, #tpu.memory_space<vmem>>) dst(%dma_wait3A_246 : memref<10240x48xf32, #tpu.memory_space<vmem_shared>>)
          %dma_wait3A_247 = arith.constant 2 : i32
          %dma_wait3A_248 = arith.constant 0 : i32
          %dma_wait3A_249 = tpu.memref_slice %arg7[%dma_wait3A_247, %dma_wait3A_248] : memref<4x100xi32, #tpu.memory_space<vmem>> -> memref<1x100xi32, #tpu.memory_space<vmem>>
          %dma_wait3A_250 = tpu.memref_squeeze %dma_wait3A_249 : memref<1x100xi32, #tpu.memory_space<vmem>> -> memref<100xi32, #tpu.memory_space<vmem>>
          %dma_wait3A_251 = arith.constant 0 : i32
          %dma_wait3A_252 = arith.constant 0 : i32
          %dma_wait3A_253 = tpu.memref_slice %arg17[%dma_wait3A_251, %dma_wait3A_252] : memref<10240x48xf32, #tpu.memory_space<vmem_shared>> -> memref<10240x48xf32, #tpu.memory_space<vmem_shared>>
          tpu.wait_indirect_dma semaphore(%arg20 : memref<!tpu.dma_semaphore, #tpu.memory_space<semaphore_mem>>) src(%arg11 : memref<100x48xf32, #tpu.memory_space<vmem>>) dst(%dma_wait3A_253 : memref<10240x48xf32, #tpu.memory_space<vmem_shared>>)
          %dma_wait3A_254 = arith.constant 3 : i32
          %dma_wait3A_255 = arith.constant 0 : i32
          %dma_wait3A_256 = tpu.memref_slice %arg7[%dma_wait3A_254, %dma_wait3A_255] : memref<4x100xi32, #tpu.memory_space<vmem>> -> memref<1x100xi32, #tpu.memory_space<vmem>>
          %dma_wait3A_257 = tpu.memref_squeeze %dma_wait3A_256 : memref<1x100xi32, #tpu.memory_space<vmem>> -> memref<100xi32, #tpu.memory_space<vmem>>
          %dma_wait3A_258 = arith.constant 0 : i32
          %dma_wait3A_259 = arith.constant 0 : i32
          %dma_wait3A_260 = tpu.memref_slice %arg17[%dma_wait3A_258, %dma_wait3A_259] : memref<10240x48xf32, #tpu.memory_space<vmem_shared>> -> memref<10240x48xf32, #tpu.memory_space<vmem_shared>>
          tpu.wait_indirect_dma semaphore(%arg20 : memref<!tpu.dma_semaphore, #tpu.memory_space<semaphore_mem>>) src(%arg12 : memref<100x48xf32, #tpu.memory_space<vmem>>) dst(%dma_wait3A_260 : memref<10240x48xf32, #tpu.memory_space<vmem_shared>>)
        } else {
        }
        %add3A_170 = arith.constant 1 : i32
        %add3A_171 = arith.addi %add3A_104, %add3A_170 : i32
        %lt3A_172 = arith.constant 25 : i32
        %lt3A_173 = arith.cmpi slt, %add3A_171, %lt3A_172 : i32
        %convert_element_type3A_174 = arith.extui %lt3A_173 : i1 to i32
        %cond3A_175 = arith.constant 0 : i32
        %cond3A_176 = arith.cmpi ne, %convert_element_type3A_174, %cond3A_175 : i32
        scf.if %cond3A_176 {
          %add3A_233 = arith.constant 1 : i32
          %add3A_234 = arith.addi %add3A_104, %add3A_233 : i32
          %mul3A_235 = arith.constant 100 : i32
          %mul3A_236 = arith.muli %add3A, %mul3A_235 : i32
          %mul3A_237 = arith.constant 4 : i32
          %mul3A_238 = arith.muli %add3A_234, %mul3A_237 : i32
          %add3A_239 = arith.addi %mul3A_236, %mul3A_238 : i32
          %dma_start3A_240 = arith.constant 0 : i32
          %dma_start3A_241 = arith.constant 0 : i32
          %dma_start3A_242 = tpu.memref_slice %arg3[%scan3A_53, %dma_start3A_240, %dma_start3A_241] : memref<2x3200x100xi32, #tpu.memory_space<hbm>> -> memref<1x3200x100xi32, #tpu.memory_space<hbm>>
          %dma_start3A_243 = tpu.memref_squeeze %dma_start3A_242 : memref<1x3200x100xi32, #tpu.memory_space<hbm>> -> memref<3200x100xi32, #tpu.memory_space<hbm>>
          %dma_start3A_244 = arith.constant 0 : i32
          %dma_start3A_245 = tpu.memref_slice %dma_start3A_243[%add3A_239, %dma_start3A_244] : memref<3200x100xi32, #tpu.memory_space<hbm>> -> memref<4x100xi32, #tpu.memory_space<hbm>>
          %dma_start3A_246 = arith.constant 0 : i32
          %dma_start3A_247 = arith.constant 0 : i32
          %dma_start3A_248 = tpu.memref_slice %arg3[%scan3A_53, %dma_start3A_246, %dma_start3A_247] : memref<2x3200x100xi32, #tpu.memory_space<hbm>> -> memref<1x3200x100xi32, #tpu.memory_space<hbm>>
          %dma_start3A_249 = tpu.memref_squeeze %dma_start3A_248 : memref<1x3200x100xi32, #tpu.memory_space<hbm>> -> memref<3200x100xi32, #tpu.memory_space<hbm>>
          %dma_start3A_250 = arith.constant 0 : i32
          %dma_start3A_251 = tpu.memref_slice %dma_start3A_249[%add3A_239, %dma_start3A_250] : memref<3200x100xi32, #tpu.memory_space<hbm>> -> memref<4x100xi32, #tpu.memory_space<hbm>>
          tpu.enqueue_dma source(%dma_start3A_251 : memref<4x100xi32, #tpu.memory_space<hbm>>) target(%arg5 : memref<4x100xi32, #tpu.memory_space<vmem>>) target_semaphore(%arg18 : memref<!tpu.dma_semaphore, #tpu.memory_space<semaphore_mem>>)
          %dma_start3A_252 = arith.constant 0 : i32
          %dma_start3A_253 = arith.constant 0 : i32
          %dma_start3A_254 = tpu.memref_slice %arg3[%scan3A_54, %dma_start3A_252, %dma_start3A_253] : memref<2x3200x100xi32, #tpu.memory_space<hbm>> -> memref<1x3200x100xi32, #tpu.memory_space<hbm>>
          %dma_start3A_255 = tpu.memref_squeeze %dma_start3A_254 : memref<1x3200x100xi32, #tpu.memory_space<hbm>> -> memref<3200x100xi32, #tpu.memory_space<hbm>>
          %dma_start3A_256 = arith.constant 0 : i32
          %dma_start3A_257 = tpu.memref_slice %dma_start3A_255[%add3A_239, %dma_start3A_256] : memref<3200x100xi32, #tpu.memory_space<hbm>> -> memref<4x100xi32, #tpu.memory_space<hbm>>
          %dma_start3A_258 = arith.constant 0 : i32
          %dma_start3A_259 = arith.constant 0 : i32
          %dma_start3A_260 = tpu.memref_slice %arg3[%scan3A_54, %dma_start3A_258, %dma_start3A_259] : memref<2x3200x100xi32, #tpu.memory_space<hbm>> -> memref<1x3200x100xi32, #tpu.memory_space<hbm>>
          %dma_start3A_261 = tpu.memref_squeeze %dma_start3A_260 : memref<1x3200x100xi32, #tpu.memory_space<hbm>> -> memref<3200x100xi32, #tpu.memory_space<hbm>>
          %dma_start3A_262 = arith.constant 0 : i32
          %dma_start3A_263 = tpu.memref_slice %dma_start3A_261[%add3A_239, %dma_start3A_262] : memref<3200x100xi32, #tpu.memory_space<hbm>> -> memref<4x100xi32, #tpu.memory_space<hbm>>
          tpu.enqueue_dma source(%dma_start3A_263 : memref<4x100xi32, #tpu.memory_space<hbm>>) target(%arg7 : memref<4x100xi32, #tpu.memory_space<vmem>>) target_semaphore(%arg18 : memref<!tpu.dma_semaphore, #tpu.memory_space<semaphore_mem>>)
        } else {
        }
        %dma_wait3A_177 = arith.constant 0 : i32
        %dma_wait3A_178 = arith.constant 0 : i32
        %dma_wait3A_179 = tpu.memref_slice %arg6[%dma_wait3A_177, %dma_wait3A_178] : memref<4x100xi32, #tpu.memory_space<vmem>> -> memref<1x100xi32, #tpu.memory_space<vmem>>
        %dma_wait3A_180 = tpu.memref_squeeze %dma_wait3A_179 : memref<1x100xi32, #tpu.memory_space<vmem>> -> memref<100xi32, #tpu.memory_space<vmem>>
        %dma_wait3A_181 = arith.constant 0 : i32
        %dma_wait3A_182 = arith.constant 0 : i32
        %dma_wait3A_183 = tpu.memref_slice %arg2[%dma_wait3A_181, %dma_wait3A_182] : memref<10000x48xf32, #tpu.memory_space<hbm>> -> memref<10000x48xf32, #tpu.memory_space<hbm>>
        tpu.wait_indirect_dma semaphore(%arg19 : memref<!tpu.dma_semaphore, #tpu.memory_space<semaphore_mem>>) src(%dma_wait3A_183 : memref<10000x48xf32, #tpu.memory_space<hbm>>) dst(%arg13 : memref<100x48xf32, #tpu.memory_space<vmem>>)
        %dma_wait3A_184 = arith.constant 1 : i32
        %dma_wait3A_185 = arith.constant 0 : i32
        %dma_wait3A_186 = tpu.memref_slice %arg6[%dma_wait3A_184, %dma_wait3A_185] : memref<4x100xi32, #tpu.memory_space<vmem>> -> memref<1x100xi32, #tpu.memory_space<vmem>>
        %dma_wait3A_187 = tpu.memref_squeeze %dma_wait3A_186 : memref<1x100xi32, #tpu.memory_space<vmem>> -> memref<100xi32, #tpu.memory_space<vmem>>
        %dma_wait3A_188 = arith.constant 0 : i32
        %dma_wait3A_189 = arith.constant 0 : i32
        %dma_wait3A_190 = tpu.memref_slice %arg2[%dma_wait3A_188, %dma_wait3A_189] : memref<10000x48xf32, #tpu.memory_space<hbm>> -> memref<10000x48xf32, #tpu.memory_space<hbm>>
        tpu.wait_indirect_dma semaphore(%arg19 : memref<!tpu.dma_semaphore, #tpu.memory_space<semaphore_mem>>) src(%dma_wait3A_190 : memref<10000x48xf32, #tpu.memory_space<hbm>>) dst(%arg14 : memref<100x48xf32, #tpu.memory_space<vmem>>)
        %dma_wait3A_191 = arith.constant 2 : i32
        %dma_wait3A_192 = arith.constant 0 : i32
        %dma_wait3A_193 = tpu.memref_slice %arg6[%dma_wait3A_191, %dma_wait3A_192] : memref<4x100xi32, #tpu.memory_space<vmem>> -> memref<1x100xi32, #tpu.memory_space<vmem>>
        %dma_wait3A_194 = tpu.memref_squeeze %dma_wait3A_193 : memref<1x100xi32, #tpu.memory_space<vmem>> -> memref<100xi32, #tpu.memory_space<vmem>>
        %dma_wait3A_195 = arith.constant 0 : i32
        %dma_wait3A_196 = arith.constant 0 : i32
        %dma_wait3A_197 = tpu.memref_slice %arg2[%dma_wait3A_195, %dma_wait3A_196] : memref<10000x48xf32, #tpu.memory_space<hbm>> -> memref<10000x48xf32, #tpu.memory_space<hbm>>
        tpu.wait_indirect_dma semaphore(%arg19 : memref<!tpu.dma_semaphore, #tpu.memory_space<semaphore_mem>>) src(%dma_wait3A_197 : memref<10000x48xf32, #tpu.memory_space<hbm>>) dst(%arg15 : memref<100x48xf32, #tpu.memory_space<vmem>>)
        %dma_wait3A_198 = arith.constant 3 : i32
        %dma_wait3A_199 = arith.constant 0 : i32
        %dma_wait3A_200 = tpu.memref_slice %arg6[%dma_wait3A_198, %dma_wait3A_199] : memref<4x100xi32, #tpu.memory_space<vmem>> -> memref<1x100xi32, #tpu.memory_space<vmem>>
        %dma_wait3A_201 = tpu.memref_squeeze %dma_wait3A_200 : memref<1x100xi32, #tpu.memory_space<vmem>> -> memref<100xi32, #tpu.memory_space<vmem>>
        %dma_wait3A_202 = arith.constant 0 : i32
        %dma_wait3A_203 = arith.constant 0 : i32
        %dma_wait3A_204 = tpu.memref_slice %arg2[%dma_wait3A_202, %dma_wait3A_203] : memref<10000x48xf32, #tpu.memory_space<hbm>> -> memref<10000x48xf32, #tpu.memory_space<hbm>>
        tpu.wait_indirect_dma semaphore(%arg19 : memref<!tpu.dma_semaphore, #tpu.memory_space<semaphore_mem>>) src(%dma_wait3A_204 : memref<10000x48xf32, #tpu.memory_space<hbm>>) dst(%arg16 : memref<100x48xf32, #tpu.memory_space<vmem>>)
        %dma_start3A_205 = arith.constant 0 : i32
        %dma_start3A_206 = arith.constant 0 : i32
        %dma_start3A_207 = tpu.memref_slice %arg8[%dma_start3A_205, %dma_start3A_206] : memref<4x100xi32, #tpu.memory_space<vmem>> -> memref<1x100xi32, #tpu.memory_space<vmem>>
        %dma_start3A_208 = tpu.memref_squeeze %dma_start3A_207 : memref<1x100xi32, #tpu.memory_space<vmem>> -> memref<100xi32, #tpu.memory_space<vmem>>
        %dma_start3A_209 = arith.constant 0 : i32
        %dma_start3A_210 = arith.constant 0 : i32
        %dma_start3A_211 = tpu.memref_slice %arg17[%dma_start3A_209, %dma_start3A_210] : memref<10240x48xf32, #tpu.memory_space<vmem_shared>> -> memref<10240x48xf32, #tpu.memory_space<vmem_shared>>
        tpu.enqueue_indirect_dma source(%arg13 : memref<100x48xf32, #tpu.memory_space<vmem>>) target(%dma_start3A_211 : memref<10240x48xf32, #tpu.memory_space<vmem_shared>>) offsets(%dma_start3A_208 : memref<100xi32, #tpu.memory_space<vmem>>) semaphore(%arg20 : memref<!tpu.dma_semaphore, #tpu.memory_space<semaphore_mem>>) {add = true}
        %dma_start3A_212 = arith.constant 1 : i32
        %dma_start3A_213 = arith.constant 0 : i32
        %dma_start3A_214 = tpu.memref_slice %arg8[%dma_start3A_212, %dma_start3A_213] : memref<4x100xi32, #tpu.memory_space<vmem>> -> memref<1x100xi32, #tpu.memory_space<vmem>>
        %dma_start3A_215 = tpu.memref_squeeze %dma_start3A_214 : memref<1x100xi32, #tpu.memory_space<vmem>> -> memref<100xi32, #tpu.memory_space<vmem>>
        %dma_start3A_216 = arith.constant 0 : i32
        %dma_start3A_217 = arith.constant 0 : i32
        %dma_start3A_218 = tpu.memref_slice %arg17[%dma_start3A_216, %dma_start3A_217] : memref<10240x48xf32, #tpu.memory_space<vmem_shared>> -> memref<10240x48xf32, #tpu.memory_space<vmem_shared>>
        tpu.enqueue_indirect_dma source(%arg14 : memref<100x48xf32, #tpu.memory_space<vmem>>) target(%dma_start3A_218 : memref<10240x48xf32, #tpu.memory_space<vmem_shared>>) offsets(%dma_start3A_215 : memref<100xi32, #tpu.memory_space<vmem>>) semaphore(%arg20 : memref<!tpu.dma_semaphore, #tpu.memory_space<semaphore_mem>>) {add = true}
        %dma_start3A_219 = arith.constant 2 : i32
        %dma_start3A_220 = arith.constant 0 : i32
        %dma_start3A_221 = tpu.memref_slice %arg8[%dma_start3A_219, %dma_start3A_220] : memref<4x100xi32, #tpu.memory_space<vmem>> -> memref<1x100xi32, #tpu.memory_space<vmem>>
        %dma_start3A_222 = tpu.memref_squeeze %dma_start3A_221 : memref<1x100xi32, #tpu.memory_space<vmem>> -> memref<100xi32, #tpu.memory_space<vmem>>
        %dma_start3A_223 = arith.constant 0 : i32
        %dma_start3A_224 = arith.constant 0 : i32
        %dma_start3A_225 = tpu.memref_slice %arg17[%dma_start3A_223, %dma_start3A_224] : memref<10240x48xf32, #tpu.memory_space<vmem_shared>> -> memref<10240x48xf32, #tpu.memory_space<vmem_shared>>
        tpu.enqueue_indirect_dma source(%arg15 : memref<100x48xf32, #tpu.memory_space<vmem>>) target(%dma_start3A_225 : memref<10240x48xf32, #tpu.memory_space<vmem_shared>>) offsets(%dma_start3A_222 : memref<100xi32, #tpu.memory_space<vmem>>) semaphore(%arg20 : memref<!tpu.dma_semaphore, #tpu.memory_space<semaphore_mem>>) {add = true}
        %dma_start3A_226 = arith.constant 3 : i32
        %dma_start3A_227 = arith.constant 0 : i32
        %dma_start3A_228 = tpu.memref_slice %arg8[%dma_start3A_226, %dma_start3A_227] : memref<4x100xi32, #tpu.memory_space<vmem>> -> memref<1x100xi32, #tpu.memory_space<vmem>>
        %dma_start3A_229 = tpu.memref_squeeze %dma_start3A_228 : memref<1x100xi32, #tpu.memory_space<vmem>> -> memref<100xi32, #tpu.memory_space<vmem>>
        %dma_start3A_230 = arith.constant 0 : i32
        %dma_start3A_231 = arith.constant 0 : i32
        %dma_start3A_232 = tpu.memref_slice %arg17[%dma_start3A_230, %dma_start3A_231] : memref<10240x48xf32, #tpu.memory_space<vmem_shared>> -> memref<10240x48xf32, #tpu.memory_space<vmem_shared>>
        tpu.enqueue_indirect_dma source(%arg16 : memref<100x48xf32, #tpu.memory_space<vmem>>) target(%dma_start3A_232 : memref<10240x48xf32, #tpu.memory_space<vmem_shared>>) offsets(%dma_start3A_229 : memref<100xi32, #tpu.memory_space<vmem>>) semaphore(%arg20 : memref<!tpu.dma_semaphore, #tpu.memory_space<semaphore_mem>>) {add = true}
      } else {
      }
    }
    %scan3A_59 = arith.constant 13 : i32
    %dma_wait3A = arith.constant 0 : i32
    %dma_wait3A_60 = arith.constant 0 : i32
    %dma_wait3A_61 = tpu.memref_slice %arg7[%dma_wait3A, %dma_wait3A_60] : memref<4x100xi32, #tpu.memory_space<vmem>> -> memref<1x100xi32, #tpu.memory_space<vmem>>
    %dma_wait3A_62 = tpu.memref_squeeze %dma_wait3A_61 : memref<1x100xi32, #tpu.memory_space<vmem>> -> memref<100xi32, #tpu.memory_space<vmem>>
    %dma_wait3A_63 = arith.constant 0 : i32
    %dma_wait3A_64 = arith.constant 0 : i32
    %dma_wait3A_65 = tpu.memref_slice %arg17[%dma_wait3A_63, %dma_wait3A_64] : memref<10240x48xf32, #tpu.memory_space<vmem_shared>> -> memref<10240x48xf32, #tpu.memory_space<vmem_shared>>
    tpu.wait_indirect_dma semaphore(%arg20 : memref<!tpu.dma_semaphore, #tpu.memory_space<semaphore_mem>>) src(%arg9 : memref<100x48xf32, #tpu.memory_space<vmem>>) dst(%dma_wait3A_65 : memref<10240x48xf32, #tpu.memory_space<vmem_shared>>)
    %dma_wait3A_66 = arith.constant 1 : i32
    %dma_wait3A_67 = arith.constant 0 : i32
    %dma_wait3A_68 = tpu.memref_slice %arg7[%dma_wait3A_66, %dma_wait3A_67] : memref<4x100xi32, #tpu.memory_space<vmem>> -> memref<1x100xi32, #tpu.memory_space<vmem>>
    %dma_wait3A_69 = tpu.memref_squeeze %dma_wait3A_68 : memref<1x100xi32, #tpu.memory_space<vmem>> -> memref<100xi32, #tpu.memory_space<vmem>>
    %dma_wait3A_70 = arith.constant 0 : i32
    %dma_wait3A_71 = arith.constant 0 : i32
    %dma_wait3A_72 = tpu.memref_slice %arg17[%dma_wait3A_70, %dma_wait3A_71] : memref<10240x48xf32, #tpu.memory_space<vmem_shared>> -> memref<10240x48xf32, #tpu.memory_space<vmem_shared>>
    tpu.wait_indirect_dma semaphore(%arg20 : memref<!tpu.dma_semaphore, #tpu.memory_space<semaphore_mem>>) src(%arg10 : memref<100x48xf32, #tpu.memory_space<vmem>>) dst(%dma_wait3A_72 : memref<10240x48xf32, #tpu.memory_space<vmem_shared>>)
    %dma_wait3A_73 = arith.constant 2 : i32
    %dma_wait3A_74 = arith.constant 0 : i32
    %dma_wait3A_75 = tpu.memref_slice %arg7[%dma_wait3A_73, %dma_wait3A_74] : memref<4x100xi32, #tpu.memory_space<vmem>> -> memref<1x100xi32, #tpu.memory_space<vmem>>
    %dma_wait3A_76 = tpu.memref_squeeze %dma_wait3A_75 : memref<1x100xi32, #tpu.memory_space<vmem>> -> memref<100xi32, #tpu.memory_space<vmem>>
    %dma_wait3A_77 = arith.constant 0 : i32
    %dma_wait3A_78 = arith.constant 0 : i32
    %dma_wait3A_79 = tpu.memref_slice %arg17[%dma_wait3A_77, %dma_wait3A_78] : memref<10240x48xf32, #tpu.memory_space<vmem_shared>> -> memref<10240x48xf32, #tpu.memory_space<vmem_shared>>
    tpu.wait_indirect_dma semaphore(%arg20 : memref<!tpu.dma_semaphore, #tpu.memory_space<semaphore_mem>>) src(%arg11 : memref<100x48xf32, #tpu.memory_space<vmem>>) dst(%dma_wait3A_79 : memref<10240x48xf32, #tpu.memory_space<vmem_shared>>)
    %dma_wait3A_80 = arith.constant 3 : i32
    %dma_wait3A_81 = arith.constant 0 : i32
    %dma_wait3A_82 = tpu.memref_slice %arg7[%dma_wait3A_80, %dma_wait3A_81] : memref<4x100xi32, #tpu.memory_space<vmem>> -> memref<1x100xi32, #tpu.memory_space<vmem>>
    %dma_wait3A_83 = tpu.memref_squeeze %dma_wait3A_82 : memref<1x100xi32, #tpu.memory_space<vmem>> -> memref<100xi32, #tpu.memory_space<vmem>>
    %dma_wait3A_84 = arith.constant 0 : i32
    %dma_wait3A_85 = arith.constant 0 : i32
    %dma_wait3A_86 = tpu.memref_slice %arg17[%dma_wait3A_84, %dma_wait3A_85] : memref<10240x48xf32, #tpu.memory_space<vmem_shared>> -> memref<10240x48xf32, #tpu.memory_space<vmem_shared>>
    tpu.wait_indirect_dma semaphore(%arg20 : memref<!tpu.dma_semaphore, #tpu.memory_space<semaphore_mem>>) src(%arg12 : memref<100x48xf32, #tpu.memory_space<vmem>>) dst(%dma_wait3A_86 : memref<10240x48xf32, #tpu.memory_space<vmem_shared>>)
    %barrier3A_87 = arith.constant 0 : index
    tpu.barrier barrier_id(%barrier3A_87)
    %mul3A_88 = arith.constant 624 : i32
    %mul3A_89 = arith.muli %arg1, %mul3A_88 : i32
    "tpu.region"() ({
      %run_scoped3A = tpu.sem_alloc : memref<!tpu.dma_semaphore, #tpu.memory_space<semaphore_mem>>
      %dma_start3A_92 = arith.constant 0 : i32
      %dma_start3A_93 = tpu.memref_slice %arg4[%arg0, %mul3A_89, %dma_start3A_92] : memref<2x10000x48xf32, #tpu.memory_space<hbm>> -> memref<1x624x48xf32, #tpu.memory_space<hbm>>
      %dma_start3A_94 = tpu.memref_squeeze %dma_start3A_93 : memref<1x624x48xf32, #tpu.memory_space<hbm>> -> memref<624x48xf32, #tpu.memory_space<hbm>>
      %dma_start3A_95 = arith.constant 0 : i32
      %dma_start3A_96 = tpu.memref_slice %arg17[%mul3A_89, %dma_start3A_95] : memref<10240x48xf32, #tpu.memory_space<vmem_shared>> -> memref<624x48xf32, #tpu.memory_space<vmem_shared>>
      tpu.enqueue_dma source(%dma_start3A_96 : memref<624x48xf32, #tpu.memory_space<vmem_shared>>) target(%dma_start3A_94 : memref<624x48xf32, #tpu.memory_space<hbm>>) target_semaphore(%run_scoped3A : memref<!tpu.dma_semaphore, #tpu.memory_space<semaphore_mem>>)
      %dma_wait3A_97 = arith.constant 0 : i32
      %dma_wait3A_98 = tpu.memref_slice %arg4[%arg0, %mul3A_89, %dma_wait3A_97] : memref<2x10000x48xf32, #tpu.memory_space<hbm>> -> memref<1x624x48xf32, #tpu.memory_space<hbm>>
      %dma_wait3A_99 = tpu.memref_squeeze %dma_wait3A_98 : memref<1x624x48xf32, #tpu.memory_space<hbm>> -> memref<624x48xf32, #tpu.memory_space<hbm>>
      %dma_wait3A_100 = arith.constant 0 : i32
      %dma_wait3A_101 = tpu.memref_slice %arg17[%mul3A_89, %dma_wait3A_100] : memref<10240x48xf32, #tpu.memory_space<vmem_shared>> -> memref<624x48xf32, #tpu.memory_space<vmem_shared>>
      tpu.wait_dma2 semaphore(%run_scoped3A : memref<!tpu.dma_semaphore, #tpu.memory_space<semaphore_mem>>) src(%dma_wait3A_101 : memref<624x48xf32, #tpu.memory_space<vmem_shared>>) dst(%dma_wait3A_99 : memref<624x48xf32, #tpu.memory_space<hbm>>)
      tpu.yield
    }) : () -> ()
    %eq3A = arith.constant 15 : i32
    %eq3A_90 = arith.cmpi eq, %arg1, %eq3A : i32
    %convert_element_type3A = arith.extui %eq3A_90 : i1 to i32
    %cond3A = arith.constant 0 : i32
    %cond3A_91 = arith.cmpi ne, %convert_element_type3A, %cond3A : i32
    scf.if %cond3A_91 {
      "tpu.region"() ({
        %run_scoped3A = tpu.sem_alloc : memref<!tpu.dma_semaphore, #tpu.memory_space<semaphore_mem>>
        %dma_start3A_92 = arith.constant 9984 : i32
        %dma_start3A_93 = arith.constant 0 : i32
        %dma_start3A_94 = tpu.memref_slice %arg4[%arg0, %dma_start3A_92, %dma_start3A_93] : memref<2x10000x48xf32, #tpu.memory_space<hbm>> -> memref<1x16x48xf32, #tpu.memory_space<hbm>>
        %dma_start3A_95 = tpu.memref_squeeze %dma_start3A_94 : memref<1x16x48xf32, #tpu.memory_space<hbm>> -> memref<16x48xf32, #tpu.memory_space<hbm>>
        %dma_start3A_96 = arith.constant 9984 : i32
        %dma_start3A_97 = arith.constant 0 : i32
        %dma_start3A_98 = tpu.memref_slice %arg17[%dma_start3A_96, %dma_start3A_97] : memref<10240x48xf32, #tpu.memory_space<vmem_shared>> -> memref<16x48xf32, #tpu.memory_space<vmem_shared>>
        tpu.enqueue_dma source(%dma_start3A_98 : memref<16x48xf32, #tpu.memory_space<vmem_shared>>) target(%dma_start3A_95 : memref<16x48xf32, #tpu.memory_space<hbm>>) target_semaphore(%run_scoped3A : memref<!tpu.dma_semaphore, #tpu.memory_space<semaphore_mem>>)
        %dma_wait3A_99 = arith.constant 9984 : i32
        %dma_wait3A_100 = arith.constant 0 : i32
        %dma_wait3A_101 = tpu.memref_slice %arg4[%arg0, %dma_wait3A_99, %dma_wait3A_100] : memref<2x10000x48xf32, #tpu.memory_space<hbm>> -> memref<1x16x48xf32, #tpu.memory_space<hbm>>
        %dma_wait3A_102 = tpu.memref_squeeze %dma_wait3A_101 : memref<1x16x48xf32, #tpu.memory_space<hbm>> -> memref<16x48xf32, #tpu.memory_space<hbm>>
        %dma_wait3A_103 = arith.constant 9984 : i32
        %dma_wait3A_104 = arith.constant 0 : i32
        %dma_wait3A_105 = tpu.memref_slice %arg17[%dma_wait3A_103, %dma_wait3A_104] : memref<10240x48xf32, #tpu.memory_space<vmem_shared>> -> memref<16x48xf32, #tpu.memory_space<vmem_shared>>
        tpu.wait_dma2 semaphore(%run_scoped3A : memref<!tpu.dma_semaphore, #tpu.memory_space<semaphore_mem>>) src(%dma_wait3A_105 : memref<16x48xf32, #tpu.memory_space<vmem_shared>>) dst(%dma_wait3A_102 : memref<16x48xf32, #tpu.memory_space<hbm>>)
        tpu.yield
      }) : () -> ()
    } else {
    }
    return
  }
}

#map = affine_map<(d0, d1) -> (0, 0)>
#map1 = affine_map<(d0, d1) -> (0, 0, 0)>
module attributes {stable_mosaic.version = 14 : i64} {
  func.func @body(%arg0: i32, %arg1: i32, %arg2: memref<10000x80xf32, #tpu.memory_space<hbm>>, %arg3: memref<2x3200x100xi32, #tpu.memory_space<hbm>>, %arg4: memref<2x10000x80xf32, #tpu.memory_space<hbm>>, %arg5: memref<4x100xi32, #tpu.memory_space<vmem>>, %arg6: memref<4x100xi32, #tpu.memory_space<vmem>>, %arg7: memref<4x100xi32, #tpu.memory_space<vmem>>, %arg8: memref<4x100xi32, #tpu.memory_space<vmem>>, %arg9: memref<100x80xf32, #tpu.memory_space<vmem>>, %arg10: memref<100x80xf32, #tpu.memory_space<vmem>>, %arg11: memref<100x80xf32, #tpu.memory_space<vmem>>, %arg12: memref<100x80xf32, #tpu.memory_space<vmem>>, %arg13: memref<100x80xf32, #tpu.memory_space<vmem>>, %arg14: memref<100x80xf32, #tpu.memory_space<vmem>>, %arg15: memref<100x80xf32, #tpu.memory_space<vmem>>, %arg16: memref<100x80xf32, #tpu.memory_space<vmem>>, %arg17: memref<10240x80xf32, #tpu.memory_space<vmem_shared>>, %arg18: memref<!tpu.dma_semaphore, #tpu.memory_space<semaphore_mem>>, %arg19: memref<!tpu.dma_semaphore, #tpu.memory_space<semaphore_mem>>, %arg20: memref<!tpu.dma_semaphore, #tpu.memory_space<semaphore_mem>>) attributes {dimension_semantics = [#tpu.dimension_semantics<core_parallel>, #tpu.dimension_semantics<subcore_parallel>], iteration_bounds = array<i64: 2, 16>, scalar_prefetch = 0 : i64, scratch_operands = 16 : i64, tpu.core_type = #tpu.core_type<sc_vector_subcore>, window_params = [{transform_indices = #map}, {transform_indices = #map1}, {transform_indices = #map1}]} {
    %mul3A = arith.constant 16 : i32
    %mul3A_0 = arith.muli %arg0, %mul3A : i32
    %add3A = arith.addi %mul3A_0, %arg1 : i32
    %scan3A = arith.constant 0 : i32
    %scan3A_1 = arith.constant 0 : i32
    %scan3A_2 = arith.constant 100 : i32
    %scan3A_3 = arith.addi %scan3A_1, %scan3A_2 : i32
    %scan3A_4 = arith.constant 1 : i32
    scf.for %scan3A_92 = %scan3A_1 to %scan3A_3 step %scan3A_4  : i32 {
      %broadcast_in_dim3A = arith.constant 0.000000e+00 : f32
      %broadcast_in_dim3A_93 = vector.broadcast %broadcast_in_dim3A : f32 to vector<16xf32>
      %swap3A = arith.index_cast %scan3A_92 : i32 to index
      %swap3A_94 = arith.constant 0 : index
      %swap3A_95 = tpu.vector_load %arg9[%swap3A, %swap3A_94] {strides = array<i32>} : memref<100x80xf32, #tpu.memory_space<vmem>>, vector<1x16xf32>,
      %swap3A_96 = vector.shape_cast %swap3A_95 : vector<1x16xf32> to vector<16xf32>
      %swap3A_97 = vector.shape_cast %broadcast_in_dim3A_93 : vector<16xf32> to vector<1x16xf32>
      tpu.vector_store %arg9[%swap3A, %swap3A_94], %swap3A_97 {strides = array<i32>} : memref<100x80xf32, #tpu.memory_space<vmem>>, vector<1x16xf32>,
      %broadcast_in_dim3A_98 = arith.constant 0.000000e+00 : f32
      %broadcast_in_dim3A_99 = vector.broadcast %broadcast_in_dim3A_98 : f32 to vector<16xf32>
      %swap3A_100 = arith.index_cast %scan3A_92 : i32 to index
      %swap3A_101 = arith.constant 16 : index
      %swap3A_102 = tpu.vector_load %arg9[%swap3A_100, %swap3A_101] {strides = array<i32>} : memref<100x80xf32, #tpu.memory_space<vmem>>, vector<1x16xf32>,
      %swap3A_103 = vector.shape_cast %swap3A_102 : vector<1x16xf32> to vector<16xf32>
      %swap3A_104 = vector.shape_cast %broadcast_in_dim3A_99 : vector<16xf32> to vector<1x16xf32>
      tpu.vector_store %arg9[%swap3A_100, %swap3A_101], %swap3A_104 {strides = array<i32>} : memref<100x80xf32, #tpu.memory_space<vmem>>, vector<1x16xf32>,
      %broadcast_in_dim3A_105 = arith.constant 0.000000e+00 : f32
      %broadcast_in_dim3A_106 = vector.broadcast %broadcast_in_dim3A_105 : f32 to vector<16xf32>
      %swap3A_107 = arith.index_cast %scan3A_92 : i32 to index
      %swap3A_108 = arith.constant 32 : index
      %swap3A_109 = tpu.vector_load %arg9[%swap3A_107, %swap3A_108] {strides = array<i32>} : memref<100x80xf32, #tpu.memory_space<vmem>>, vector<1x16xf32>,
      %swap3A_110 = vector.shape_cast %swap3A_109 : vector<1x16xf32> to vector<16xf32>
      %swap3A_111 = vector.shape_cast %broadcast_in_dim3A_106 : vector<16xf32> to vector<1x16xf32>
      tpu.vector_store %arg9[%swap3A_107, %swap3A_108], %swap3A_111 {strides = array<i32>} : memref<100x80xf32, #tpu.memory_space<vmem>>, vector<1x16xf32>,
      %broadcast_in_dim3A_112 = arith.constant 0.000000e+00 : f32
      %broadcast_in_dim3A_113 = vector.broadcast %broadcast_in_dim3A_112 : f32 to vector<16xf32>
      %swap3A_114 = arith.index_cast %scan3A_92 : i32 to index
      %swap3A_115 = arith.constant 48 : index
      %swap3A_116 = tpu.vector_load %arg9[%swap3A_114, %swap3A_115] {strides = array<i32>} : memref<100x80xf32, #tpu.memory_space<vmem>>, vector<1x16xf32>,
      %swap3A_117 = vector.shape_cast %swap3A_116 : vector<1x16xf32> to vector<16xf32>
      %swap3A_118 = vector.shape_cast %broadcast_in_dim3A_113 : vector<16xf32> to vector<1x16xf32>
      tpu.vector_store %arg9[%swap3A_114, %swap3A_115], %swap3A_118 {strides = array<i32>} : memref<100x80xf32, #tpu.memory_space<vmem>>, vector<1x16xf32>,
      %broadcast_in_dim3A_119 = arith.constant 0.000000e+00 : f32
      %broadcast_in_dim3A_120 = vector.broadcast %broadcast_in_dim3A_119 : f32 to vector<16xf32>
      %swap3A_121 = arith.index_cast %scan3A_92 : i32 to index
      %swap3A_122 = arith.constant 64 : index
      %swap3A_123 = tpu.vector_load %arg9[%swap3A_121, %swap3A_122] {strides = array<i32>} : memref<100x80xf32, #tpu.memory_space<vmem>>, vector<1x16xf32>,
      %swap3A_124 = vector.shape_cast %swap3A_123 : vector<1x16xf32> to vector<16xf32>
      %swap3A_125 = vector.shape_cast %broadcast_in_dim3A_120 : vector<16xf32> to vector<1x16xf32>
      tpu.vector_store %arg9[%swap3A_121, %swap3A_122], %swap3A_125 {strides = array<i32>} : memref<100x80xf32, #tpu.memory_space<vmem>>, vector<1x16xf32>,
    }
    %scan3A_5 = arith.constant 100 : i32
    %mul3A_6 = arith.constant 640 : i32
    %mul3A_7 = arith.muli %arg1, %mul3A_6 : i32
    %add3A_8 = arith.constant 0 : i32
    %add3A_9 = arith.addi %mul3A_7, %add3A_8 : i32
    "tpu.region"() ({
      %run_scoped3A = tpu.sem_alloc : memref<!tpu.dma_semaphore, #tpu.memory_space<semaphore_mem>>
      %dma_start3A_92 = arith.constant 0 : i32
      %dma_start3A_93 = tpu.memref_slice %arg17[%add3A_9, %dma_start3A_92] : memref<10240x80xf32, #tpu.memory_space<vmem_shared>> -> memref<100x80xf32, #tpu.memory_space<vmem_shared>>
      %dma_start3A_94 = arith.constant 0 : i32
      %dma_start3A_95 = tpu.memref_slice %arg17[%add3A_9, %dma_start3A_94] : memref<10240x80xf32, #tpu.memory_space<vmem_shared>> -> memref<100x80xf32, #tpu.memory_space<vmem_shared>>
      tpu.enqueue_dma source(%arg9 : memref<100x80xf32, #tpu.memory_space<vmem>>) target(%dma_start3A_95 : memref<100x80xf32, #tpu.memory_space<vmem_shared>>) target_semaphore(%run_scoped3A : memref<!tpu.dma_semaphore, #tpu.memory_space<semaphore_mem>>)
      %dma_wait3A_96 = arith.constant 0 : i32
      %dma_wait3A_97 = tpu.memref_slice %arg17[%add3A_9, %dma_wait3A_96] : memref<10240x80xf32, #tpu.memory_space<vmem_shared>> -> memref<100x80xf32, #tpu.memory_space<vmem_shared>>
      %dma_wait3A_98 = arith.constant 0 : i32
      %dma_wait3A_99 = tpu.memref_slice %arg17[%add3A_9, %dma_wait3A_98] : memref<10240x80xf32, #tpu.memory_space<vmem_shared>> -> memref<100x80xf32, #tpu.memory_space<vmem_shared>>
      tpu.wait_dma2 semaphore(%run_scoped3A : memref<!tpu.dma_semaphore, #tpu.memory_space<semaphore_mem>>) src(%arg9 : memref<100x80xf32, #tpu.memory_space<vmem>>) dst(%dma_wait3A_99 : memref<100x80xf32, #tpu.memory_space<vmem_shared>>)
      tpu.yield
    }) : () -> ()
    %add3A_10 = arith.constant 100 : i32
    %add3A_11 = arith.addi %mul3A_7, %add3A_10 : i32
    "tpu.region"() ({
      %run_scoped3A = tpu.sem_alloc : memref<!tpu.dma_semaphore, #tpu.memory_space<semaphore_mem>>
      %dma_start3A_92 = arith.constant 0 : i32
      %dma_start3A_93 = tpu.memref_slice %arg17[%add3A_11, %dma_start3A_92] : memref<10240x80xf32, #tpu.memory_space<vmem_shared>> -> memref<100x80xf32, #tpu.memory_space<vmem_shared>>
      %dma_start3A_94 = arith.constant 0 : i32
      %dma_start3A_95 = tpu.memref_slice %arg17[%add3A_11, %dma_start3A_94] : memref<10240x80xf32, #tpu.memory_space<vmem_shared>> -> memref<100x80xf32, #tpu.memory_space<vmem_shared>>
      tpu.enqueue_dma source(%arg9 : memref<100x80xf32, #tpu.memory_space<vmem>>) target(%dma_start3A_95 : memref<100x80xf32, #tpu.memory_space<vmem_shared>>) target_semaphore(%run_scoped3A : memref<!tpu.dma_semaphore, #tpu.memory_space<semaphore_mem>>)
      %dma_wait3A_96 = arith.constant 0 : i32
      %dma_wait3A_97 = tpu.memref_slice %arg17[%add3A_11, %dma_wait3A_96] : memref<10240x80xf32, #tpu.memory_space<vmem_shared>> -> memref<100x80xf32, #tpu.memory_space<vmem_shared>>
      %dma_wait3A_98 = arith.constant 0 : i32
      %dma_wait3A_99 = tpu.memref_slice %arg17[%add3A_11, %dma_wait3A_98] : memref<10240x80xf32, #tpu.memory_space<vmem_shared>> -> memref<100x80xf32, #tpu.memory_space<vmem_shared>>
      tpu.wait_dma2 semaphore(%run_scoped3A : memref<!tpu.dma_semaphore, #tpu.memory_space<semaphore_mem>>) src(%arg9 : memref<100x80xf32, #tpu.memory_space<vmem>>) dst(%dma_wait3A_99 : memref<100x80xf32, #tpu.memory_space<vmem_shared>>)
      tpu.yield
    }) : () -> ()
    %add3A_12 = arith.constant 200 : i32
    %add3A_13 = arith.addi %mul3A_7, %add3A_12 : i32
    "tpu.region"() ({
      %run_scoped3A = tpu.sem_alloc : memref<!tpu.dma_semaphore, #tpu.memory_space<semaphore_mem>>
      %dma_start3A_92 = arith.constant 0 : i32
      %dma_start3A_93 = tpu.memref_slice %arg17[%add3A_13, %dma_start3A_92] : memref<10240x80xf32, #tpu.memory_space<vmem_shared>> -> memref<100x80xf32, #tpu.memory_space<vmem_shared>>
      %dma_start3A_94 = arith.constant 0 : i32
      %dma_start3A_95 = tpu.memref_slice %arg17[%add3A_13, %dma_start3A_94] : memref<10240x80xf32, #tpu.memory_space<vmem_shared>> -> memref<100x80xf32, #tpu.memory_space<vmem_shared>>
      tpu.enqueue_dma source(%arg9 : memref<100x80xf32, #tpu.memory_space<vmem>>) target(%dma_start3A_95 : memref<100x80xf32, #tpu.memory_space<vmem_shared>>) target_semaphore(%run_scoped3A : memref<!tpu.dma_semaphore, #tpu.memory_space<semaphore_mem>>)
      %dma_wait3A_96 = arith.constant 0 : i32
      %dma_wait3A_97 = tpu.memref_slice %arg17[%add3A_13, %dma_wait3A_96] : memref<10240x80xf32, #tpu.memory_space<vmem_shared>> -> memref<100x80xf32, #tpu.memory_space<vmem_shared>>
      %dma_wait3A_98 = arith.constant 0 : i32
      %dma_wait3A_99 = tpu.memref_slice %arg17[%add3A_13, %dma_wait3A_98] : memref<10240x80xf32, #tpu.memory_space<vmem_shared>> -> memref<100x80xf32, #tpu.memory_space<vmem_shared>>
      tpu.wait_dma2 semaphore(%run_scoped3A : memref<!tpu.dma_semaphore, #tpu.memory_space<semaphore_mem>>) src(%arg9 : memref<100x80xf32, #tpu.memory_space<vmem>>) dst(%dma_wait3A_99 : memref<100x80xf32, #tpu.memory_space<vmem_shared>>)
      tpu.yield
    }) : () -> ()
    %add3A_14 = arith.constant 300 : i32
    %add3A_15 = arith.addi %mul3A_7, %add3A_14 : i32
    "tpu.region"() ({
      %run_scoped3A = tpu.sem_alloc : memref<!tpu.dma_semaphore, #tpu.memory_space<semaphore_mem>>
      %dma_start3A_92 = arith.constant 0 : i32
      %dma_start3A_93 = tpu.memref_slice %arg17[%add3A_15, %dma_start3A_92] : memref<10240x80xf32, #tpu.memory_space<vmem_shared>> -> memref<100x80xf32, #tpu.memory_space<vmem_shared>>
      %dma_start3A_94 = arith.constant 0 : i32
      %dma_start3A_95 = tpu.memref_slice %arg17[%add3A_15, %dma_start3A_94] : memref<10240x80xf32, #tpu.memory_space<vmem_shared>> -> memref<100x80xf32, #tpu.memory_space<vmem_shared>>
      tpu.enqueue_dma source(%arg9 : memref<100x80xf32, #tpu.memory_space<vmem>>) target(%dma_start3A_95 : memref<100x80xf32, #tpu.memory_space<vmem_shared>>) target_semaphore(%run_scoped3A : memref<!tpu.dma_semaphore, #tpu.memory_space<semaphore_mem>>)
      %dma_wait3A_96 = arith.constant 0 : i32
      %dma_wait3A_97 = tpu.memref_slice %arg17[%add3A_15, %dma_wait3A_96] : memref<10240x80xf32, #tpu.memory_space<vmem_shared>> -> memref<100x80xf32, #tpu.memory_space<vmem_shared>>
      %dma_wait3A_98 = arith.constant 0 : i32
      %dma_wait3A_99 = tpu.memref_slice %arg17[%add3A_15, %dma_wait3A_98] : memref<10240x80xf32, #tpu.memory_space<vmem_shared>> -> memref<100x80xf32, #tpu.memory_space<vmem_shared>>
      tpu.wait_dma2 semaphore(%run_scoped3A : memref<!tpu.dma_semaphore, #tpu.memory_space<semaphore_mem>>) src(%arg9 : memref<100x80xf32, #tpu.memory_space<vmem>>) dst(%dma_wait3A_99 : memref<100x80xf32, #tpu.memory_space<vmem_shared>>)
      tpu.yield
    }) : () -> ()
    %add3A_16 = arith.constant 400 : i32
    %add3A_17 = arith.addi %mul3A_7, %add3A_16 : i32
    "tpu.region"() ({
      %run_scoped3A = tpu.sem_alloc : memref<!tpu.dma_semaphore, #tpu.memory_space<semaphore_mem>>
      %dma_start3A_92 = arith.constant 0 : i32
      %dma_start3A_93 = tpu.memref_slice %arg17[%add3A_17, %dma_start3A_92] : memref<10240x80xf32, #tpu.memory_space<vmem_shared>> -> memref<100x80xf32, #tpu.memory_space<vmem_shared>>
      %dma_start3A_94 = arith.constant 0 : i32
      %dma_start3A_95 = tpu.memref_slice %arg17[%add3A_17, %dma_start3A_94] : memref<10240x80xf32, #tpu.memory_space<vmem_shared>> -> memref<100x80xf32, #tpu.memory_space<vmem_shared>>
      tpu.enqueue_dma source(%arg9 : memref<100x80xf32, #tpu.memory_space<vmem>>) target(%dma_start3A_95 : memref<100x80xf32, #tpu.memory_space<vmem_shared>>) target_semaphore(%run_scoped3A : memref<!tpu.dma_semaphore, #tpu.memory_space<semaphore_mem>>)
      %dma_wait3A_96 = arith.constant 0 : i32
      %dma_wait3A_97 = tpu.memref_slice %arg17[%add3A_17, %dma_wait3A_96] : memref<10240x80xf32, #tpu.memory_space<vmem_shared>> -> memref<100x80xf32, #tpu.memory_space<vmem_shared>>
      %dma_wait3A_98 = arith.constant 0 : i32
      %dma_wait3A_99 = tpu.memref_slice %arg17[%add3A_17, %dma_wait3A_98] : memref<10240x80xf32, #tpu.memory_space<vmem_shared>> -> memref<100x80xf32, #tpu.memory_space<vmem_shared>>
      tpu.wait_dma2 semaphore(%run_scoped3A : memref<!tpu.dma_semaphore, #tpu.memory_space<semaphore_mem>>) src(%arg9 : memref<100x80xf32, #tpu.memory_space<vmem>>) dst(%dma_wait3A_99 : memref<100x80xf32, #tpu.memory_space<vmem_shared>>)
      tpu.yield
    }) : () -> ()
    %add3A_18 = arith.constant 500 : i32
    %add3A_19 = arith.addi %mul3A_7, %add3A_18 : i32
    "tpu.region"() ({
      %run_scoped3A = tpu.sem_alloc : memref<!tpu.dma_semaphore, #tpu.memory_space<semaphore_mem>>
      %dma_start3A_92 = arith.constant 0 : i32
      %dma_start3A_93 = tpu.memref_slice %arg17[%add3A_19, %dma_start3A_92] : memref<10240x80xf32, #tpu.memory_space<vmem_shared>> -> memref<100x80xf32, #tpu.memory_space<vmem_shared>>
      %dma_start3A_94 = arith.constant 0 : i32
      %dma_start3A_95 = tpu.memref_slice %arg17[%add3A_19, %dma_start3A_94] : memref<10240x80xf32, #tpu.memory_space<vmem_shared>> -> memref<100x80xf32, #tpu.memory_space<vmem_shared>>
      tpu.enqueue_dma source(%arg9 : memref<100x80xf32, #tpu.memory_space<vmem>>) target(%dma_start3A_95 : memref<100x80xf32, #tpu.memory_space<vmem_shared>>) target_semaphore(%run_scoped3A : memref<!tpu.dma_semaphore, #tpu.memory_space<semaphore_mem>>)
      %dma_wait3A_96 = arith.constant 0 : i32
      %dma_wait3A_97 = tpu.memref_slice %arg17[%add3A_19, %dma_wait3A_96] : memref<10240x80xf32, #tpu.memory_space<vmem_shared>> -> memref<100x80xf32, #tpu.memory_space<vmem_shared>>
      %dma_wait3A_98 = arith.constant 0 : i32
      %dma_wait3A_99 = tpu.memref_slice %arg17[%add3A_19, %dma_wait3A_98] : memref<10240x80xf32, #tpu.memory_space<vmem_shared>> -> memref<100x80xf32, #tpu.memory_space<vmem_shared>>
      tpu.wait_dma2 semaphore(%run_scoped3A : memref<!tpu.dma_semaphore, #tpu.memory_space<semaphore_mem>>) src(%arg9 : memref<100x80xf32, #tpu.memory_space<vmem>>) dst(%dma_wait3A_99 : memref<100x80xf32, #tpu.memory_space<vmem_shared>>)
      tpu.yield
    }) : () -> ()
    %add3A_20 = arith.constant 640 : i32
    %add3A_21 = arith.addi %mul3A_7, %add3A_20 : i32
    %sub3A = arith.constant 40 : i32
    %sub3A_22 = arith.subi %add3A_21, %sub3A : i32
    "tpu.region"() ({
      %run_scoped3A = tpu.sem_alloc : memref<!tpu.dma_semaphore, #tpu.memory_space<semaphore_mem>>
      %dma_start3A_92 = arith.constant 0 : i32
      %dma_start3A_93 = arith.constant 0 : i32
      %dma_start3A_94 = tpu.memref_slice %arg9[%dma_start3A_92, %dma_start3A_93] : memref<100x80xf32, #tpu.memory_space<vmem>> -> memref<40x80xf32, #tpu.memory_space<vmem>>
      %dma_start3A_95 = arith.constant 0 : i32
      %dma_start3A_96 = tpu.memref_slice %arg17[%sub3A_22, %dma_start3A_95] : memref<10240x80xf32, #tpu.memory_space<vmem_shared>> -> memref<40x80xf32, #tpu.memory_space<vmem_shared>>
      %dma_start3A_97 = arith.constant 0 : i32
      %dma_start3A_98 = tpu.memref_slice %arg17[%sub3A_22, %dma_start3A_97] : memref<10240x80xf32, #tpu.memory_space<vmem_shared>> -> memref<40x80xf32, #tpu.memory_space<vmem_shared>>
      %dma_start3A_99 = arith.constant 0 : i32
      %dma_start3A_100 = arith.constant 0 : i32
      %dma_start3A_101 = tpu.memref_slice %arg9[%dma_start3A_99, %dma_start3A_100] : memref<100x80xf32, #tpu.memory_space<vmem>> -> memref<40x80xf32, #tpu.memory_space<vmem>>
      tpu.enqueue_dma source(%dma_start3A_101 : memref<40x80xf32, #tpu.memory_space<vmem>>) target(%dma_start3A_98 : memref<40x80xf32, #tpu.memory_space<vmem_shared>>) target_semaphore(%run_scoped3A : memref<!tpu.dma_semaphore, #tpu.memory_space<semaphore_mem>>)
      %dma_wait3A_102 = arith.constant 0 : i32
      %dma_wait3A_103 = arith.constant 0 : i32
      %dma_wait3A_104 = tpu.memref_slice %arg9[%dma_wait3A_102, %dma_wait3A_103] : memref<100x80xf32, #tpu.memory_space<vmem>> -> memref<40x80xf32, #tpu.memory_space<vmem>>
      %dma_wait3A_105 = arith.constant 0 : i32
      %dma_wait3A_106 = tpu.memref_slice %arg17[%sub3A_22, %dma_wait3A_105] : memref<10240x80xf32, #tpu.memory_space<vmem_shared>> -> memref<40x80xf32, #tpu.memory_space<vmem_shared>>
      %dma_wait3A_107 = arith.constant 0 : i32
      %dma_wait3A_108 = tpu.memref_slice %arg17[%sub3A_22, %dma_wait3A_107] : memref<10240x80xf32, #tpu.memory_space<vmem_shared>> -> memref<40x80xf32, #tpu.memory_space<vmem_shared>>
      %dma_wait3A_109 = arith.constant 0 : i32
      %dma_wait3A_110 = arith.constant 0 : i32
      %dma_wait3A_111 = tpu.memref_slice %arg9[%dma_wait3A_109, %dma_wait3A_110] : memref<100x80xf32, #tpu.memory_space<vmem>> -> memref<40x80xf32, #tpu.memory_space<vmem>>
      tpu.wait_dma2 semaphore(%run_scoped3A : memref<!tpu.dma_semaphore, #tpu.memory_space<semaphore_mem>>) src(%dma_wait3A_111 : memref<40x80xf32, #tpu.memory_space<vmem>>) dst(%dma_wait3A_108 : memref<40x80xf32, #tpu.memory_space<vmem_shared>>)
      tpu.yield
    }) : () -> ()
    %barrier3A = arith.constant 0 : index
    tpu.barrier barrier_id(%barrier3A)
    %mul3A_23 = arith.constant 100 : i32
    %mul3A_24 = arith.muli %add3A, %mul3A_23 : i32
    %add3A_25 = arith.constant 0 : i32
    %add3A_26 = arith.addi %mul3A_24, %add3A_25 : i32
    %dma_start3A = arith.constant 0 : i32
    %dma_start3A_27 = arith.constant 0 : i32
    %dma_start3A_28 = arith.constant 0 : i32
    %dma_start3A_29 = tpu.memref_slice %arg3[%dma_start3A, %dma_start3A_27, %dma_start3A_28] : memref<2x3200x100xi32, #tpu.memory_space<hbm>> -> memref<1x3200x100xi32, #tpu.memory_space<hbm>>
    %dma_start3A_30 = tpu.memref_squeeze %dma_start3A_29 : memref<1x3200x100xi32, #tpu.memory_space<hbm>> -> memref<3200x100xi32, #tpu.memory_space<hbm>>
    %dma_start3A_31 = arith.constant 0 : i32
    %dma_start3A_32 = tpu.memref_slice %dma_start3A_30[%add3A_26, %dma_start3A_31] : memref<3200x100xi32, #tpu.memory_space<hbm>> -> memref<4x100xi32, #tpu.memory_space<hbm>>
    %dma_start3A_33 = arith.constant 0 : i32
    %dma_start3A_34 = arith.constant 0 : i32
    %dma_start3A_35 = tpu.memref_slice %arg3[%dma_start3A, %dma_start3A_33, %dma_start3A_34] : memref<2x3200x100xi32, #tpu.memory_space<hbm>> -> memref<1x3200x100xi32, #tpu.memory_space<hbm>>
    %dma_start3A_36 = tpu.memref_squeeze %dma_start3A_35 : memref<1x3200x100xi32, #tpu.memory_space<hbm>> -> memref<3200x100xi32, #tpu.memory_space<hbm>>
    %dma_start3A_37 = arith.constant 0 : i32
    %dma_start3A_38 = tpu.memref_slice %dma_start3A_36[%add3A_26, %dma_start3A_37] : memref<3200x100xi32, #tpu.memory_space<hbm>> -> memref<4x100xi32, #tpu.memory_space<hbm>>
    tpu.enqueue_dma source(%dma_start3A_38 : memref<4x100xi32, #tpu.memory_space<hbm>>) target(%arg5 : memref<4x100xi32, #tpu.memory_space<vmem>>) target_semaphore(%arg18 : memref<!tpu.dma_semaphore, #tpu.memory_space<semaphore_mem>>)
    %dma_start3A_39 = arith.constant 1 : i32
    %dma_start3A_40 = arith.constant 0 : i32
    %dma_start3A_41 = arith.constant 0 : i32
    %dma_start3A_42 = tpu.memref_slice %arg3[%dma_start3A_39, %dma_start3A_40, %dma_start3A_41] : memref<2x3200x100xi32, #tpu.memory_space<hbm>> -> memref<1x3200x100xi32, #tpu.memory_space<hbm>>
    %dma_start3A_43 = tpu.memref_squeeze %dma_start3A_42 : memref<1x3200x100xi32, #tpu.memory_space<hbm>> -> memref<3200x100xi32, #tpu.memory_space<hbm>>
    %dma_start3A_44 = arith.constant 0 : i32
    %dma_start3A_45 = tpu.memref_slice %dma_start3A_43[%add3A_26, %dma_start3A_44] : memref<3200x100xi32, #tpu.memory_space<hbm>> -> memref<4x100xi32, #tpu.memory_space<hbm>>
    %dma_start3A_46 = arith.constant 0 : i32
    %dma_start3A_47 = arith.constant 0 : i32
    %dma_start3A_48 = tpu.memref_slice %arg3[%dma_start3A_39, %dma_start3A_46, %dma_start3A_47] : memref<2x3200x100xi32, #tpu.memory_space<hbm>> -> memref<1x3200x100xi32, #tpu.memory_space<hbm>>
    %dma_start3A_49 = tpu.memref_squeeze %dma_start3A_48 : memref<1x3200x100xi32, #tpu.memory_space<hbm>> -> memref<3200x100xi32, #tpu.memory_space<hbm>>
    %dma_start3A_50 = arith.constant 0 : i32
    %dma_start3A_51 = tpu.memref_slice %dma_start3A_49[%add3A_26, %dma_start3A_50] : memref<3200x100xi32, #tpu.memory_space<hbm>> -> memref<4x100xi32, #tpu.memory_space<hbm>>
    tpu.enqueue_dma source(%dma_start3A_51 : memref<4x100xi32, #tpu.memory_space<hbm>>) target(%arg7 : memref<4x100xi32, #tpu.memory_space<vmem>>) target_semaphore(%arg18 : memref<!tpu.dma_semaphore, #tpu.memory_space<semaphore_mem>>)
    %scan3A_52 = arith.constant 0 : i32
    %scan3A_53 = arith.constant 0 : i32
    %scan3A_54 = arith.constant 1 : i32
    %scan3A_55 = arith.constant 0 : i32
    %scan3A_56 = arith.constant 13 : i32
    %scan3A_57 = arith.addi %scan3A_55, %scan3A_56 : i32
    %scan3A_58 = arith.constant 1 : i32
    scf.for %scan3A_92 = %scan3A_55 to %scan3A_57 step %scan3A_58  : i32 {
      %mul3A_93 = arith.constant 2 : i32
      %mul3A_94 = arith.muli %scan3A_92, %mul3A_93 : i32
      %add3A_95 = arith.constant 0 : i32
      %add3A_96 = arith.addi %mul3A_94, %add3A_95 : i32
      %lt3A = arith.constant 25 : i32
      %lt3A_97 = arith.cmpi slt, %add3A_96, %lt3A : i32
      %convert_element_type3A_98 = arith.extui %lt3A_97 : i1 to i32
      %cond3A_99 = arith.constant 0 : i32
      %cond3A_100 = arith.cmpi ne, %convert_element_type3A_98, %cond3A_99 : i32
      scf.if %cond3A_100 {
        %dma_wait3A_110 = arith.constant 0 : i32
        %dma_wait3A_111 = arith.constant 0 : i32
        %dma_wait3A_112 = tpu.memref_slice %arg3[%scan3A_53, %dma_wait3A_110, %dma_wait3A_111] : memref<2x3200x100xi32, #tpu.memory_space<hbm>> -> memref<1x3200x100xi32, #tpu.memory_space<hbm>>
        %dma_wait3A_113 = tpu.memref_squeeze %dma_wait3A_112 : memref<1x3200x100xi32, #tpu.memory_space<hbm>> -> memref<3200x100xi32, #tpu.memory_space<hbm>>
        %dma_wait3A_114 = arith.constant 0 : i32
        %dma_wait3A_115 = arith.constant 0 : i32
        %dma_wait3A_116 = tpu.memref_slice %dma_wait3A_113[%dma_wait3A_114, %dma_wait3A_115] : memref<3200x100xi32, #tpu.memory_space<hbm>> -> memref<4x100xi32, #tpu.memory_space<hbm>>
        %dma_wait3A_117 = arith.constant 0 : i32
        %dma_wait3A_118 = arith.constant 0 : i32
        %dma_wait3A_119 = tpu.memref_slice %arg3[%scan3A_53, %dma_wait3A_117, %dma_wait3A_118] : memref<2x3200x100xi32, #tpu.memory_space<hbm>> -> memref<1x3200x100xi32, #tpu.memory_space<hbm>>
        %dma_wait3A_120 = tpu.memref_squeeze %dma_wait3A_119 : memref<1x3200x100xi32, #tpu.memory_space<hbm>> -> memref<3200x100xi32, #tpu.memory_space<hbm>>
        %dma_wait3A_121 = arith.constant 0 : i32
        %dma_wait3A_122 = arith.constant 0 : i32
        %dma_wait3A_123 = tpu.memref_slice %dma_wait3A_120[%dma_wait3A_121, %dma_wait3A_122] : memref<3200x100xi32, #tpu.memory_space<hbm>> -> memref<4x100xi32, #tpu.memory_space<hbm>>
        tpu.wait_dma2 semaphore(%arg18 : memref<!tpu.dma_semaphore, #tpu.memory_space<semaphore_mem>>) src(%dma_wait3A_123 : memref<4x100xi32, #tpu.memory_space<hbm>>) dst(%arg5 : memref<4x100xi32, #tpu.memory_space<vmem>>)
        %dma_wait3A_124 = arith.constant 0 : i32
        %dma_wait3A_125 = arith.constant 0 : i32
        %dma_wait3A_126 = tpu.memref_slice %arg3[%scan3A_54, %dma_wait3A_124, %dma_wait3A_125] : memref<2x3200x100xi32, #tpu.memory_space<hbm>> -> memref<1x3200x100xi32, #tpu.memory_space<hbm>>
        %dma_wait3A_127 = tpu.memref_squeeze %dma_wait3A_126 : memref<1x3200x100xi32, #tpu.memory_space<hbm>> -> memref<3200x100xi32, #tpu.memory_space<hbm>>
        %dma_wait3A_128 = arith.constant 0 : i32
        %dma_wait3A_129 = arith.constant 0 : i32
        %dma_wait3A_130 = tpu.memref_slice %dma_wait3A_127[%dma_wait3A_128, %dma_wait3A_129] : memref<3200x100xi32, #tpu.memory_space<hbm>> -> memref<4x100xi32, #tpu.memory_space<hbm>>
        %dma_wait3A_131 = arith.constant 0 : i32
        %dma_wait3A_132 = arith.constant 0 : i32
        %dma_wait3A_133 = tpu.memref_slice %arg3[%scan3A_54, %dma_wait3A_131, %dma_wait3A_132] : memref<2x3200x100xi32, #tpu.memory_space<hbm>> -> memref<1x3200x100xi32, #tpu.memory_space<hbm>>
        %dma_wait3A_134 = tpu.memref_squeeze %dma_wait3A_133 : memref<1x3200x100xi32, #tpu.memory_space<hbm>> -> memref<3200x100xi32, #tpu.memory_space<hbm>>
        %dma_wait3A_135 = arith.constant 0 : i32
        %dma_wait3A_136 = arith.constant 0 : i32
        %dma_wait3A_137 = tpu.memref_slice %dma_wait3A_134[%dma_wait3A_135, %dma_wait3A_136] : memref<3200x100xi32, #tpu.memory_space<hbm>> -> memref<4x100xi32, #tpu.memory_space<hbm>>
        tpu.wait_dma2 semaphore(%arg18 : memref<!tpu.dma_semaphore, #tpu.memory_space<semaphore_mem>>) src(%dma_wait3A_137 : memref<4x100xi32, #tpu.memory_space<hbm>>) dst(%arg7 : memref<4x100xi32, #tpu.memory_space<vmem>>)
        %dma_start3A_138 = arith.constant 0 : i32
        %dma_start3A_139 = arith.constant 0 : i32
        %dma_start3A_140 = tpu.memref_slice %arg5[%dma_start3A_138, %dma_start3A_139] : memref<4x100xi32, #tpu.memory_space<vmem>> -> memref<1x100xi32, #tpu.memory_space<vmem>>
        %dma_start3A_141 = tpu.memref_squeeze %dma_start3A_140 : memref<1x100xi32, #tpu.memory_space<vmem>> -> memref<100xi32, #tpu.memory_space<vmem>>
        %dma_start3A_142 = arith.constant 0 : i32
        %dma_start3A_143 = arith.constant 0 : i32
        %dma_start3A_144 = tpu.memref_slice %arg2[%dma_start3A_142, %dma_start3A_143] : memref<10000x80xf32, #tpu.memory_space<hbm>> -> memref<10000x80xf32, #tpu.memory_space<hbm>>
        tpu.enqueue_indirect_dma source(%dma_start3A_144 : memref<10000x80xf32, #tpu.memory_space<hbm>>) target(%arg9 : memref<100x80xf32, #tpu.memory_space<vmem>>) offsets(%dma_start3A_141 : memref<100xi32, #tpu.memory_space<vmem>>) semaphore(%arg19 : memref<!tpu.dma_semaphore, #tpu.memory_space<semaphore_mem>>)
        %dma_start3A_145 = arith.constant 1 : i32
        %dma_start3A_146 = arith.constant 0 : i32
        %dma_start3A_147 = tpu.memref_slice %arg5[%dma_start3A_145, %dma_start3A_146] : memref<4x100xi32, #tpu.memory_space<vmem>> -> memref<1x100xi32, #tpu.memory_space<vmem>>
        %dma_start3A_148 = tpu.memref_squeeze %dma_start3A_147 : memref<1x100xi32, #tpu.memory_space<vmem>> -> memref<100xi32, #tpu.memory_space<vmem>>
        %dma_start3A_149 = arith.constant 0 : i32
        %dma_start3A_150 = arith.constant 0 : i32
        %dma_start3A_151 = tpu.memref_slice %arg2[%dma_start3A_149, %dma_start3A_150] : memref<10000x80xf32, #tpu.memory_space<hbm>> -> memref<10000x80xf32, #tpu.memory_space<hbm>>
        tpu.enqueue_indirect_dma source(%dma_start3A_151 : memref<10000x80xf32, #tpu.memory_space<hbm>>) target(%arg10 : memref<100x80xf32, #tpu.memory_space<vmem>>) offsets(%dma_start3A_148 : memref<100xi32, #tpu.memory_space<vmem>>) semaphore(%arg19 : memref<!tpu.dma_semaphore, #tpu.memory_space<semaphore_mem>>)
        %dma_start3A_152 = arith.constant 2 : i32
        %dma_start3A_153 = arith.constant 0 : i32
        %dma_start3A_154 = tpu.memref_slice %arg5[%dma_start3A_152, %dma_start3A_153] : memref<4x100xi32, #tpu.memory_space<vmem>> -> memref<1x100xi32, #tpu.memory_space<vmem>>
        %dma_start3A_155 = tpu.memref_squeeze %dma_start3A_154 : memref<1x100xi32, #tpu.memory_space<vmem>> -> memref<100xi32, #tpu.memory_space<vmem>>
        %dma_start3A_156 = arith.constant 0 : i32
        %dma_start3A_157 = arith.constant 0 : i32
        %dma_start3A_158 = tpu.memref_slice %arg2[%dma_start3A_156, %dma_start3A_157] : memref<10000x80xf32, #tpu.memory_space<hbm>> -> memref<10000x80xf32, #tpu.memory_space<hbm>>
        tpu.enqueue_indirect_dma source(%dma_start3A_158 : memref<10000x80xf32, #tpu.memory_space<hbm>>) target(%arg11 : memref<100x80xf32, #tpu.memory_space<vmem>>) offsets(%dma_start3A_155 : memref<100xi32, #tpu.memory_space<vmem>>) semaphore(%arg19 : memref<!tpu.dma_semaphore, #tpu.memory_space<semaphore_mem>>)
        %dma_start3A_159 = arith.constant 3 : i32
        %dma_start3A_160 = arith.constant 0 : i32
        %dma_start3A_161 = tpu.memref_slice %arg5[%dma_start3A_159, %dma_start3A_160] : memref<4x100xi32, #tpu.memory_space<vmem>> -> memref<1x100xi32, #tpu.memory_space<vmem>>
        %dma_start3A_162 = tpu.memref_squeeze %dma_start3A_161 : memref<1x100xi32, #tpu.memory_space<vmem>> -> memref<100xi32, #tpu.memory_space<vmem>>
        %dma_start3A_163 = arith.constant 0 : i32
        %dma_start3A_164 = arith.constant 0 : i32
        %dma_start3A_165 = tpu.memref_slice %arg2[%dma_start3A_163, %dma_start3A_164] : memref<10000x80xf32, #tpu.memory_space<hbm>> -> memref<10000x80xf32, #tpu.memory_space<hbm>>
        tpu.enqueue_indirect_dma source(%dma_start3A_165 : memref<10000x80xf32, #tpu.memory_space<hbm>>) target(%arg12 : memref<100x80xf32, #tpu.memory_space<vmem>>) offsets(%dma_start3A_162 : memref<100xi32, #tpu.memory_space<vmem>>) semaphore(%arg19 : memref<!tpu.dma_semaphore, #tpu.memory_space<semaphore_mem>>)
        %ge3A = arith.constant 1 : i32
        %ge3A_166 = arith.cmpi sge, %add3A_96, %ge3A : i32
        %convert_element_type3A_167 = arith.extui %ge3A_166 : i1 to i32
        %cond3A_168 = arith.constant 0 : i32
        %cond3A_169 = arith.cmpi ne, %convert_element_type3A_167, %cond3A_168 : i32
        scf.if %cond3A_169 {
          %dma_wait3A_233 = arith.constant 0 : i32
          %dma_wait3A_234 = arith.constant 0 : i32
          %dma_wait3A_235 = tpu.memref_slice %arg8[%dma_wait3A_233, %dma_wait3A_234] : memref<4x100xi32, #tpu.memory_space<vmem>> -> memref<1x100xi32, #tpu.memory_space<vmem>>
          %dma_wait3A_236 = tpu.memref_squeeze %dma_wait3A_235 : memref<1x100xi32, #tpu.memory_space<vmem>> -> memref<100xi32, #tpu.memory_space<vmem>>
          %dma_wait3A_237 = arith.constant 0 : i32
          %dma_wait3A_238 = arith.constant 0 : i32
          %dma_wait3A_239 = tpu.memref_slice %arg17[%dma_wait3A_237, %dma_wait3A_238] : memref<10240x80xf32, #tpu.memory_space<vmem_shared>> -> memref<10240x80xf32, #tpu.memory_space<vmem_shared>>
          tpu.wait_indirect_dma semaphore(%arg20 : memref<!tpu.dma_semaphore, #tpu.memory_space<semaphore_mem>>) src(%arg13 : memref<100x80xf32, #tpu.memory_space<vmem>>) dst(%dma_wait3A_239 : memref<10240x80xf32, #tpu.memory_space<vmem_shared>>)
          %dma_wait3A_240 = arith.constant 1 : i32
          %dma_wait3A_241 = arith.constant 0 : i32
          %dma_wait3A_242 = tpu.memref_slice %arg8[%dma_wait3A_240, %dma_wait3A_241] : memref<4x100xi32, #tpu.memory_space<vmem>> -> memref<1x100xi32, #tpu.memory_space<vmem>>
          %dma_wait3A_243 = tpu.memref_squeeze %dma_wait3A_242 : memref<1x100xi32, #tpu.memory_space<vmem>> -> memref<100xi32, #tpu.memory_space<vmem>>
          %dma_wait3A_244 = arith.constant 0 : i32
          %dma_wait3A_245 = arith.constant 0 : i32
          %dma_wait3A_246 = tpu.memref_slice %arg17[%dma_wait3A_244, %dma_wait3A_245] : memref<10240x80xf32, #tpu.memory_space<vmem_shared>> -> memref<10240x80xf32, #tpu.memory_space<vmem_shared>>
          tpu.wait_indirect_dma semaphore(%arg20 : memref<!tpu.dma_semaphore, #tpu.memory_space<semaphore_mem>>) src(%arg14 : memref<100x80xf32, #tpu.memory_space<vmem>>) dst(%dma_wait3A_246 : memref<10240x80xf32, #tpu.memory_space<vmem_shared>>)
          %dma_wait3A_247 = arith.constant 2 : i32
          %dma_wait3A_248 = arith.constant 0 : i32
          %dma_wait3A_249 = tpu.memref_slice %arg8[%dma_wait3A_247, %dma_wait3A_248] : memref<4x100xi32, #tpu.memory_space<vmem>> -> memref<1x100xi32, #tpu.memory_space<vmem>>
          %dma_wait3A_250 = tpu.memref_squeeze %dma_wait3A_249 : memref<1x100xi32, #tpu.memory_space<vmem>> -> memref<100xi32, #tpu.memory_space<vmem>>
          %dma_wait3A_251 = arith.constant 0 : i32
          %dma_wait3A_252 = arith.constant 0 : i32
          %dma_wait3A_253 = tpu.memref_slice %arg17[%dma_wait3A_251, %dma_wait3A_252] : memref<10240x80xf32, #tpu.memory_space<vmem_shared>> -> memref<10240x80xf32, #tpu.memory_space<vmem_shared>>
          tpu.wait_indirect_dma semaphore(%arg20 : memref<!tpu.dma_semaphore, #tpu.memory_space<semaphore_mem>>) src(%arg15 : memref<100x80xf32, #tpu.memory_space<vmem>>) dst(%dma_wait3A_253 : memref<10240x80xf32, #tpu.memory_space<vmem_shared>>)
          %dma_wait3A_254 = arith.constant 3 : i32
          %dma_wait3A_255 = arith.constant 0 : i32
          %dma_wait3A_256 = tpu.memref_slice %arg8[%dma_wait3A_254, %dma_wait3A_255] : memref<4x100xi32, #tpu.memory_space<vmem>> -> memref<1x100xi32, #tpu.memory_space<vmem>>
          %dma_wait3A_257 = tpu.memref_squeeze %dma_wait3A_256 : memref<1x100xi32, #tpu.memory_space<vmem>> -> memref<100xi32, #tpu.memory_space<vmem>>
          %dma_wait3A_258 = arith.constant 0 : i32
          %dma_wait3A_259 = arith.constant 0 : i32
          %dma_wait3A_260 = tpu.memref_slice %arg17[%dma_wait3A_258, %dma_wait3A_259] : memref<10240x80xf32, #tpu.memory_space<vmem_shared>> -> memref<10240x80xf32, #tpu.memory_space<vmem_shared>>
          tpu.wait_indirect_dma semaphore(%arg20 : memref<!tpu.dma_semaphore, #tpu.memory_space<semaphore_mem>>) src(%arg16 : memref<100x80xf32, #tpu.memory_space<vmem>>) dst(%dma_wait3A_260 : memref<10240x80xf32, #tpu.memory_space<vmem_shared>>)
        } else {
        }
        %add3A_170 = arith.constant 1 : i32
        %add3A_171 = arith.addi %add3A_96, %add3A_170 : i32
        %lt3A_172 = arith.constant 25 : i32
        %lt3A_173 = arith.cmpi slt, %add3A_171, %lt3A_172 : i32
        %convert_element_type3A_174 = arith.extui %lt3A_173 : i1 to i32
        %cond3A_175 = arith.constant 0 : i32
        %cond3A_176 = arith.cmpi ne, %convert_element_type3A_174, %cond3A_175 : i32
        scf.if %cond3A_176 {
          %add3A_233 = arith.constant 1 : i32
          %add3A_234 = arith.addi %add3A_96, %add3A_233 : i32
          %mul3A_235 = arith.constant 100 : i32
          %mul3A_236 = arith.muli %add3A, %mul3A_235 : i32
          %mul3A_237 = arith.constant 4 : i32
          %mul3A_238 = arith.muli %add3A_234, %mul3A_237 : i32
          %add3A_239 = arith.addi %mul3A_236, %mul3A_238 : i32
          %dma_start3A_240 = arith.constant 0 : i32
          %dma_start3A_241 = arith.constant 0 : i32
          %dma_start3A_242 = tpu.memref_slice %arg3[%scan3A_53, %dma_start3A_240, %dma_start3A_241] : memref<2x3200x100xi32, #tpu.memory_space<hbm>> -> memref<1x3200x100xi32, #tpu.memory_space<hbm>>
          %dma_start3A_243 = tpu.memref_squeeze %dma_start3A_242 : memref<1x3200x100xi32, #tpu.memory_space<hbm>> -> memref<3200x100xi32, #tpu.memory_space<hbm>>
          %dma_start3A_244 = arith.constant 0 : i32
          %dma_start3A_245 = tpu.memref_slice %dma_start3A_243[%add3A_239, %dma_start3A_244] : memref<3200x100xi32, #tpu.memory_space<hbm>> -> memref<4x100xi32, #tpu.memory_space<hbm>>
          %dma_start3A_246 = arith.constant 0 : i32
          %dma_start3A_247 = arith.constant 0 : i32
          %dma_start3A_248 = tpu.memref_slice %arg3[%scan3A_53, %dma_start3A_246, %dma_start3A_247] : memref<2x3200x100xi32, #tpu.memory_space<hbm>> -> memref<1x3200x100xi32, #tpu.memory_space<hbm>>
          %dma_start3A_249 = tpu.memref_squeeze %dma_start3A_248 : memref<1x3200x100xi32, #tpu.memory_space<hbm>> -> memref<3200x100xi32, #tpu.memory_space<hbm>>
          %dma_start3A_250 = arith.constant 0 : i32
          %dma_start3A_251 = tpu.memref_slice %dma_start3A_249[%add3A_239, %dma_start3A_250] : memref<3200x100xi32, #tpu.memory_space<hbm>> -> memref<4x100xi32, #tpu.memory_space<hbm>>
          tpu.enqueue_dma source(%dma_start3A_251 : memref<4x100xi32, #tpu.memory_space<hbm>>) target(%arg6 : memref<4x100xi32, #tpu.memory_space<vmem>>) target_semaphore(%arg18 : memref<!tpu.dma_semaphore, #tpu.memory_space<semaphore_mem>>)
          %dma_start3A_252 = arith.constant 0 : i32
          %dma_start3A_253 = arith.constant 0 : i32
          %dma_start3A_254 = tpu.memref_slice %arg3[%scan3A_54, %dma_start3A_252, %dma_start3A_253] : memref<2x3200x100xi32, #tpu.memory_space<hbm>> -> memref<1x3200x100xi32, #tpu.memory_space<hbm>>
          %dma_start3A_255 = tpu.memref_squeeze %dma_start3A_254 : memref<1x3200x100xi32, #tpu.memory_space<hbm>> -> memref<3200x100xi32, #tpu.memory_space<hbm>>
          %dma_start3A_256 = arith.constant 0 : i32
          %dma_start3A_257 = tpu.memref_slice %dma_start3A_255[%add3A_239, %dma_start3A_256] : memref<3200x100xi32, #tpu.memory_space<hbm>> -> memref<4x100xi32, #tpu.memory_space<hbm>>
          %dma_start3A_258 = arith.constant 0 : i32
          %dma_start3A_259 = arith.constant 0 : i32
          %dma_start3A_260 = tpu.memref_slice %arg3[%scan3A_54, %dma_start3A_258, %dma_start3A_259] : memref<2x3200x100xi32, #tpu.memory_space<hbm>> -> memref<1x3200x100xi32, #tpu.memory_space<hbm>>
          %dma_start3A_261 = tpu.memref_squeeze %dma_start3A_260 : memref<1x3200x100xi32, #tpu.memory_space<hbm>> -> memref<3200x100xi32, #tpu.memory_space<hbm>>
          %dma_start3A_262 = arith.constant 0 : i32
          %dma_start3A_263 = tpu.memref_slice %dma_start3A_261[%add3A_239, %dma_start3A_262] : memref<3200x100xi32, #tpu.memory_space<hbm>> -> memref<4x100xi32, #tpu.memory_space<hbm>>
          tpu.enqueue_dma source(%dma_start3A_263 : memref<4x100xi32, #tpu.memory_space<hbm>>) target(%arg8 : memref<4x100xi32, #tpu.memory_space<vmem>>) target_semaphore(%arg18 : memref<!tpu.dma_semaphore, #tpu.memory_space<semaphore_mem>>)
        } else {
        }
        %dma_wait3A_177 = arith.constant 0 : i32
        %dma_wait3A_178 = arith.constant 0 : i32
        %dma_wait3A_179 = tpu.memref_slice %arg5[%dma_wait3A_177, %dma_wait3A_178] : memref<4x100xi32, #tpu.memory_space<vmem>> -> memref<1x100xi32, #tpu.memory_space<vmem>>
        %dma_wait3A_180 = tpu.memref_squeeze %dma_wait3A_179 : memref<1x100xi32, #tpu.memory_space<vmem>> -> memref<100xi32, #tpu.memory_space<vmem>>
        %dma_wait3A_181 = arith.constant 0 : i32
        %dma_wait3A_182 = arith.constant 0 : i32
        %dma_wait3A_183 = tpu.memref_slice %arg2[%dma_wait3A_181, %dma_wait3A_182] : memref<10000x80xf32, #tpu.memory_space<hbm>> -> memref<10000x80xf32, #tpu.memory_space<hbm>>
        tpu.wait_indirect_dma semaphore(%arg19 : memref<!tpu.dma_semaphore, #tpu.memory_space<semaphore_mem>>) src(%dma_wait3A_183 : memref<10000x80xf32, #tpu.memory_space<hbm>>) dst(%arg9 : memref<100x80xf32, #tpu.memory_space<vmem>>)
        %dma_wait3A_184 = arith.constant 1 : i32
        %dma_wait3A_185 = arith.constant 0 : i32
        %dma_wait3A_186 = tpu.memref_slice %arg5[%dma_wait3A_184, %dma_wait3A_185] : memref<4x100xi32, #tpu.memory_space<vmem>> -> memref<1x100xi32, #tpu.memory_space<vmem>>
        %dma_wait3A_187 = tpu.memref_squeeze %dma_wait3A_186 : memref<1x100xi32, #tpu.memory_space<vmem>> -> memref<100xi32, #tpu.memory_space<vmem>>
        %dma_wait3A_188 = arith.constant 0 : i32
        %dma_wait3A_189 = arith.constant 0 : i32
        %dma_wait3A_190 = tpu.memref_slice %arg2[%dma_wait3A_188, %dma_wait3A_189] : memref<10000x80xf32, #tpu.memory_space<hbm>> -> memref<10000x80xf32, #tpu.memory_space<hbm>>
        tpu.wait_indirect_dma semaphore(%arg19 : memref<!tpu.dma_semaphore, #tpu.memory_space<semaphore_mem>>) src(%dma_wait3A_190 : memref<10000x80xf32, #tpu.memory_space<hbm>>) dst(%arg10 : memref<100x80xf32, #tpu.memory_space<vmem>>)
        %dma_wait3A_191 = arith.constant 2 : i32
        %dma_wait3A_192 = arith.constant 0 : i32
        %dma_wait3A_193 = tpu.memref_slice %arg5[%dma_wait3A_191, %dma_wait3A_192] : memref<4x100xi32, #tpu.memory_space<vmem>> -> memref<1x100xi32, #tpu.memory_space<vmem>>
        %dma_wait3A_194 = tpu.memref_squeeze %dma_wait3A_193 : memref<1x100xi32, #tpu.memory_space<vmem>> -> memref<100xi32, #tpu.memory_space<vmem>>
        %dma_wait3A_195 = arith.constant 0 : i32
        %dma_wait3A_196 = arith.constant 0 : i32
        %dma_wait3A_197 = tpu.memref_slice %arg2[%dma_wait3A_195, %dma_wait3A_196] : memref<10000x80xf32, #tpu.memory_space<hbm>> -> memref<10000x80xf32, #tpu.memory_space<hbm>>
        tpu.wait_indirect_dma semaphore(%arg19 : memref<!tpu.dma_semaphore, #tpu.memory_space<semaphore_mem>>) src(%dma_wait3A_197 : memref<10000x80xf32, #tpu.memory_space<hbm>>) dst(%arg11 : memref<100x80xf32, #tpu.memory_space<vmem>>)
        %dma_wait3A_198 = arith.constant 3 : i32
        %dma_wait3A_199 = arith.constant 0 : i32
        %dma_wait3A_200 = tpu.memref_slice %arg5[%dma_wait3A_198, %dma_wait3A_199] : memref<4x100xi32, #tpu.memory_space<vmem>> -> memref<1x100xi32, #tpu.memory_space<vmem>>
        %dma_wait3A_201 = tpu.memref_squeeze %dma_wait3A_200 : memref<1x100xi32, #tpu.memory_space<vmem>> -> memref<100xi32, #tpu.memory_space<vmem>>
        %dma_wait3A_202 = arith.constant 0 : i32
        %dma_wait3A_203 = arith.constant 0 : i32
        %dma_wait3A_204 = tpu.memref_slice %arg2[%dma_wait3A_202, %dma_wait3A_203] : memref<10000x80xf32, #tpu.memory_space<hbm>> -> memref<10000x80xf32, #tpu.memory_space<hbm>>
        tpu.wait_indirect_dma semaphore(%arg19 : memref<!tpu.dma_semaphore, #tpu.memory_space<semaphore_mem>>) src(%dma_wait3A_204 : memref<10000x80xf32, #tpu.memory_space<hbm>>) dst(%arg12 : memref<100x80xf32, #tpu.memory_space<vmem>>)
        %dma_start3A_205 = arith.constant 0 : i32
        %dma_start3A_206 = arith.constant 0 : i32
        %dma_start3A_207 = tpu.memref_slice %arg7[%dma_start3A_205, %dma_start3A_206] : memref<4x100xi32, #tpu.memory_space<vmem>> -> memref<1x100xi32, #tpu.memory_space<vmem>>
        %dma_start3A_208 = tpu.memref_squeeze %dma_start3A_207 : memref<1x100xi32, #tpu.memory_space<vmem>> -> memref<100xi32, #tpu.memory_space<vmem>>
        %dma_start3A_209 = arith.constant 0 : i32
        %dma_start3A_210 = arith.constant 0 : i32
        %dma_start3A_211 = tpu.memref_slice %arg17[%dma_start3A_209, %dma_start3A_210] : memref<10240x80xf32, #tpu.memory_space<vmem_shared>> -> memref<10240x80xf32, #tpu.memory_space<vmem_shared>>
        tpu.enqueue_indirect_dma source(%arg9 : memref<100x80xf32, #tpu.memory_space<vmem>>) target(%dma_start3A_211 : memref<10240x80xf32, #tpu.memory_space<vmem_shared>>) offsets(%dma_start3A_208 : memref<100xi32, #tpu.memory_space<vmem>>) semaphore(%arg20 : memref<!tpu.dma_semaphore, #tpu.memory_space<semaphore_mem>>) {add = true}
        %dma_start3A_212 = arith.constant 1 : i32
        %dma_start3A_213 = arith.constant 0 : i32
        %dma_start3A_214 = tpu.memref_slice %arg7[%dma_start3A_212, %dma_start3A_213] : memref<4x100xi32, #tpu.memory_space<vmem>> -> memref<1x100xi32, #tpu.memory_space<vmem>>
        %dma_start3A_215 = tpu.memref_squeeze %dma_start3A_214 : memref<1x100xi32, #tpu.memory_space<vmem>> -> memref<100xi32, #tpu.memory_space<vmem>>
        %dma_start3A_216 = arith.constant 0 : i32
        %dma_start3A_217 = arith.constant 0 : i32
        %dma_start3A_218 = tpu.memref_slice %arg17[%dma_start3A_216, %dma_start3A_217] : memref<10240x80xf32, #tpu.memory_space<vmem_shared>> -> memref<10240x80xf32, #tpu.memory_space<vmem_shared>>
        tpu.enqueue_indirect_dma source(%arg10 : memref<100x80xf32, #tpu.memory_space<vmem>>) target(%dma_start3A_218 : memref<10240x80xf32, #tpu.memory_space<vmem_shared>>) offsets(%dma_start3A_215 : memref<100xi32, #tpu.memory_space<vmem>>) semaphore(%arg20 : memref<!tpu.dma_semaphore, #tpu.memory_space<semaphore_mem>>) {add = true}
        %dma_start3A_219 = arith.constant 2 : i32
        %dma_start3A_220 = arith.constant 0 : i32
        %dma_start3A_221 = tpu.memref_slice %arg7[%dma_start3A_219, %dma_start3A_220] : memref<4x100xi32, #tpu.memory_space<vmem>> -> memref<1x100xi32, #tpu.memory_space<vmem>>
        %dma_start3A_222 = tpu.memref_squeeze %dma_start3A_221 : memref<1x100xi32, #tpu.memory_space<vmem>> -> memref<100xi32, #tpu.memory_space<vmem>>
        %dma_start3A_223 = arith.constant 0 : i32
        %dma_start3A_224 = arith.constant 0 : i32
        %dma_start3A_225 = tpu.memref_slice %arg17[%dma_start3A_223, %dma_start3A_224] : memref<10240x80xf32, #tpu.memory_space<vmem_shared>> -> memref<10240x80xf32, #tpu.memory_space<vmem_shared>>
        tpu.enqueue_indirect_dma source(%arg11 : memref<100x80xf32, #tpu.memory_space<vmem>>) target(%dma_start3A_225 : memref<10240x80xf32, #tpu.memory_space<vmem_shared>>) offsets(%dma_start3A_222 : memref<100xi32, #tpu.memory_space<vmem>>) semaphore(%arg20 : memref<!tpu.dma_semaphore, #tpu.memory_space<semaphore_mem>>) {add = true}
        %dma_start3A_226 = arith.constant 3 : i32
        %dma_start3A_227 = arith.constant 0 : i32
        %dma_start3A_228 = tpu.memref_slice %arg7[%dma_start3A_226, %dma_start3A_227] : memref<4x100xi32, #tpu.memory_space<vmem>> -> memref<1x100xi32, #tpu.memory_space<vmem>>
        %dma_start3A_229 = tpu.memref_squeeze %dma_start3A_228 : memref<1x100xi32, #tpu.memory_space<vmem>> -> memref<100xi32, #tpu.memory_space<vmem>>
        %dma_start3A_230 = arith.constant 0 : i32
        %dma_start3A_231 = arith.constant 0 : i32
        %dma_start3A_232 = tpu.memref_slice %arg17[%dma_start3A_230, %dma_start3A_231] : memref<10240x80xf32, #tpu.memory_space<vmem_shared>> -> memref<10240x80xf32, #tpu.memory_space<vmem_shared>>
        tpu.enqueue_indirect_dma source(%arg12 : memref<100x80xf32, #tpu.memory_space<vmem>>) target(%dma_start3A_232 : memref<10240x80xf32, #tpu.memory_space<vmem_shared>>) offsets(%dma_start3A_229 : memref<100xi32, #tpu.memory_space<vmem>>) semaphore(%arg20 : memref<!tpu.dma_semaphore, #tpu.memory_space<semaphore_mem>>) {add = true}
      } else {
      }
      %mul3A_101 = arith.constant 2 : i32
      %mul3A_102 = arith.muli %scan3A_92, %mul3A_101 : i32
      %add3A_103 = arith.constant 1 : i32
      %add3A_104 = arith.addi %mul3A_102, %add3A_103 : i32
      %lt3A_105 = arith.constant 25 : i32
      %lt3A_106 = arith.cmpi slt, %add3A_104, %lt3A_105 : i32
      %convert_element_type3A_107 = arith.extui %lt3A_106 : i1 to i32
      %cond3A_108 = arith.constant 0 : i32
      %cond3A_109 = arith.cmpi ne, %convert_element_type3A_107, %cond3A_108 : i32
      scf.if %cond3A_109 {
        %dma_wait3A_110 = arith.constant 0 : i32
        %dma_wait3A_111 = arith.constant 0 : i32
        %dma_wait3A_112 = tpu.memref_slice %arg3[%scan3A_53, %dma_wait3A_110, %dma_wait3A_111] : memref<2x3200x100xi32, #tpu.memory_space<hbm>> -> memref<1x3200x100xi32, #tpu.memory_space<hbm>>
        %dma_wait3A_113 = tpu.memref_squeeze %dma_wait3A_112 : memref<1x3200x100xi32, #tpu.memory_space<hbm>> -> memref<3200x100xi32, #tpu.memory_space<hbm>>
        %dma_wait3A_114 = arith.constant 0 : i32
        %dma_wait3A_115 = arith.constant 0 : i32
        %dma_wait3A_116 = tpu.memref_slice %dma_wait3A_113[%dma_wait3A_114, %dma_wait3A_115] : memref<3200x100xi32, #tpu.memory_space<hbm>> -> memref<4x100xi32, #tpu.memory_space<hbm>>
        %dma_wait3A_117 = arith.constant 0 : i32
        %dma_wait3A_118 = arith.constant 0 : i32
        %dma_wait3A_119 = tpu.memref_slice %arg3[%scan3A_53, %dma_wait3A_117, %dma_wait3A_118] : memref<2x3200x100xi32, #tpu.memory_space<hbm>> -> memref<1x3200x100xi32, #tpu.memory_space<hbm>>
        %dma_wait3A_120 = tpu.memref_squeeze %dma_wait3A_119 : memref<1x3200x100xi32, #tpu.memory_space<hbm>> -> memref<3200x100xi32, #tpu.memory_space<hbm>>
        %dma_wait3A_121 = arith.constant 0 : i32
        %dma_wait3A_122 = arith.constant 0 : i32
        %dma_wait3A_123 = tpu.memref_slice %dma_wait3A_120[%dma_wait3A_121, %dma_wait3A_122] : memref<3200x100xi32, #tpu.memory_space<hbm>> -> memref<4x100xi32, #tpu.memory_space<hbm>>
        tpu.wait_dma2 semaphore(%arg18 : memref<!tpu.dma_semaphore, #tpu.memory_space<semaphore_mem>>) src(%dma_wait3A_123 : memref<4x100xi32, #tpu.memory_space<hbm>>) dst(%arg6 : memref<4x100xi32, #tpu.memory_space<vmem>>)
        %dma_wait3A_124 = arith.constant 0 : i32
        %dma_wait3A_125 = arith.constant 0 : i32
        %dma_wait3A_126 = tpu.memref_slice %arg3[%scan3A_54, %dma_wait3A_124, %dma_wait3A_125] : memref<2x3200x100xi32, #tpu.memory_space<hbm>> -> memref<1x3200x100xi32, #tpu.memory_space<hbm>>
        %dma_wait3A_127 = tpu.memref_squeeze %dma_wait3A_126 : memref<1x3200x100xi32, #tpu.memory_space<hbm>> -> memref<3200x100xi32, #tpu.memory_space<hbm>>
        %dma_wait3A_128 = arith.constant 0 : i32
        %dma_wait3A_129 = arith.constant 0 : i32
        %dma_wait3A_130 = tpu.memref_slice %dma_wait3A_127[%dma_wait3A_128, %dma_wait3A_129] : memref<3200x100xi32, #tpu.memory_space<hbm>> -> memref<4x100xi32, #tpu.memory_space<hbm>>
        %dma_wait3A_131 = arith.constant 0 : i32
        %dma_wait3A_132 = arith.constant 0 : i32
        %dma_wait3A_133 = tpu.memref_slice %arg3[%scan3A_54, %dma_wait3A_131, %dma_wait3A_132] : memref<2x3200x100xi32, #tpu.memory_space<hbm>> -> memref<1x3200x100xi32, #tpu.memory_space<hbm>>
        %dma_wait3A_134 = tpu.memref_squeeze %dma_wait3A_133 : memref<1x3200x100xi32, #tpu.memory_space<hbm>> -> memref<3200x100xi32, #tpu.memory_space<hbm>>
        %dma_wait3A_135 = arith.constant 0 : i32
        %dma_wait3A_136 = arith.constant 0 : i32
        %dma_wait3A_137 = tpu.memref_slice %dma_wait3A_134[%dma_wait3A_135, %dma_wait3A_136] : memref<3200x100xi32, #tpu.memory_space<hbm>> -> memref<4x100xi32, #tpu.memory_space<hbm>>
        tpu.wait_dma2 semaphore(%arg18 : memref<!tpu.dma_semaphore, #tpu.memory_space<semaphore_mem>>) src(%dma_wait3A_137 : memref<4x100xi32, #tpu.memory_space<hbm>>) dst(%arg8 : memref<4x100xi32, #tpu.memory_space<vmem>>)
        %dma_start3A_138 = arith.constant 0 : i32
        %dma_start3A_139 = arith.constant 0 : i32
        %dma_start3A_140 = tpu.memref_slice %arg6[%dma_start3A_138, %dma_start3A_139] : memref<4x100xi32, #tpu.memory_space<vmem>> -> memref<1x100xi32, #tpu.memory_space<vmem>>
        %dma_start3A_141 = tpu.memref_squeeze %dma_start3A_140 : memref<1x100xi32, #tpu.memory_space<vmem>> -> memref<100xi32, #tpu.memory_space<vmem>>
        %dma_start3A_142 = arith.constant 0 : i32
        %dma_start3A_143 = arith.constant 0 : i32
        %dma_start3A_144 = tpu.memref_slice %arg2[%dma_start3A_142, %dma_start3A_143] : memref<10000x80xf32, #tpu.memory_space<hbm>> -> memref<10000x80xf32, #tpu.memory_space<hbm>>
        tpu.enqueue_indirect_dma source(%dma_start3A_144 : memref<10000x80xf32, #tpu.memory_space<hbm>>) target(%arg13 : memref<100x80xf32, #tpu.memory_space<vmem>>) offsets(%dma_start3A_141 : memref<100xi32, #tpu.memory_space<vmem>>) semaphore(%arg19 : memref<!tpu.dma_semaphore, #tpu.memory_space<semaphore_mem>>)
        %dma_start3A_145 = arith.constant 1 : i32
        %dma_start3A_146 = arith.constant 0 : i32
        %dma_start3A_147 = tpu.memref_slice %arg6[%dma_start3A_145, %dma_start3A_146] : memref<4x100xi32, #tpu.memory_space<vmem>> -> memref<1x100xi32, #tpu.memory_space<vmem>>
        %dma_start3A_148 = tpu.memref_squeeze %dma_start3A_147 : memref<1x100xi32, #tpu.memory_space<vmem>> -> memref<100xi32, #tpu.memory_space<vmem>>
        %dma_start3A_149 = arith.constant 0 : i32
        %dma_start3A_150 = arith.constant 0 : i32
        %dma_start3A_151 = tpu.memref_slice %arg2[%dma_start3A_149, %dma_start3A_150] : memref<10000x80xf32, #tpu.memory_space<hbm>> -> memref<10000x80xf32, #tpu.memory_space<hbm>>
        tpu.enqueue_indirect_dma source(%dma_start3A_151 : memref<10000x80xf32, #tpu.memory_space<hbm>>) target(%arg14 : memref<100x80xf32, #tpu.memory_space<vmem>>) offsets(%dma_start3A_148 : memref<100xi32, #tpu.memory_space<vmem>>) semaphore(%arg19 : memref<!tpu.dma_semaphore, #tpu.memory_space<semaphore_mem>>)
        %dma_start3A_152 = arith.constant 2 : i32
        %dma_start3A_153 = arith.constant 0 : i32
        %dma_start3A_154 = tpu.memref_slice %arg6[%dma_start3A_152, %dma_start3A_153] : memref<4x100xi32, #tpu.memory_space<vmem>> -> memref<1x100xi32, #tpu.memory_space<vmem>>
        %dma_start3A_155 = tpu.memref_squeeze %dma_start3A_154 : memref<1x100xi32, #tpu.memory_space<vmem>> -> memref<100xi32, #tpu.memory_space<vmem>>
        %dma_start3A_156 = arith.constant 0 : i32
        %dma_start3A_157 = arith.constant 0 : i32
        %dma_start3A_158 = tpu.memref_slice %arg2[%dma_start3A_156, %dma_start3A_157] : memref<10000x80xf32, #tpu.memory_space<hbm>> -> memref<10000x80xf32, #tpu.memory_space<hbm>>
        tpu.enqueue_indirect_dma source(%dma_start3A_158 : memref<10000x80xf32, #tpu.memory_space<hbm>>) target(%arg15 : memref<100x80xf32, #tpu.memory_space<vmem>>) offsets(%dma_start3A_155 : memref<100xi32, #tpu.memory_space<vmem>>) semaphore(%arg19 : memref<!tpu.dma_semaphore, #tpu.memory_space<semaphore_mem>>)
        %dma_start3A_159 = arith.constant 3 : i32
        %dma_start3A_160 = arith.constant 0 : i32
        %dma_start3A_161 = tpu.memref_slice %arg6[%dma_start3A_159, %dma_start3A_160] : memref<4x100xi32, #tpu.memory_space<vmem>> -> memref<1x100xi32, #tpu.memory_space<vmem>>
        %dma_start3A_162 = tpu.memref_squeeze %dma_start3A_161 : memref<1x100xi32, #tpu.memory_space<vmem>> -> memref<100xi32, #tpu.memory_space<vmem>>
        %dma_start3A_163 = arith.constant 0 : i32
        %dma_start3A_164 = arith.constant 0 : i32
        %dma_start3A_165 = tpu.memref_slice %arg2[%dma_start3A_163, %dma_start3A_164] : memref<10000x80xf32, #tpu.memory_space<hbm>> -> memref<10000x80xf32, #tpu.memory_space<hbm>>
        tpu.enqueue_indirect_dma source(%dma_start3A_165 : memref<10000x80xf32, #tpu.memory_space<hbm>>) target(%arg16 : memref<100x80xf32, #tpu.memory_space<vmem>>) offsets(%dma_start3A_162 : memref<100xi32, #tpu.memory_space<vmem>>) semaphore(%arg19 : memref<!tpu.dma_semaphore, #tpu.memory_space<semaphore_mem>>)
        %ge3A = arith.constant 1 : i32
        %ge3A_166 = arith.cmpi sge, %add3A_104, %ge3A : i32
        %convert_element_type3A_167 = arith.extui %ge3A_166 : i1 to i32
        %cond3A_168 = arith.constant 0 : i32
        %cond3A_169 = arith.cmpi ne, %convert_element_type3A_167, %cond3A_168 : i32
        scf.if %cond3A_169 {
          %dma_wait3A_233 = arith.constant 0 : i32
          %dma_wait3A_234 = arith.constant 0 : i32
          %dma_wait3A_235 = tpu.memref_slice %arg7[%dma_wait3A_233, %dma_wait3A_234] : memref<4x100xi32, #tpu.memory_space<vmem>> -> memref<1x100xi32, #tpu.memory_space<vmem>>
          %dma_wait3A_236 = tpu.memref_squeeze %dma_wait3A_235 : memref<1x100xi32, #tpu.memory_space<vmem>> -> memref<100xi32, #tpu.memory_space<vmem>>
          %dma_wait3A_237 = arith.constant 0 : i32
          %dma_wait3A_238 = arith.constant 0 : i32
          %dma_wait3A_239 = tpu.memref_slice %arg17[%dma_wait3A_237, %dma_wait3A_238] : memref<10240x80xf32, #tpu.memory_space<vmem_shared>> -> memref<10240x80xf32, #tpu.memory_space<vmem_shared>>
          tpu.wait_indirect_dma semaphore(%arg20 : memref<!tpu.dma_semaphore, #tpu.memory_space<semaphore_mem>>) src(%arg9 : memref<100x80xf32, #tpu.memory_space<vmem>>) dst(%dma_wait3A_239 : memref<10240x80xf32, #tpu.memory_space<vmem_shared>>)
          %dma_wait3A_240 = arith.constant 1 : i32
          %dma_wait3A_241 = arith.constant 0 : i32
          %dma_wait3A_242 = tpu.memref_slice %arg7[%dma_wait3A_240, %dma_wait3A_241] : memref<4x100xi32, #tpu.memory_space<vmem>> -> memref<1x100xi32, #tpu.memory_space<vmem>>
          %dma_wait3A_243 = tpu.memref_squeeze %dma_wait3A_242 : memref<1x100xi32, #tpu.memory_space<vmem>> -> memref<100xi32, #tpu.memory_space<vmem>>
          %dma_wait3A_244 = arith.constant 0 : i32
          %dma_wait3A_245 = arith.constant 0 : i32
          %dma_wait3A_246 = tpu.memref_slice %arg17[%dma_wait3A_244, %dma_wait3A_245] : memref<10240x80xf32, #tpu.memory_space<vmem_shared>> -> memref<10240x80xf32, #tpu.memory_space<vmem_shared>>
          tpu.wait_indirect_dma semaphore(%arg20 : memref<!tpu.dma_semaphore, #tpu.memory_space<semaphore_mem>>) src(%arg10 : memref<100x80xf32, #tpu.memory_space<vmem>>) dst(%dma_wait3A_246 : memref<10240x80xf32, #tpu.memory_space<vmem_shared>>)
          %dma_wait3A_247 = arith.constant 2 : i32
          %dma_wait3A_248 = arith.constant 0 : i32
          %dma_wait3A_249 = tpu.memref_slice %arg7[%dma_wait3A_247, %dma_wait3A_248] : memref<4x100xi32, #tpu.memory_space<vmem>> -> memref<1x100xi32, #tpu.memory_space<vmem>>
          %dma_wait3A_250 = tpu.memref_squeeze %dma_wait3A_249 : memref<1x100xi32, #tpu.memory_space<vmem>> -> memref<100xi32, #tpu.memory_space<vmem>>
          %dma_wait3A_251 = arith.constant 0 : i32
          %dma_wait3A_252 = arith.constant 0 : i32
          %dma_wait3A_253 = tpu.memref_slice %arg17[%dma_wait3A_251, %dma_wait3A_252] : memref<10240x80xf32, #tpu.memory_space<vmem_shared>> -> memref<10240x80xf32, #tpu.memory_space<vmem_shared>>
          tpu.wait_indirect_dma semaphore(%arg20 : memref<!tpu.dma_semaphore, #tpu.memory_space<semaphore_mem>>) src(%arg11 : memref<100x80xf32, #tpu.memory_space<vmem>>) dst(%dma_wait3A_253 : memref<10240x80xf32, #tpu.memory_space<vmem_shared>>)
          %dma_wait3A_254 = arith.constant 3 : i32
          %dma_wait3A_255 = arith.constant 0 : i32
          %dma_wait3A_256 = tpu.memref_slice %arg7[%dma_wait3A_254, %dma_wait3A_255] : memref<4x100xi32, #tpu.memory_space<vmem>> -> memref<1x100xi32, #tpu.memory_space<vmem>>
          %dma_wait3A_257 = tpu.memref_squeeze %dma_wait3A_256 : memref<1x100xi32, #tpu.memory_space<vmem>> -> memref<100xi32, #tpu.memory_space<vmem>>
          %dma_wait3A_258 = arith.constant 0 : i32
          %dma_wait3A_259 = arith.constant 0 : i32
          %dma_wait3A_260 = tpu.memref_slice %arg17[%dma_wait3A_258, %dma_wait3A_259] : memref<10240x80xf32, #tpu.memory_space<vmem_shared>> -> memref<10240x80xf32, #tpu.memory_space<vmem_shared>>
          tpu.wait_indirect_dma semaphore(%arg20 : memref<!tpu.dma_semaphore, #tpu.memory_space<semaphore_mem>>) src(%arg12 : memref<100x80xf32, #tpu.memory_space<vmem>>) dst(%dma_wait3A_260 : memref<10240x80xf32, #tpu.memory_space<vmem_shared>>)
        } else {
        }
        %add3A_170 = arith.constant 1 : i32
        %add3A_171 = arith.addi %add3A_104, %add3A_170 : i32
        %lt3A_172 = arith.constant 25 : i32
        %lt3A_173 = arith.cmpi slt, %add3A_171, %lt3A_172 : i32
        %convert_element_type3A_174 = arith.extui %lt3A_173 : i1 to i32
        %cond3A_175 = arith.constant 0 : i32
        %cond3A_176 = arith.cmpi ne, %convert_element_type3A_174, %cond3A_175 : i32
        scf.if %cond3A_176 {
          %add3A_233 = arith.constant 1 : i32
          %add3A_234 = arith.addi %add3A_104, %add3A_233 : i32
          %mul3A_235 = arith.constant 100 : i32
          %mul3A_236 = arith.muli %add3A, %mul3A_235 : i32
          %mul3A_237 = arith.constant 4 : i32
          %mul3A_238 = arith.muli %add3A_234, %mul3A_237 : i32
          %add3A_239 = arith.addi %mul3A_236, %mul3A_238 : i32
          %dma_start3A_240 = arith.constant 0 : i32
          %dma_start3A_241 = arith.constant 0 : i32
          %dma_start3A_242 = tpu.memref_slice %arg3[%scan3A_53, %dma_start3A_240, %dma_start3A_241] : memref<2x3200x100xi32, #tpu.memory_space<hbm>> -> memref<1x3200x100xi32, #tpu.memory_space<hbm>>
          %dma_start3A_243 = tpu.memref_squeeze %dma_start3A_242 : memref<1x3200x100xi32, #tpu.memory_space<hbm>> -> memref<3200x100xi32, #tpu.memory_space<hbm>>
          %dma_start3A_244 = arith.constant 0 : i32
          %dma_start3A_245 = tpu.memref_slice %dma_start3A_243[%add3A_239, %dma_start3A_244] : memref<3200x100xi32, #tpu.memory_space<hbm>> -> memref<4x100xi32, #tpu.memory_space<hbm>>
          %dma_start3A_246 = arith.constant 0 : i32
          %dma_start3A_247 = arith.constant 0 : i32
          %dma_start3A_248 = tpu.memref_slice %arg3[%scan3A_53, %dma_start3A_246, %dma_start3A_247] : memref<2x3200x100xi32, #tpu.memory_space<hbm>> -> memref<1x3200x100xi32, #tpu.memory_space<hbm>>
          %dma_start3A_249 = tpu.memref_squeeze %dma_start3A_248 : memref<1x3200x100xi32, #tpu.memory_space<hbm>> -> memref<3200x100xi32, #tpu.memory_space<hbm>>
          %dma_start3A_250 = arith.constant 0 : i32
          %dma_start3A_251 = tpu.memref_slice %dma_start3A_249[%add3A_239, %dma_start3A_250] : memref<3200x100xi32, #tpu.memory_space<hbm>> -> memref<4x100xi32, #tpu.memory_space<hbm>>
          tpu.enqueue_dma source(%dma_start3A_251 : memref<4x100xi32, #tpu.memory_space<hbm>>) target(%arg5 : memref<4x100xi32, #tpu.memory_space<vmem>>) target_semaphore(%arg18 : memref<!tpu.dma_semaphore, #tpu.memory_space<semaphore_mem>>)
          %dma_start3A_252 = arith.constant 0 : i32
          %dma_start3A_253 = arith.constant 0 : i32
          %dma_start3A_254 = tpu.memref_slice %arg3[%scan3A_54, %dma_start3A_252, %dma_start3A_253] : memref<2x3200x100xi32, #tpu.memory_space<hbm>> -> memref<1x3200x100xi32, #tpu.memory_space<hbm>>
          %dma_start3A_255 = tpu.memref_squeeze %dma_start3A_254 : memref<1x3200x100xi32, #tpu.memory_space<hbm>> -> memref<3200x100xi32, #tpu.memory_space<hbm>>
          %dma_start3A_256 = arith.constant 0 : i32
          %dma_start3A_257 = tpu.memref_slice %dma_start3A_255[%add3A_239, %dma_start3A_256] : memref<3200x100xi32, #tpu.memory_space<hbm>> -> memref<4x100xi32, #tpu.memory_space<hbm>>
          %dma_start3A_258 = arith.constant 0 : i32
          %dma_start3A_259 = arith.constant 0 : i32
          %dma_start3A_260 = tpu.memref_slice %arg3[%scan3A_54, %dma_start3A_258, %dma_start3A_259] : memref<2x3200x100xi32, #tpu.memory_space<hbm>> -> memref<1x3200x100xi32, #tpu.memory_space<hbm>>
          %dma_start3A_261 = tpu.memref_squeeze %dma_start3A_260 : memref<1x3200x100xi32, #tpu.memory_space<hbm>> -> memref<3200x100xi32, #tpu.memory_space<hbm>>
          %dma_start3A_262 = arith.constant 0 : i32
          %dma_start3A_263 = tpu.memref_slice %dma_start3A_261[%add3A_239, %dma_start3A_262] : memref<3200x100xi32, #tpu.memory_space<hbm>> -> memref<4x100xi32, #tpu.memory_space<hbm>>
          tpu.enqueue_dma source(%dma_start3A_263 : memref<4x100xi32, #tpu.memory_space<hbm>>) target(%arg7 : memref<4x100xi32, #tpu.memory_space<vmem>>) target_semaphore(%arg18 : memref<!tpu.dma_semaphore, #tpu.memory_space<semaphore_mem>>)
        } else {
        }
        %dma_wait3A_177 = arith.constant 0 : i32
        %dma_wait3A_178 = arith.constant 0 : i32
        %dma_wait3A_179 = tpu.memref_slice %arg6[%dma_wait3A_177, %dma_wait3A_178] : memref<4x100xi32, #tpu.memory_space<vmem>> -> memref<1x100xi32, #tpu.memory_space<vmem>>
        %dma_wait3A_180 = tpu.memref_squeeze %dma_wait3A_179 : memref<1x100xi32, #tpu.memory_space<vmem>> -> memref<100xi32, #tpu.memory_space<vmem>>
        %dma_wait3A_181 = arith.constant 0 : i32
        %dma_wait3A_182 = arith.constant 0 : i32
        %dma_wait3A_183 = tpu.memref_slice %arg2[%dma_wait3A_181, %dma_wait3A_182] : memref<10000x80xf32, #tpu.memory_space<hbm>> -> memref<10000x80xf32, #tpu.memory_space<hbm>>
        tpu.wait_indirect_dma semaphore(%arg19 : memref<!tpu.dma_semaphore, #tpu.memory_space<semaphore_mem>>) src(%dma_wait3A_183 : memref<10000x80xf32, #tpu.memory_space<hbm>>) dst(%arg13 : memref<100x80xf32, #tpu.memory_space<vmem>>)
        %dma_wait3A_184 = arith.constant 1 : i32
        %dma_wait3A_185 = arith.constant 0 : i32
        %dma_wait3A_186 = tpu.memref_slice %arg6[%dma_wait3A_184, %dma_wait3A_185] : memref<4x100xi32, #tpu.memory_space<vmem>> -> memref<1x100xi32, #tpu.memory_space<vmem>>
        %dma_wait3A_187 = tpu.memref_squeeze %dma_wait3A_186 : memref<1x100xi32, #tpu.memory_space<vmem>> -> memref<100xi32, #tpu.memory_space<vmem>>
        %dma_wait3A_188 = arith.constant 0 : i32
        %dma_wait3A_189 = arith.constant 0 : i32
        %dma_wait3A_190 = tpu.memref_slice %arg2[%dma_wait3A_188, %dma_wait3A_189] : memref<10000x80xf32, #tpu.memory_space<hbm>> -> memref<10000x80xf32, #tpu.memory_space<hbm>>
        tpu.wait_indirect_dma semaphore(%arg19 : memref<!tpu.dma_semaphore, #tpu.memory_space<semaphore_mem>>) src(%dma_wait3A_190 : memref<10000x80xf32, #tpu.memory_space<hbm>>) dst(%arg14 : memref<100x80xf32, #tpu.memory_space<vmem>>)
        %dma_wait3A_191 = arith.constant 2 : i32
        %dma_wait3A_192 = arith.constant 0 : i32
        %dma_wait3A_193 = tpu.memref_slice %arg6[%dma_wait3A_191, %dma_wait3A_192] : memref<4x100xi32, #tpu.memory_space<vmem>> -> memref<1x100xi32, #tpu.memory_space<vmem>>
        %dma_wait3A_194 = tpu.memref_squeeze %dma_wait3A_193 : memref<1x100xi32, #tpu.memory_space<vmem>> -> memref<100xi32, #tpu.memory_space<vmem>>
        %dma_wait3A_195 = arith.constant 0 : i32
        %dma_wait3A_196 = arith.constant 0 : i32
        %dma_wait3A_197 = tpu.memref_slice %arg2[%dma_wait3A_195, %dma_wait3A_196] : memref<10000x80xf32, #tpu.memory_space<hbm>> -> memref<10000x80xf32, #tpu.memory_space<hbm>>
        tpu.wait_indirect_dma semaphore(%arg19 : memref<!tpu.dma_semaphore, #tpu.memory_space<semaphore_mem>>) src(%dma_wait3A_197 : memref<10000x80xf32, #tpu.memory_space<hbm>>) dst(%arg15 : memref<100x80xf32, #tpu.memory_space<vmem>>)
        %dma_wait3A_198 = arith.constant 3 : i32
        %dma_wait3A_199 = arith.constant 0 : i32
        %dma_wait3A_200 = tpu.memref_slice %arg6[%dma_wait3A_198, %dma_wait3A_199] : memref<4x100xi32, #tpu.memory_space<vmem>> -> memref<1x100xi32, #tpu.memory_space<vmem>>
        %dma_wait3A_201 = tpu.memref_squeeze %dma_wait3A_200 : memref<1x100xi32, #tpu.memory_space<vmem>> -> memref<100xi32, #tpu.memory_space<vmem>>
        %dma_wait3A_202 = arith.constant 0 : i32
        %dma_wait3A_203 = arith.constant 0 : i32
        %dma_wait3A_204 = tpu.memref_slice %arg2[%dma_wait3A_202, %dma_wait3A_203] : memref<10000x80xf32, #tpu.memory_space<hbm>> -> memref<10000x80xf32, #tpu.memory_space<hbm>>
        tpu.wait_indirect_dma semaphore(%arg19 : memref<!tpu.dma_semaphore, #tpu.memory_space<semaphore_mem>>) src(%dma_wait3A_204 : memref<10000x80xf32, #tpu.memory_space<hbm>>) dst(%arg16 : memref<100x80xf32, #tpu.memory_space<vmem>>)
        %dma_start3A_205 = arith.constant 0 : i32
        %dma_start3A_206 = arith.constant 0 : i32
        %dma_start3A_207 = tpu.memref_slice %arg8[%dma_start3A_205, %dma_start3A_206] : memref<4x100xi32, #tpu.memory_space<vmem>> -> memref<1x100xi32, #tpu.memory_space<vmem>>
        %dma_start3A_208 = tpu.memref_squeeze %dma_start3A_207 : memref<1x100xi32, #tpu.memory_space<vmem>> -> memref<100xi32, #tpu.memory_space<vmem>>
        %dma_start3A_209 = arith.constant 0 : i32
        %dma_start3A_210 = arith.constant 0 : i32
        %dma_start3A_211 = tpu.memref_slice %arg17[%dma_start3A_209, %dma_start3A_210] : memref<10240x80xf32, #tpu.memory_space<vmem_shared>> -> memref<10240x80xf32, #tpu.memory_space<vmem_shared>>
        tpu.enqueue_indirect_dma source(%arg13 : memref<100x80xf32, #tpu.memory_space<vmem>>) target(%dma_start3A_211 : memref<10240x80xf32, #tpu.memory_space<vmem_shared>>) offsets(%dma_start3A_208 : memref<100xi32, #tpu.memory_space<vmem>>) semaphore(%arg20 : memref<!tpu.dma_semaphore, #tpu.memory_space<semaphore_mem>>) {add = true}
        %dma_start3A_212 = arith.constant 1 : i32
        %dma_start3A_213 = arith.constant 0 : i32
        %dma_start3A_214 = tpu.memref_slice %arg8[%dma_start3A_212, %dma_start3A_213] : memref<4x100xi32, #tpu.memory_space<vmem>> -> memref<1x100xi32, #tpu.memory_space<vmem>>
        %dma_start3A_215 = tpu.memref_squeeze %dma_start3A_214 : memref<1x100xi32, #tpu.memory_space<vmem>> -> memref<100xi32, #tpu.memory_space<vmem>>
        %dma_start3A_216 = arith.constant 0 : i32
        %dma_start3A_217 = arith.constant 0 : i32
        %dma_start3A_218 = tpu.memref_slice %arg17[%dma_start3A_216, %dma_start3A_217] : memref<10240x80xf32, #tpu.memory_space<vmem_shared>> -> memref<10240x80xf32, #tpu.memory_space<vmem_shared>>
        tpu.enqueue_indirect_dma source(%arg14 : memref<100x80xf32, #tpu.memory_space<vmem>>) target(%dma_start3A_218 : memref<10240x80xf32, #tpu.memory_space<vmem_shared>>) offsets(%dma_start3A_215 : memref<100xi32, #tpu.memory_space<vmem>>) semaphore(%arg20 : memref<!tpu.dma_semaphore, #tpu.memory_space<semaphore_mem>>) {add = true}
        %dma_start3A_219 = arith.constant 2 : i32
        %dma_start3A_220 = arith.constant 0 : i32
        %dma_start3A_221 = tpu.memref_slice %arg8[%dma_start3A_219, %dma_start3A_220] : memref<4x100xi32, #tpu.memory_space<vmem>> -> memref<1x100xi32, #tpu.memory_space<vmem>>
        %dma_start3A_222 = tpu.memref_squeeze %dma_start3A_221 : memref<1x100xi32, #tpu.memory_space<vmem>> -> memref<100xi32, #tpu.memory_space<vmem>>
        %dma_start3A_223 = arith.constant 0 : i32
        %dma_start3A_224 = arith.constant 0 : i32
        %dma_start3A_225 = tpu.memref_slice %arg17[%dma_start3A_223, %dma_start3A_224] : memref<10240x80xf32, #tpu.memory_space<vmem_shared>> -> memref<10240x80xf32, #tpu.memory_space<vmem_shared>>
        tpu.enqueue_indirect_dma source(%arg15 : memref<100x80xf32, #tpu.memory_space<vmem>>) target(%dma_start3A_225 : memref<10240x80xf32, #tpu.memory_space<vmem_shared>>) offsets(%dma_start3A_222 : memref<100xi32, #tpu.memory_space<vmem>>) semaphore(%arg20 : memref<!tpu.dma_semaphore, #tpu.memory_space<semaphore_mem>>) {add = true}
        %dma_start3A_226 = arith.constant 3 : i32
        %dma_start3A_227 = arith.constant 0 : i32
        %dma_start3A_228 = tpu.memref_slice %arg8[%dma_start3A_226, %dma_start3A_227] : memref<4x100xi32, #tpu.memory_space<vmem>> -> memref<1x100xi32, #tpu.memory_space<vmem>>
        %dma_start3A_229 = tpu.memref_squeeze %dma_start3A_228 : memref<1x100xi32, #tpu.memory_space<vmem>> -> memref<100xi32, #tpu.memory_space<vmem>>
        %dma_start3A_230 = arith.constant 0 : i32
        %dma_start3A_231 = arith.constant 0 : i32
        %dma_start3A_232 = tpu.memref_slice %arg17[%dma_start3A_230, %dma_start3A_231] : memref<10240x80xf32, #tpu.memory_space<vmem_shared>> -> memref<10240x80xf32, #tpu.memory_space<vmem_shared>>
        tpu.enqueue_indirect_dma source(%arg16 : memref<100x80xf32, #tpu.memory_space<vmem>>) target(%dma_start3A_232 : memref<10240x80xf32, #tpu.memory_space<vmem_shared>>) offsets(%dma_start3A_229 : memref<100xi32, #tpu.memory_space<vmem>>) semaphore(%arg20 : memref<!tpu.dma_semaphore, #tpu.memory_space<semaphore_mem>>) {add = true}
      } else {
      }
    }
    %scan3A_59 = arith.constant 13 : i32
    %dma_wait3A = arith.constant 0 : i32
    %dma_wait3A_60 = arith.constant 0 : i32
    %dma_wait3A_61 = tpu.memref_slice %arg7[%dma_wait3A, %dma_wait3A_60] : memref<4x100xi32, #tpu.memory_space<vmem>> -> memref<1x100xi32, #tpu.memory_space<vmem>>
    %dma_wait3A_62 = tpu.memref_squeeze %dma_wait3A_61 : memref<1x100xi32, #tpu.memory_space<vmem>> -> memref<100xi32, #tpu.memory_space<vmem>>
    %dma_wait3A_63 = arith.constant 0 : i32
    %dma_wait3A_64 = arith.constant 0 : i32
    %dma_wait3A_65 = tpu.memref_slice %arg17[%dma_wait3A_63, %dma_wait3A_64] : memref<10240x80xf32, #tpu.memory_space<vmem_shared>> -> memref<10240x80xf32, #tpu.memory_space<vmem_shared>>
    tpu.wait_indirect_dma semaphore(%arg20 : memref<!tpu.dma_semaphore, #tpu.memory_space<semaphore_mem>>) src(%arg9 : memref<100x80xf32, #tpu.memory_space<vmem>>) dst(%dma_wait3A_65 : memref<10240x80xf32, #tpu.memory_space<vmem_shared>>)
    %dma_wait3A_66 = arith.constant 1 : i32
    %dma_wait3A_67 = arith.constant 0 : i32
    %dma_wait3A_68 = tpu.memref_slice %arg7[%dma_wait3A_66, %dma_wait3A_67] : memref<4x100xi32, #tpu.memory_space<vmem>> -> memref<1x100xi32, #tpu.memory_space<vmem>>
    %dma_wait3A_69 = tpu.memref_squeeze %dma_wait3A_68 : memref<1x100xi32, #tpu.memory_space<vmem>> -> memref<100xi32, #tpu.memory_space<vmem>>
    %dma_wait3A_70 = arith.constant 0 : i32
    %dma_wait3A_71 = arith.constant 0 : i32
    %dma_wait3A_72 = tpu.memref_slice %arg17[%dma_wait3A_70, %dma_wait3A_71] : memref<10240x80xf32, #tpu.memory_space<vmem_shared>> -> memref<10240x80xf32, #tpu.memory_space<vmem_shared>>
    tpu.wait_indirect_dma semaphore(%arg20 : memref<!tpu.dma_semaphore, #tpu.memory_space<semaphore_mem>>) src(%arg10 : memref<100x80xf32, #tpu.memory_space<vmem>>) dst(%dma_wait3A_72 : memref<10240x80xf32, #tpu.memory_space<vmem_shared>>)
    %dma_wait3A_73 = arith.constant 2 : i32
    %dma_wait3A_74 = arith.constant 0 : i32
    %dma_wait3A_75 = tpu.memref_slice %arg7[%dma_wait3A_73, %dma_wait3A_74] : memref<4x100xi32, #tpu.memory_space<vmem>> -> memref<1x100xi32, #tpu.memory_space<vmem>>
    %dma_wait3A_76 = tpu.memref_squeeze %dma_wait3A_75 : memref<1x100xi32, #tpu.memory_space<vmem>> -> memref<100xi32, #tpu.memory_space<vmem>>
    %dma_wait3A_77 = arith.constant 0 : i32
    %dma_wait3A_78 = arith.constant 0 : i32
    %dma_wait3A_79 = tpu.memref_slice %arg17[%dma_wait3A_77, %dma_wait3A_78] : memref<10240x80xf32, #tpu.memory_space<vmem_shared>> -> memref<10240x80xf32, #tpu.memory_space<vmem_shared>>
    tpu.wait_indirect_dma semaphore(%arg20 : memref<!tpu.dma_semaphore, #tpu.memory_space<semaphore_mem>>) src(%arg11 : memref<100x80xf32, #tpu.memory_space<vmem>>) dst(%dma_wait3A_79 : memref<10240x80xf32, #tpu.memory_space<vmem_shared>>)
    %dma_wait3A_80 = arith.constant 3 : i32
    %dma_wait3A_81 = arith.constant 0 : i32
    %dma_wait3A_82 = tpu.memref_slice %arg7[%dma_wait3A_80, %dma_wait3A_81] : memref<4x100xi32, #tpu.memory_space<vmem>> -> memref<1x100xi32, #tpu.memory_space<vmem>>
    %dma_wait3A_83 = tpu.memref_squeeze %dma_wait3A_82 : memref<1x100xi32, #tpu.memory_space<vmem>> -> memref<100xi32, #tpu.memory_space<vmem>>
    %dma_wait3A_84 = arith.constant 0 : i32
    %dma_wait3A_85 = arith.constant 0 : i32
    %dma_wait3A_86 = tpu.memref_slice %arg17[%dma_wait3A_84, %dma_wait3A_85] : memref<10240x80xf32, #tpu.memory_space<vmem_shared>> -> memref<10240x80xf32, #tpu.memory_space<vmem_shared>>
    tpu.wait_indirect_dma semaphore(%arg20 : memref<!tpu.dma_semaphore, #tpu.memory_space<semaphore_mem>>) src(%arg12 : memref<100x80xf32, #tpu.memory_space<vmem>>) dst(%dma_wait3A_86 : memref<10240x80xf32, #tpu.memory_space<vmem_shared>>)
    %barrier3A_87 = arith.constant 0 : index
    tpu.barrier barrier_id(%barrier3A_87)
    %mul3A_88 = arith.constant 624 : i32
    %mul3A_89 = arith.muli %arg1, %mul3A_88 : i32
    "tpu.region"() ({
      %run_scoped3A = tpu.sem_alloc : memref<!tpu.dma_semaphore, #tpu.memory_space<semaphore_mem>>
      %dma_start3A_92 = arith.constant 0 : i32
      %dma_start3A_93 = tpu.memref_slice %arg4[%arg0, %mul3A_89, %dma_start3A_92] : memref<2x10000x80xf32, #tpu.memory_space<hbm>> -> memref<1x624x80xf32, #tpu.memory_space<hbm>>
      %dma_start3A_94 = tpu.memref_squeeze %dma_start3A_93 : memref<1x624x80xf32, #tpu.memory_space<hbm>> -> memref<624x80xf32, #tpu.memory_space<hbm>>
      %dma_start3A_95 = arith.constant 0 : i32
      %dma_start3A_96 = tpu.memref_slice %arg17[%mul3A_89, %dma_start3A_95] : memref<10240x80xf32, #tpu.memory_space<vmem_shared>> -> memref<624x80xf32, #tpu.memory_space<vmem_shared>>
      tpu.enqueue_dma source(%dma_start3A_96 : memref<624x80xf32, #tpu.memory_space<vmem_shared>>) target(%dma_start3A_94 : memref<624x80xf32, #tpu.memory_space<hbm>>) target_semaphore(%run_scoped3A : memref<!tpu.dma_semaphore, #tpu.memory_space<semaphore_mem>>)
      %dma_wait3A_97 = arith.constant 0 : i32
      %dma_wait3A_98 = tpu.memref_slice %arg4[%arg0, %mul3A_89, %dma_wait3A_97] : memref<2x10000x80xf32, #tpu.memory_space<hbm>> -> memref<1x624x80xf32, #tpu.memory_space<hbm>>
      %dma_wait3A_99 = tpu.memref_squeeze %dma_wait3A_98 : memref<1x624x80xf32, #tpu.memory_space<hbm>> -> memref<624x80xf32, #tpu.memory_space<hbm>>
      %dma_wait3A_100 = arith.constant 0 : i32
      %dma_wait3A_101 = tpu.memref_slice %arg17[%mul3A_89, %dma_wait3A_100] : memref<10240x80xf32, #tpu.memory_space<vmem_shared>> -> memref<624x80xf32, #tpu.memory_space<vmem_shared>>
      tpu.wait_dma2 semaphore(%run_scoped3A : memref<!tpu.dma_semaphore, #tpu.memory_space<semaphore_mem>>) src(%dma_wait3A_101 : memref<624x80xf32, #tpu.memory_space<vmem_shared>>) dst(%dma_wait3A_99 : memref<624x80xf32, #tpu.memory_space<hbm>>)
      tpu.yield
    }) : () -> ()
    %eq3A = arith.constant 15 : i32
    %eq3A_90 = arith.cmpi eq, %arg1, %eq3A : i32
    %convert_element_type3A = arith.extui %eq3A_90 : i1 to i32
    %cond3A = arith.constant 0 : i32
    %cond3A_91 = arith.cmpi ne, %convert_element_type3A, %cond3A : i32
    scf.if %cond3A_91 {
      "tpu.region"() ({
        %run_scoped3A = tpu.sem_alloc : memref<!tpu.dma_semaphore, #tpu.memory_space<semaphore_mem>>
        %dma_start3A_92 = arith.constant 9984 : i32
        %dma_start3A_93 = arith.constant 0 : i32
        %dma_start3A_94 = tpu.memref_slice %arg4[%arg0, %dma_start3A_92, %dma_start3A_93] : memref<2x10000x80xf32, #tpu.memory_space<hbm>> -> memref<1x16x80xf32, #tpu.memory_space<hbm>>
        %dma_start3A_95 = tpu.memref_squeeze %dma_start3A_94 : memref<1x16x80xf32, #tpu.memory_space<hbm>> -> memref<16x80xf32, #tpu.memory_space<hbm>>
        %dma_start3A_96 = arith.constant 9984 : i32
        %dma_start3A_97 = arith.constant 0 : i32
        %dma_start3A_98 = tpu.memref_slice %arg17[%dma_start3A_96, %dma_start3A_97] : memref<10240x80xf32, #tpu.memory_space<vmem_shared>> -> memref<16x80xf32, #tpu.memory_space<vmem_shared>>
        tpu.enqueue_dma source(%dma_start3A_98 : memref<16x80xf32, #tpu.memory_space<vmem_shared>>) target(%dma_start3A_95 : memref<16x80xf32, #tpu.memory_space<hbm>>) target_semaphore(%run_scoped3A : memref<!tpu.dma_semaphore, #tpu.memory_space<semaphore_mem>>)
        %dma_wait3A_99 = arith.constant 9984 : i32
        %dma_wait3A_100 = arith.constant 0 : i32
        %dma_wait3A_101 = tpu.memref_slice %arg4[%arg0, %dma_wait3A_99, %dma_wait3A_100] : memref<2x10000x80xf32, #tpu.memory_space<hbm>> -> memref<1x16x80xf32, #tpu.memory_space<hbm>>
        %dma_wait3A_102 = tpu.memref_squeeze %dma_wait3A_101 : memref<1x16x80xf32, #tpu.memory_space<hbm>> -> memref<16x80xf32, #tpu.memory_space<hbm>>
        %dma_wait3A_103 = arith.constant 9984 : i32
        %dma_wait3A_104 = arith.constant 0 : i32
        %dma_wait3A_105 = tpu.memref_slice %arg17[%dma_wait3A_103, %dma_wait3A_104] : memref<10240x80xf32, #tpu.memory_space<vmem_shared>> -> memref<16x80xf32, #tpu.memory_space<vmem_shared>>
        tpu.wait_dma2 semaphore(%run_scoped3A : memref<!tpu.dma_semaphore, #tpu.memory_space<semaphore_mem>>) src(%dma_wait3A_105 : memref<16x80xf32, #tpu.memory_space<vmem_shared>>) dst(%dma_wait3A_102 : memref<16x80xf32, #tpu.memory_space<hbm>>)
        tpu.yield
      }) : () -> ()
    } else {
    }
    return
  }
}

module attributes {stable_mosaic.version = 14 : i64} {
  func.func @_tc_p1_body(%arg0: i32, %arg1: memref<1000x128xf32, #tpu.memory_space<vmem>>, %arg2: memref<128x80xf32, #tpu.memory_space<vmem>>, %arg3: memref<1000x80xf32, #tpu.memory_space<vmem>>) attributes {dimension_semantics = [#tpu.dimension_semantics<arbitrary>], iteration_bounds = array<i64: 10>, scalar_prefetch = 0 : i64, scratch_operands = 0 : i64, tpu.core_type = #tpu.core_type<tc>, window_params = [{transform_indices = @transform_0, window_bounds = array<i64: 1000, 128>}, {pipeline_mode = #tpu.pipeline_mode<synchronous>, transform_indices = @transform_1, window_bounds = array<i64: 128, 80>}, {transform_indices = @transform_2, window_bounds = array<i64: 1000, 80>}]} {
    %iota3A = tpu.iota {dimensions = array<i32: 1>} : vector<1000x80xi32>
    %eq3A = arith.constant 64 : i32
    %eq3A_0 = vector.broadcast %eq3A : i32 to vector<1000x80xi32>
    %eq3A_1 = arith.cmpi eq, %iota3A, %eq3A_0 : vector<1000x80xi32>
    %get3A = arith.constant 0 : index
    %get3A_2 = arith.constant 0 : index
    %get3A_3 = vector.load %arg1[%get3A, %get3A_2] : memref<1000x128xf32, #tpu.memory_space<vmem>>, vector<1000x128xf32>
    %get3A_4 = arith.constant 0 : index
    %get3A_5 = arith.constant 0 : index
    %get3A_6 = vector.load %arg2[%get3A_4, %get3A_5] : memref<128x80xf32, #tpu.memory_space<vmem>>, vector<128x80xf32>
    %dot_general3A = arith.constant dense<0.000000e+00> : vector<1000x80xf32>
    %dot_general3A_7 = tpu.matmul %get3A_3, %get3A_6, %dot_general3A {dimension_numbers = #tpu.dot_dimension_numbers<[1], [0], [0], [1], [0, 0, 1, 1], [], []>, transpose_lhs_hint = false} : vector<1000x128xf32>, vector<128x80xf32>, vector<1000x80xf32> -> vector<1000x80xf32>
    %jit3A = arith.constant 1.000000e+00 : f32
    %jit3A_8 = arith.constant 0.000000e+00 : f32
    %broadcast_in_dim3A = vector.broadcast %jit3A : f32 to vector<1000x80xf32>
    %broadcast_in_dim3A_9 = vector.broadcast %jit3A_8 : f32 to vector<1000x80xf32>
    %select_n3A = arith.select %eq3A_1, %broadcast_in_dim3A, %broadcast_in_dim3A_9 : vector<1000x80xi1>, vector<1000x80xf32>
    %add3A = arith.addf %dot_general3A_7, %select_n3A : vector<1000x80xf32>
    %swap3A = arith.constant 0 : index
    %swap3A_10 = arith.constant 0 : index
    %swap3A_11 = vector.load %arg3[%swap3A, %swap3A_10] : memref<1000x80xf32, #tpu.memory_space<vmem>>, vector<1000x80xf32>
    tpu.vector_store %arg3[%swap3A, %swap3A_10], %add3A {strides = array<i32>} : memref<1000x80xf32, #tpu.memory_space<vmem>>, vector<1000x80xf32>,
    return
  }
  func.func @transform_0(%arg0: i32) -> (i32, i32) {
    %c0_i32 = arith.constant 0 : i32
    %c0_i32_0 = arith.constant 0 : i32
    return %arg0, %c0_i32 : i32, i32
  }
  func.func @transform_1(%arg0: i32) -> (i32, i32) {
    %c0_i32 = arith.constant 0 : i32
    %c0_i32_0 = arith.constant 0 : i32
    %c0_i32_1 = arith.constant 0 : i32
    return %c0_i32, %c0_i32_0 : i32, i32
  }
  func.func @transform_2(%arg0: i32) -> (i32, i32) {
    %c0_i32 = arith.constant 0 : i32
    %c0_i32_0 = arith.constant 0 : i32
    return %arg0, %c0_i32 : i32, i32
  }
}

module attributes {stable_mosaic.version = 14 : i64} {
  func.func @_tc_s1_body(%arg0: i32, %arg1: memref<1000x128xf32, #tpu.memory_space<vmem>>, %arg2: memref<128x64xf32, #tpu.memory_space<vmem>>, %arg3: memref<1000x64xf32, #tpu.memory_space<vmem>>) attributes {dimension_semantics = [#tpu.dimension_semantics<arbitrary>], iteration_bounds = array<i64: 10>, scalar_prefetch = 0 : i64, scratch_operands = 0 : i64, tpu.core_type = #tpu.core_type<tc>, window_params = [{transform_indices = @transform_0, window_bounds = array<i64: 1000, 128>}, {pipeline_mode = #tpu.pipeline_mode<synchronous>, transform_indices = @transform_1, window_bounds = array<i64: 128, 64>}, {transform_indices = @transform_2, window_bounds = array<i64: 1000, 64>}]} {
    %get3A = arith.constant 0 : index
    %get3A_0 = arith.constant 0 : index
    %get3A_1 = vector.load %arg1[%get3A, %get3A_0] : memref<1000x128xf32, #tpu.memory_space<vmem>>, vector<1000x128xf32>
    %get3A_2 = arith.constant 0 : index
    %get3A_3 = arith.constant 0 : index
    %get3A_4 = vector.load %arg2[%get3A_2, %get3A_3] : memref<128x64xf32, #tpu.memory_space<vmem>>, vector<128x64xf32>
    %dot_general3A = arith.constant dense<0.000000e+00> : vector<1000x64xf32>
    %dot_general3A_5 = tpu.matmul %get3A_1, %get3A_4, %dot_general3A {dimension_numbers = #tpu.dot_dimension_numbers<[1], [0], [0], [1], [0, 0, 1, 1], [], []>, transpose_lhs_hint = false} : vector<1000x128xf32>, vector<128x64xf32>, vector<1000x64xf32> -> vector<1000x64xf32>
    %swap3A = arith.constant 0 : index
    %swap3A_6 = arith.constant 0 : index
    %swap3A_7 = vector.load %arg3[%swap3A, %swap3A_6] : memref<1000x64xf32, #tpu.memory_space<vmem>>, vector<1000x64xf32>
    tpu.vector_store %arg3[%swap3A, %swap3A_6], %dot_general3A_5 {strides = array<i32>} : memref<1000x64xf32, #tpu.memory_space<vmem>>, vector<1000x64xf32>,
    return
  }
  func.func @transform_0(%arg0: i32) -> (i32, i32) {
    %c0_i32 = arith.constant 0 : i32
    %c0_i32_0 = arith.constant 0 : i32
    return %arg0, %c0_i32 : i32, i32
  }
  func.func @transform_1(%arg0: i32) -> (i32, i32) {
    %c0_i32 = arith.constant 0 : i32
    %c0_i32_0 = arith.constant 0 : i32
    %c0_i32_1 = arith.constant 0 : i32
    return %c0_i32, %c0_i32_0 : i32, i32
  }
  func.func @transform_2(%arg0: i32) -> (i32, i32) {
    %c0_i32 = arith.constant 0 : i32
    %c0_i32_0 = arith.constant 0 : i32
    return %arg0, %c0_i32 : i32, i32
  }
}

module attributes {stable_mosaic.version = 14 : i64} {
  func.func @_tc_mid_body(%arg0: i32, %arg1: memref<1000x64xf32, #tpu.memory_space<vmem>>, %arg2: memref<2x1000x80xf32, #tpu.memory_space<vmem>>, %arg3: memref<1x64xf32, #tpu.memory_space<vmem>>, %arg4: memref<64x48xf32, #tpu.memory_space<vmem>>, %arg5: memref<64x48xf32, #tpu.memory_space<vmem>>, %arg6: memref<1000x48xf32, #tpu.memory_space<vmem>>, %arg7: memref<1000x48xf32, #tpu.memory_space<vmem>>) attributes {dimension_semantics = [#tpu.dimension_semantics<arbitrary>], iteration_bounds = array<i64: 10>, scalar_prefetch = 0 : i64, scratch_operands = 0 : i64, tpu.core_type = #tpu.core_type<tc>, window_params = [{transform_indices = @transform_0, window_bounds = array<i64: 1000, 64>}, {transform_indices = @transform_1, window_bounds = array<i64: 2, 1000, 80>}, {pipeline_mode = #tpu.pipeline_mode<synchronous>, transform_indices = @transform_2, window_bounds = array<i64: 1, 64>}, {pipeline_mode = #tpu.pipeline_mode<synchronous>, transform_indices = @transform_3, window_bounds = array<i64: 64, 48>}, {pipeline_mode = #tpu.pipeline_mode<synchronous>, transform_indices = @transform_4, window_bounds = array<i64: 64, 48>}, {transform_indices = @transform_5, window_bounds = array<i64: 1000, 48>}, {transform_indices = @transform_6, window_bounds = array<i64: 1000, 48>}]} {
    %get3A = arith.constant 0 : index
    %get3A_0 = arith.constant 0 : index
    %get3A_1 = arith.constant 0 : index
    %get3A_2 = vector.load %arg2[%get3A, %get3A_0, %get3A_1] : memref<2x1000x80xf32, #tpu.memory_space<vmem>>, vector<1x1000x80xf32>
    %get3A_3 = vector.shape_cast %get3A_2 : vector<1x1000x80xf32> to vector<1000x80xf32>
    %get3A_4 = arith.constant 1 : index
    %get3A_5 = arith.constant 0 : index
    %get3A_6 = arith.constant 0 : index
    %get3A_7 = vector.load %arg2[%get3A_4, %get3A_5, %get3A_6] : memref<2x1000x80xf32, #tpu.memory_space<vmem>>, vector<1x1000x80xf32>
    %get3A_8 = vector.shape_cast %get3A_7 : vector<1x1000x80xf32> to vector<1000x80xf32>
    %add3A = arith.addf %get3A_3, %get3A_8 : vector<1000x80xf32>
    %slice3A = vector.extract_strided_slice %add3A {offsets = [0, 64], sizes = [1000, 1], strides = [1, 1]} : vector<1000x80xf32> to vector<1000x1xf32>
    %jit3A = arith.constant 1.000000e+00 : f32
    %max3A = vector.broadcast %jit3A : f32 to vector<1000x1xf32>
    %max3A_9 = arith.maximumf %max3A, %slice3A : vector<1000x1xf32>
    %slice3A_10 = vector.extract_strided_slice %add3A {offsets = [0, 0], sizes = [1000, 64], strides = [1, 1]} : vector<1000x80xf32> to vector<1000x64xf32>
    %div3A = vector.broadcast %max3A_9 : vector<1000x1xf32> to vector<1000x64xf32>
    %div3A_11 = arith.divf %slice3A_10, %div3A : vector<1000x64xf32>
    %get3A_12 = arith.constant 0 : index
    %get3A_13 = arith.constant 0 : index
    %get3A_14 = vector.load %arg1[%get3A_12, %get3A_13] : memref<1000x64xf32, #tpu.memory_space<vmem>>, vector<1000x64xf32>
    %add3A_15 = arith.addf %get3A_14, %div3A_11 : vector<1000x64xf32>
    %get3A_16 = arith.constant 0 : index
    %get3A_17 = arith.constant 0 : index
    %get3A_18 = vector.load %arg3[%get3A_16, %get3A_17] : memref<1x64xf32, #tpu.memory_space<vmem>>, vector<1x64xf32>
    %add3A_19 = vector.broadcast %get3A_18 : vector<1x64xf32> to vector<1000x64xf32>
    %add3A_20 = arith.addf %add3A_15, %add3A_19 : vector<1000x64xf32>
    %max3A_21 = arith.constant 0.000000e+00 : f32
    %max3A_22 = vector.broadcast %max3A_21 : f32 to vector<1000x64xf32>
    %max3A_23 = arith.maximumf %add3A_20, %max3A_22 : vector<1000x64xf32>
    %get3A_24 = arith.constant 0 : index
    %get3A_25 = arith.constant 0 : index
    %get3A_26 = vector.load %arg4[%get3A_24, %get3A_25] : memref<64x48xf32, #tpu.memory_space<vmem>>, vector<64x48xf32>
    %dot_general3A = arith.constant dense<0.000000e+00> : vector<1000x48xf32>
    %dot_general3A_27 = tpu.matmul %max3A_23, %get3A_26, %dot_general3A {dimension_numbers = #tpu.dot_dimension_numbers<[1], [0], [0], [1], [0, 0, 1, 1], [], []>, transpose_lhs_hint = false} : vector<1000x64xf32>, vector<64x48xf32>, vector<1000x48xf32> -> vector<1000x48xf32>
    %iota3A = tpu.iota {dimensions = array<i32: 1>} : vector<1000x48xi32>
    %eq3A = arith.constant 47 : i32
    %eq3A_28 = vector.broadcast %eq3A : i32 to vector<1000x48xi32>
    %eq3A_29 = arith.cmpi eq, %iota3A, %eq3A_28 : vector<1000x48xi32>
    %broadcast_in_dim3A = vector.shape_cast %max3A_9 : vector<1000x1xf32> to vector<1000x1xf32>
    %broadcast_in_dim3A_30 = vector.broadcast %broadcast_in_dim3A : vector<1000x1xf32> to vector<1000x48xf32>
    %select_n3A = arith.select %eq3A_29, %broadcast_in_dim3A_30, %dot_general3A_27 : vector<1000x48xi1>, vector<1000x48xf32>
    %swap3A = arith.constant 0 : index
    %swap3A_31 = arith.constant 0 : index
    %swap3A_32 = vector.load %arg6[%swap3A, %swap3A_31] : memref<1000x48xf32, #tpu.memory_space<vmem>>, vector<1000x48xf32>
    tpu.vector_store %arg6[%swap3A, %swap3A_31], %select_n3A {strides = array<i32>} : memref<1000x48xf32, #tpu.memory_space<vmem>>, vector<1000x48xf32>,
    %get3A_33 = arith.constant 0 : index
    %get3A_34 = arith.constant 0 : index
    %get3A_35 = vector.load %arg5[%get3A_33, %get3A_34] : memref<64x48xf32, #tpu.memory_space<vmem>>, vector<64x48xf32>
    %dot_general3A_36 = arith.constant dense<0.000000e+00> : vector<1000x48xf32>
    %dot_general3A_37 = tpu.matmul %max3A_23, %get3A_35, %dot_general3A_36 {dimension_numbers = #tpu.dot_dimension_numbers<[1], [0], [0], [1], [0, 0, 1, 1], [], []>, transpose_lhs_hint = false} : vector<1000x64xf32>, vector<64x48xf32>, vector<1000x48xf32> -> vector<1000x48xf32>
    %swap3A_38 = arith.constant 0 : index
    %swap3A_39 = arith.constant 0 : index
    %swap3A_40 = vector.load %arg7[%swap3A_38, %swap3A_39] : memref<1000x48xf32, #tpu.memory_space<vmem>>, vector<1000x48xf32>
    tpu.vector_store %arg7[%swap3A_38, %swap3A_39], %dot_general3A_37 {strides = array<i32>} : memref<1000x48xf32, #tpu.memory_space<vmem>>, vector<1000x48xf32>,
    return
  }
  func.func @transform_0(%arg0: i32) -> (i32, i32) {
    %c0_i32 = arith.constant 0 : i32
    %c0_i32_0 = arith.constant 0 : i32
    return %arg0, %c0_i32 : i32, i32
  }
  func.func @transform_1(%arg0: i32) -> (i32, i32, i32) {
    %c0_i32 = arith.constant 0 : i32
    %c0_i32_0 = arith.constant 0 : i32
    %c0_i32_1 = arith.constant 0 : i32
    return %c0_i32, %arg0, %c0_i32_0 : i32, i32, i32
  }
  func.func @transform_2(%arg0: i32) -> (i32, i32) {
    %c0_i32 = arith.constant 0 : i32
    %c0_i32_0 = arith.constant 0 : i32
    %c0_i32_1 = arith.constant 0 : i32
    return %c0_i32, %c0_i32_0 : i32, i32
  }
  func.func @transform_3(%arg0: i32) -> (i32, i32) {
    %c0_i32 = arith.constant 0 : i32
    %c0_i32_0 = arith.constant 0 : i32
    %c0_i32_1 = arith.constant 0 : i32
    return %c0_i32, %c0_i32_0 : i32, i32
  }
  func.func @transform_4(%arg0: i32) -> (i32, i32) {
    %c0_i32 = arith.constant 0 : i32
    %c0_i32_0 = arith.constant 0 : i32
    %c0_i32_1 = arith.constant 0 : i32
    return %c0_i32, %c0_i32_0 : i32, i32
  }
  func.func @transform_5(%arg0: i32) -> (i32, i32) {
    %c0_i32 = arith.constant 0 : i32
    %c0_i32_0 = arith.constant 0 : i32
    return %arg0, %c0_i32 : i32, i32
  }
  func.func @transform_6(%arg0: i32) -> (i32, i32) {
    %c0_i32 = arith.constant 0 : i32
    %c0_i32_0 = arith.constant 0 : i32
    return %arg0, %c0_i32 : i32, i32
  }
}

module attributes {stable_mosaic.version = 14 : i64} {
  func.func @_tc_out_body(%arg0: i32, %arg1: memref<1000x48xf32, #tpu.memory_space<vmem>>, %arg2: memref<2x1000x48xf32, #tpu.memory_space<vmem>>, %arg3: memref<1x48xf32, #tpu.memory_space<vmem>>, %arg4: memref<1000x41xf32, #tpu.memory_space<vmem>>) attributes {dimension_semantics = [#tpu.dimension_semantics<arbitrary>], iteration_bounds = array<i64: 10>, scalar_prefetch = 0 : i64, scratch_operands = 0 : i64, tpu.core_type = #tpu.core_type<tc>, window_params = [{transform_indices = @transform_0, window_bounds = array<i64: 1000, 48>}, {transform_indices = @transform_1, window_bounds = array<i64: 2, 1000, 48>}, {pipeline_mode = #tpu.pipeline_mode<synchronous>, transform_indices = @transform_2, window_bounds = array<i64: 1, 48>}, {transform_indices = @transform_3, window_bounds = array<i64: 1000, 41>}]} {
    %get3A = arith.constant 0 : index
    %get3A_0 = arith.constant 0 : index
    %get3A_1 = vector.load %arg1[%get3A, %get3A_0] : memref<1000x48xf32, #tpu.memory_space<vmem>>, vector<1000x48xf32>
    %slice3A = vector.extract_strided_slice %get3A_1 {offsets = [0, 47], sizes = [1000, 1], strides = [1, 1]} : vector<1000x48xf32> to vector<1000x1xf32>
    %get3A_2 = arith.constant 0 : index
    %get3A_3 = arith.constant 0 : index
    %get3A_4 = arith.constant 0 : index
    %get3A_5 = vector.load %arg2[%get3A_2, %get3A_3, %get3A_4] : memref<2x1000x48xf32, #tpu.memory_space<vmem>>, vector<1x1000x48xf32>
    %get3A_6 = vector.shape_cast %get3A_5 : vector<1x1000x48xf32> to vector<1000x48xf32>
    %get3A_7 = arith.constant 1 : index
    %get3A_8 = arith.constant 0 : index
    %get3A_9 = arith.constant 0 : index
    %get3A_10 = vector.load %arg2[%get3A_7, %get3A_8, %get3A_9] : memref<2x1000x48xf32, #tpu.memory_space<vmem>>, vector<1x1000x48xf32>
    %get3A_11 = vector.shape_cast %get3A_10 : vector<1x1000x48xf32> to vector<1000x48xf32>
    %add3A = arith.addf %get3A_6, %get3A_11 : vector<1000x48xf32>
    %div3A = vector.broadcast %slice3A : vector<1000x1xf32> to vector<1000x48xf32>
    %div3A_12 = arith.divf %add3A, %div3A : vector<1000x48xf32>
    %add3A_13 = arith.addf %get3A_1, %div3A_12 : vector<1000x48xf32>
    %get3A_14 = arith.constant 0 : index
    %get3A_15 = arith.constant 0 : index
    %get3A_16 = vector.load %arg3[%get3A_14, %get3A_15] : memref<1x48xf32, #tpu.memory_space<vmem>>, vector<1x48xf32>
    %add3A_17 = vector.broadcast %get3A_16 : vector<1x48xf32> to vector<1000x48xf32>
    %add3A_18 = arith.addf %add3A_13, %add3A_17 : vector<1000x48xf32>
    %iota3A = tpu.iota {dimensions = array<i32: 1>} : vector<1000x48xi32>
    %lt3A = arith.constant 41 : i32
    %lt3A_19 = vector.broadcast %lt3A : i32 to vector<1000x48xi32>
    %lt3A_20 = arith.cmpi slt, %iota3A, %lt3A_19 : vector<1000x48xi32>
    %jit3A = arith.constant 0xFF800000 : f32
    %broadcast_in_dim3A = vector.broadcast %jit3A : f32 to vector<1000x48xf32>
    %select_n3A = arith.select %lt3A_20, %add3A_18, %broadcast_in_dim3A : vector<1000x48xi1>, vector<1000x48xf32>
    %reduce_max3A = arith.constant dense<0xFF800000> : vector<1000xf32>
    %reduce_max3A_21 = vector.multi_reduction <maximumf>, %select_n3A, %reduce_max3A [1] : vector<1000x48xf32> to vector<1000xf32>
    %broadcast_in_dim3A_22 = vector.shape_cast %reduce_max3A_21 : vector<1000xf32> to vector<1000x1xf32>
    %sub3A = vector.broadcast %broadcast_in_dim3A_22 : vector<1000x1xf32> to vector<1000x48xf32>
    %sub3A_23 = arith.subf %select_n3A, %sub3A : vector<1000x48xf32>
    %exp3A = math.exp %sub3A_23 : vector<1000x48xf32>
    %jit3A_24 = arith.constant 0.000000e+00 : f32
    %broadcast_in_dim3A_25 = vector.broadcast %jit3A_24 : f32 to vector<1000x48xf32>
    %select_n3A_26 = arith.select %lt3A_20, %exp3A, %broadcast_in_dim3A_25 : vector<1000x48xi1>, vector<1000x48xf32>
    %reduce_sum3A = arith.constant dense<0.000000e+00> : vector<1000xf32>
    %reduce_sum3A_27 = vector.multi_reduction <add>, %select_n3A_26, %reduce_sum3A [1] : vector<1000x48xf32> to vector<1000xf32>
    %broadcast_in_dim3A_28 = vector.shape_cast %reduce_sum3A_27 : vector<1000xf32> to vector<1000x1xf32>
    %log3A = math.log %broadcast_in_dim3A_28 : vector<1000x1xf32>
    %add3A_29 = arith.addf %log3A, %broadcast_in_dim3A_22 : vector<1000x1xf32>
    %sub3A_30 = vector.broadcast %add3A_29 : vector<1000x1xf32> to vector<1000x48xf32>
    %sub3A_31 = arith.subf %add3A_18, %sub3A_30 : vector<1000x48xf32>
    %slice3A_32 = vector.extract_strided_slice %sub3A_31 {offsets = [0, 0], sizes = [1000, 41], strides = [1, 1]} : vector<1000x48xf32> to vector<1000x41xf32>
    %swap3A = arith.constant 0 : index
    %swap3A_33 = arith.constant 0 : index
    %swap3A_34 = vector.load %arg4[%swap3A, %swap3A_33] : memref<1000x41xf32, #tpu.memory_space<vmem>>, vector<1000x41xf32>
    tpu.vector_store %arg4[%swap3A, %swap3A_33], %slice3A_32 {strides = array<i32>} : memref<1000x41xf32, #tpu.memory_space<vmem>>, vector<1000x41xf32>,
    return
  }
  func.func @transform_0(%arg0: i32) -> (i32, i32) {
    %c0_i32 = arith.constant 0 : i32
    %c0_i32_0 = arith.constant 0 : i32
    return %arg0, %c0_i32 : i32, i32
  }
  func.func @transform_1(%arg0: i32) -> (i32, i32, i32) {
    %c0_i32 = arith.constant 0 : i32
    %c0_i32_0 = arith.constant 0 : i32
    %c0_i32_1 = arith.constant 0 : i32
    return %c0_i32, %arg0, %c0_i32_0 : i32, i32, i32
  }
  func.func @transform_2(%arg0: i32) -> (i32, i32) {
    %c0_i32 = arith.constant 0 : i32
    %c0_i32_0 = arith.constant 0 : i32
    %c0_i32_1 = arith.constant 0 : i32
    return %c0_i32, %c0_i32_0 : i32, i32
  }
  func.func @transform_3(%arg0: i32) -> (i32, i32) {
    %c0_i32 = arith.constant 0 : i32
    %c0_i32_0 = arith.constant 0 : i32
    return %arg0, %c0_i32 : i32, i32
  }
}

</mosaic_0001>

<sc_bundles>
// kernel: kernel.11.cloned.1.call-start
scs
__scs_entry_jumppad:
0x0: {  	(pc) =	sbr.rel $0x88, $3  }
0x1: {  	(tag) =	ssettag $0x0;
	lr =	simm.s32 $0x1  }
0x2: {  	[smem:$0x3F99] =	sst lr;
	_ =	strace $0xD0000000  }
0x3: {  	_ = 	snop  }
0x4: {  	_ = 	snop  }
0x5: {  	_ = 	snop  }
0x6: {  	_ = 	snop  }
0x7: {  	_ = 	snop  }
__scs_overlays_trampoline_lowered:
0x8: {  	[smem:$0x3FA8] =	sst s0  }
0x9: {  	[smem:$0x3FA9] =	sst s1  }
0xa: {  	[smem:$0x3FAA] =	sst s2  }
0xb: {  	[smem:$0x3FAB] =	sst s3  }
0xc: {  	[smem:$0x3FAC] =	sst s4  }
0xd: {  	[smem:$0x3FAD] =	sst s5  }
0xe: {  	[smem:$0x3FAE] =	sst s6  }
0xf: {  	[smem:$0x3FAF] =	sst s7  }
0x10: {  	[smem:$0x3FB0] =	sst s8  }
0x11: {  	[smem:$0x3FB1] =	sst s9;
	s0 =	simm.s32 @!p0 $0x0  }
0x12: {  	s1 =	sld [smem:$0x3F97];
	s0 =	simm.s32 @p0 $0x1  }
0x13: {  	[smem:$0x3FB2] =	sst s0;
	s0 =	simm.s32 @!p1 $0x0  }
0x14: {  	s2 =	sld [smem:$0x3F96];
	s0 =	simm.s32 @p1 $0x1  }
0x15: {  	[smem:$0x3FB3] =	sst s0;
	s0 =	simm.s32 @!p2 $0x0  }
0x16: {  	s3 =	sld [smem:$0x3FDB];
	s0 =	simm.s32 @p2 $0x1  }
0x17: {  	s4 =	simm.s32 $0x1BF5;
	[smem:$0x3FB5] =	sst s0  }
0x18: {  	s0 =	sld [smem:$0x3F98];
	_ =	swait.ge [sflag:s4], $0x0  }
0x19: {  	s7 =	sld [smem:$0x3F99]  }
0x1a: {  	s8 =	sadd.s32 $0xFFFFE003, lr  }
0x1b: {  	s9 =	sadd.s32 $0xFFFFFEF7, lr;
	s5 =	simm.s32 $0xFFFFFFFF;
	p2 =	slt.u32 s8, $0xFFFFF086  }
0x1c: {  	p1 =	slt.u32 s9, $0xF7A;
	s5 =	simm.s32 @!p2 $0x0  }
0x1d: {  	s5 =	simm.s32 @p1 $0x1;
	p0 =	seq.s32 s7, s2  }
0x1e: {  	s7 =	smul.u32 @!p0 $0xF7A, s2;
	p2 =	seq.s32 @!p0 s5, $0x0  }
0x1f: {  	s9 =	smul.u32 $0xF7A, s1;
	s8 =	simm.s32 @!p0 $0x1BF5;
	p2 =	por !p2, p0  }
0x20: {  	[sflag:s8] =	ssyncset.s32 @!p0 $0xFFFFF086;
	s6 =	sadd.s32 @!p0 s3, s7;
	s7 =	simm.s32 @!p0 $0x108  }
0x21: {  	s3 =	sadd.s32 s3, s9;
	s6 =	sadd.s32 @!p0 $0x88, s6;
	s7 =	simm.s32 @p2 $0x1082  }
0x22: {  	[simem:s7], [sflag:s8] =	dma.local @!p0 [hbm:s6], $0xF7A  }
0x23: {  	s9 =	sor.u32 $0xD0000000, s2;
	s6 =	simm.s32 $0x108;
	_ =	swait.ge @!p0 [sflag:s8], $0x0  }
0x24: {  	s3 =	sadd.s32 $0x88, s3;
	s6 =	simm.s32 @!p1 $0x1082;
	[sflag:s4] =	ssyncset.s32 $0xFFFFF086  }
0x25: {  	[simem:s6], [sflag:s4] =	dma.local [hbm:s3], $0xF7A  }
0x26: {  	[smem:$0x3F99] =	sst s1;
	(tag) =	ssettag s2;
	_ =	strace s9  }
0x27: {  	s1 =	sld [smem:$0x3FA9]  }
0x28: {  	s2 =	sld [smem:$0x3FAA]  }
0x29: {  	s4 =	sld [smem:$0x3FAC]  }
0x2a: {  	p0 =	seq.s32 s5, $0x0;
	s5 =	sld [smem:$0x3FAD]  }
0x2b: {  	s6 =	sld [smem:$0x3FAE]  }
0x2c: {  	s7 =	sld [smem:$0x3FAF]  }
0x2d: {  	s3 =	simm.s32 $0x108;
	s8 =	sld [smem:$0x3FB0]  }
0x2e: {  	s3 =	simm.s32 @!p0 $0x1082;
	s9 =	sld [smem:$0x3FB1]  }
0x2f: {  	lr =	sadd.s32 s0, s3;
	s0 =	sld [smem:$0x3FA8]  }
0x30: {  	s3 =	sld [smem:$0x3FAB]  }
0x31: {  	[smem:$0x3FB4] =	sst s10  }
0x32: {  	s10 =	sld [smem:$0x3FB2];
	_ =	sdelay $0x3  }
0x33: {  	p0 =	seq.s32 s10, $0x1;
	s10 =	sld [smem:$0x3FB4];
	_ =	sdelay $0x3  }
0x34: {  	[smem:$0x3FB4] =	sst s10  }
0x35: {  	s10 =	sld [smem:$0x3FB3];
	_ =	sdelay $0x3  }
0x36: {  	p1 =	seq.s32 s10, $0x1;
	s10 =	sld [smem:$0x3FB4];
	_ =	sdelay $0x3  }
0x37: {  	[smem:$0x3FB4] =	sst s10  }
0x38: {  	s10 =	sld [smem:$0x3FB5]  }
0x39: {  	_ = 	snop;
	(pc) =	sbr.ind lr, $3  }
0x3a: {  	_ = 	snop  }
0x3b: {  	_ = 	snop  }
0x3c: {  	p2 =	seq.s32 s10, $0x1;
	s10 =	sld [smem:$0x3FB4]  }
0x3d: {  	_ =	shalt  }
0x3e: {  	_ =	shalt  }
0x3f: {  	_ =	shalt  }
0x40: {  	_ =	shalt  }
0x41: {  	_ =	shalt  }
0x42: {  	_ =	shalt  }
0x43: {  	_ =	shalt  }
0x44: {  	_ =	shalt  }
0x45: {  	_ =	shalt  }
0x46: {  	_ =	shalt  }
0x47: {  	_ =	shalt  }
0x48: {  	_ =	shalt  }
0x49: {  	_ =	shalt  }
0x4a: {  	_ =	shalt  }
0x4b: {  	_ =	shalt  }
0x4c: {  	_ =	shalt  }
0x4d: {  	_ =	shalt  }
0x4e: {  	_ =	shalt  }
0x4f: {  	_ =	shalt  }
0x50: {  	_ =	shalt  }
0x51: {  	_ =	shalt  }
0x52: {  	_ =	shalt  }
0x53: {  	_ =	shalt  }
0x54: {  	_ =	shalt  }
0x55: {  	_ =	shalt  }
0x56: {  	_ =	shalt  }
0x57: {  	_ =	shalt  }
0x58: {  	_ =	shalt  }
0x59: {  	_ =	shalt  }
0x5a: {  	_ =	shalt  }
0x5b: {  	_ =	shalt  }
0x5c: {  	_ =	shalt  }
0x5d: {  	_ =	shalt  }
0x5e: {  	_ =	shalt  }
0x5f: {  	_ =	shalt  }
0x60: {  	_ =	shalt  }
0x61: {  	_ =	shalt  }
0x62: {  	_ =	shalt  }
0x63: {  	_ =	shalt  }
0x64: {  	_ =	shalt  }
0x65: {  	_ =	shalt  }
0x66: {  	_ =	shalt  }
0x67: {  	_ =	shalt  }
0x68: {  	_ =	shalt  }
0x69: {  	_ =	shalt  }
0x6a: {  	_ =	shalt  }
0x6b: {  	_ =	shalt  }
0x6c: {  	_ =	shalt  }
0x6d: {  	_ =	shalt  }
0x6e: {  	_ =	shalt  }
0x6f: {  	_ =	shalt  }
0x70: {  	_ =	shalt  }
0x71: {  	_ =	shalt  }
0x72: {  	_ =	shalt  }
0x73: {  	_ =	shalt  }
0x74: {  	_ =	shalt  }
0x75: {  	_ =	shalt  }
0x76: {  	_ =	shalt  }
0x77: {  	_ =	shalt  }
0x78: {  	_ =	shalt  }
0x79: {  	_ =	shalt  }
0x7a: {  	_ =	shalt  }
0x7b: {  	_ =	shalt  }
0x7c: {  	_ =	shalt  }
0x7d: {  	_ =	shalt  }
0x7e: {  	_ =	shalt  }
0x7f: {  	_ =	shalt  }
0x80: {  	_ =	shalt  }
0x81: {  	_ =	shalt  }
0x82: {  	_ =	shalt  }
0x83: {  	_ =	shalt  }
0x84: {  	_ =	shalt  }
0x85: {  	_ =	shalt  }
0x86: {  	_ =	shalt  }
0x87: {  	_ =	shalt  }
.Lfunc_end0:
.L_simem_size_0:
called_computation.1_lowered:
.L_overlay_start_0:
0x88: {  	s2 =	sld [smem:$0x3FD9]  }
0x89: {  	s3 =	sld [smem:$0x3FFE];
	_ =	sdelay $0x1  }
0x8a: {  	s1 =	srdreg.scid  }
0x8b: {  	s0 =	sand.u32 $0x1, s1  }
0x8c: {  	s17 =	sshll.u32 s0, $0xA;
	s2 =	sadd.s32 s3, s2  }
0x8d: {  	s2 =	sadd.s32 s2, s17  }
0x8e: {  	[smem:$0x3FC0] =	sst s2  }
0x8f: {  	_ = 	snop  }
0x90: {  	s2 =	sld [smem:$0x3FD0];
	(tm) =	ssettm $0x1  }
0x91: {  	s18 =	sld [smem:$0x3FFB];
	_ =	sdelay $0x3  }
0x92: {  	_ =	strace s18  }
0x93: {  	s3 =	sld [smem:$0x3FFC];
	_ =	sdelay $0x3  }
0x94: {  	_ =	strace s3  }
0x95: {  	s3 =	sld [smem:$0x3FFD];
	_ =	sdelay $0x3  }
0x96: {  	_ =	strace s3  }
0x97: {  	_ =	strace $0x8FFFFFFF  }
0x98: {  	s19 =	sld [smem:$0x3FDB];
	_ =	sdelay $0x1  }
0x99: {  	s4 =	simm.s32 $_scs_section_size  }
0x9a: {  	s5 =	simm.s32 $_size__tile_overlayer_lowered;
	s6 =	simm.s32 $_tile_overlayer_lowered  }
0x9b: {  	s22 =	simm.s32 $0x1BFF;
	s21 =	sshll.u32 s6, $0x1;
	s3 =	sadd.s32 s4, s19  }
0x9c: {  	s7 =	simm.s32 $0x0;
	s20 =	sshll.u32 s5, $0x1;
	s5 =	sadd.s32 s21, s3  }
0x9d: {  	[timem:s7], [sflag:s22] =	dma.local [hbm:s5], s20  }
0x9e: {  	_ =	swait.ge [sflag:s22], s20  }
0x9f: {  	s4 =	ssub.s32 $0x0, s20;
	[sflag:s22] =	ssyncset.done $0x0  }
0xa0: {  	[sflag:s22] =	ssyncadd.s32 s4;
	_ =	sdelay $0x1  }
0xa1: {  	s23 =	simm.s32 $0x1B8B  }
0xa2: {  	_ =	swait.ge [sflag:s23], $0x1  }
0xa3: {  	[sflag:s23] =	ssyncset.done $0x0  }
0xa4: {  	s25 =	simm.s32 $0x1B8E;
	s24 =	sld [smem:$0x3FFE];
	[sflag:s23] =	ssyncadd.s32 $0xFFFFFFFF  }
0xa5: {  	s26 =	simm.s32 $execute0_lowered;
	[smem:$0x3FD2] =	sst s25  }
0xa6: {  	s5 =	sshll.u32 s26, $0x1;
	_ =	strace $0x80000049;
	[dreg:$0x1] =	wrdreg $0xFFFFFFFF  }
0xa7: {  	s28 =	simm.s32 $_size_execute0_lowered;
	s3 =	sadd.s32 s3, s5;
	[dreg:$0x0] =	wrdreg $0x0  }
0xa8: {  	s5 =	sshll.u32 s28, $0x1;
	[dreg:$0x2] =	wrdreg s3  }
0xa9: {  	[dreg:$0x3] =	wrdreg s5  }
0xaa: {  	[dreg:$0x4] =	wrdreg $0xC0  }
0xab: {  	_ =	task [dreg:s7], $0x5FFFF  }
0xac: {  	[dreg:$0x1] =	wrdreg $0xFFFFFFFF  }
0xad: {  	[dreg:$0x0] =	wrdreg $0x60  }
0xae: {  	[dreg:$0x2] =	wrdreg s2  }
0xaf: {  	[dreg:$0x3] =	wrdreg s24  }
0xb0: {  	[dreg:$0x4] =	wrdreg $0x9C800  }
0xb1: {  	[dreg:$0x5] =	wrdreg $0x9  }
0xb2: {  	_ =	task.clear_ibuf [dreg:s7], $0x6FFFF;
	_ =	strace $0x90000049  }
0xb3: {  	s29 =	simm.s32 $0x9;
	_ =	strace $0x8000004B  }
0xb4: {  	_ =	swait.ge [sflag:s29], $0x1  }
0xb5: {  	[sflag:s29] =	ssyncadd.s32 $0xFFFFFFFF  }
0xb6: {  	_ =	strace $0x9000004B  }
0xb7: {  	_ =	sfence  }
0xb8: {  	s30 =	sld [smem:$0x0];
	_ =	sdelay $0x2  }
0xb9: {  	s31 =	sshll.u32 s1, $0xD;
	s1 =	sshrl.u32 s1, $0x2  }
0xba: {  	s3 =	sand.u32 $0x4000, s31;
	s1 =	sadd.s32 s1, s30  }
0xbb: {  	s0 =	sor.u32 s3, s0;
	s1 =	sshll.u32 s1, $0x11  }
0xbc: {  	s0 =	sor.u32 s1, s0  }
0xbd: {  	s0 =	sadd.s32 $0x8F2B, s0  }
0xbe: {  	[sflag:s0] =	ssyncadd.remote.s32 $0x1  }
0xbf: {  	_ =	sfence.sel $0xFFFF  }
0xc0: {  	[dreg:$0x0] =	wrdreg $0xFFFFFFFF;
	(pc) =	sbr.abs _section_cstart, $3  }
0xc1: {  	[dreg:$0x1] =	wrdreg $0xFFFFFFFF  }
0xc2: {  	_ =	task.clear_ibuf [dreg:s7], $0x2FFFF;
	_ =	strace $0x9FFFFFFF  }
0xc3: {  	(tm) =	ssettm $0x7FFFFFFF  }
tec
execute0_lowered:
.L_overlay_start_1:
0x0: {  	(tag) =	ssettag $0x1  }
0x1: {  	s1 =	rddreg [dreg:$0x0]  }
0x2: {  	s0 =	rddreg [dreg:$0x1]  }
0x3: {  	s2 =	rddreg [dreg:$0x2];
	s4 =	simm.s32 $0x0;
	s3 =	srdreg.scid  }
0x4: {  	s5 =	stileid.u32;
	s28 =	simm.s32 $0x1;
	s29 =	simm.s32 $0x64  }
0x5: {  	s30 =	simm.s32 $0x68;
	s31 =	simm.s32 $0x1940;
	s6 =	smul.u32 $0x1E000, s5  }
0x6: {  	[smem:$0x7FF] =	sst s4;
	s12 =	sadd.s32 $0x1E00, s0;
	s17 =	smul.u32 $0x7500, s5  }
0x7: {  	s3 =	sand.u32 $0x1, s3;
	s7 =	sadd.s32 $0x16400, s0;
	s20 =	smul.u32 $0x514, s5  }
0x8: {  	p0 =	sne.s32 s5, $0xF;
	_ =	strace $0x8000004A;
	s8 =	ssub.s32 $0x2, s3  }
0x9: {  	s9 =	sshll.u32 s3, $0x4;
	s26 =	smul.u32 $0x75300, s3;
	s6 =	sshrl.u32 s6, $0x2  }
0xa: {  	s3 =	smul.u32 $0x5140, s3;
	[dreg:$0x4] =	wrdreg s12;
	s11 =	sadd.s32 s6, s2  }
0xb: {  	s10 =	sshrl.u32 s8, $0x1;
	s6 =	sadd.s32 $0x12C0, s11;
	[dreg:$0x5] =	wrdreg s11  }
0xc: {  	s9 =	sor.u32 s5, s9;
	s25 =	sadd.s32 $0x2580, s11;
	[dreg:$0x7] =	wrdreg s6  }
0xd: {  	s23 =	sadd.s32 s17, s2;
	s15 =	sadd.s32 $0x3840, s11;
	[dreg:$0x8] =	wrdreg s25  }
0xe: {  	s8 =	ssub.s32 s8, s10;
	s16 =	sadd.s32 $0x4B00, s11;
	[dreg:$0x9] =	wrdreg s15  }
0xf: {  	s13 =	smul.u32 $0x514, s9;
	s14 =	sadd.s32 $0x5DC0, s11;
	[dreg:$0xa] =	wrdreg s16  }
0x10: {  	s9 =	smul.u32 $0x64, s9;
	s11 =	sadd.s32 $0x7080, s11;
	[dreg:$0xb] =	wrdreg s14  }
0x11: {  	s19 =	sadd.s32 s17, s26;
	s24 =	sadd.s32 s20, s3;
	[dreg:$0xc] =	wrdreg s11  }
0x12: {  	s3 =	sadd.s32 $0x75000, s2;
	s10 =	simm.s32 $0x1A0;
	[dreg:$0xd] =	wrdreg s9  }
0x13: {  	s17 =	simm.s32 $0x5180;
	s20 =	simm.s32 $0x0;
	[dreg:$0x6] =	wrdreg s13  }
0x14: {  	s18 =	sadd.s32 s12, s13;
	s9 =	sshrl.u32 s19, $0x3;
	s6 =	sshrl.u32 s26, $0x3  }
0x15: {  	s16 =	sadd.s32 $0xC080, s0;
	s25 =	smax.u32 s8, $0x1;
	s26 =	sshrl.u32 s23, $0x3  }
0x16: {  	s8 =	simm.s32 $0x138;
	s11 =	simm.s32 $0x4E0;
	s13 =	simm.s32 $0x3A8  }
0x17: {  	s15 =	simm.s32 $0x478;
	s19 =	simm.s32 $0x6440;
	[dreg:$0xe] =	wrdreg s18  }
0x18: {  	s21 =	sadd.s32 s7, s9;
	s22 =	sadd.s32 s7, s6;
	[dreg:$0x11] =	wrdreg s25  }
0x19: {  	[dreg:$0x14] =	wrdreg s26;
	s26 =	simm.s32 $0x340;
	s9 =	simm.s32 $0x3EC0  }
0x1a: {  	s7 =	simm.s32 $0x410;
	s25 =	simm.s32 $0x7700;
	s6 =	simm.s32 $0x89C0  }
.Ltmp0:
0x1b: {  	[dreg:$0xf] =	wrdreg s21;
	s0 =	sadd.s32 $0xEA00, s22;
	(pc) =	sbr.rel .LBB2_1-.Ltmp0, $4  }
0x1c: {  	s18 =	simm.s32 $0x3;
	[dreg:$0x10] =	wrdreg s0;
	s0 =	sadd.s32 $0x68, s24  }
0x1d: {  	s22 =	simm.s32 $0x680;
	[dreg:$0x12] =	wrdreg s0;
	s0 =	sadd.s32 s12, s0  }
0x1e: {  	s12 =	simm.s32 $0x2;
	[dreg:$0x13] =	wrdreg s0;
	s0 =	sshrl.u32 @!p0 s3, $0x3  }
0x1f: {  	v0 =	vimm.f32 $0.0e+00;
	s3 =	simm.s32 $0x2C00;
	[dreg:$0x15] =	wrdreg s0;
	s0 =	simm.s32 $0xD0  }
.LBB2_9:
0x20: {  	_ =	swait.ge [sflag:s18], $0x12C0  }
0x21: {  	[sflag:s18] =	ssyncset.done $0x0  }
0x22: {  	[sflag:s18] =	ssyncadd.s32 $0xFFFFED40  }
0x23: {  	_ =	swait.ge [sflag:s18], $0x12C0  }
0x24: {  	[sflag:s18] =	ssyncset.done $0x0  }
0x25: {  	[sflag:s18] =	ssyncadd.s32 $0xFFFFED40  }
0x26: {  	_ =	swait.ge [sflag:s18], $0x12C0  }
0x27: {  	[sflag:s18] =	ssyncset.done $0x0  }
0x28: {  	[sflag:s18] =	ssyncadd.s32 $0xFFFFED40  }
0x29: {  	_ =	swait.ge [sflag:s18], $0x12C0  }
0x2a: {  	[sflag:s18] =	ssyncset.done $0x0  }
0x2b: {  	[sflag:s18] =	ssyncadd.s32 $0xFFFFED40  }
0x2c: {  	s5 =	stileid.u32;
	[bflag:$0x0] =	sbarrier.arrive $0xFFFF  }
0x2d: {  	s5 =	sshll.u32 s5, $0x6;
	s14 =	rddreg [dreg:$0xf]  }
0x2e: {  	s21 =	simm.s32 $0x4;
	s5 =	sor.u32 $0x1C04, s5;
	s20 =	rddreg [dreg:$0x14]  }
0x2f: {  	[hbm:s14], [sflag:s5] =	dma.local [spmem:s20], $0xEA0  }
0x30: {  	_ =	swait.ge [sflag:s21], $0xEA0  }
0x31: {  	[sflag:s21] =	ssyncset.done $0x0;
	s14 =	rddreg [dreg:$0x10]  }
0x32: {  	s20 =	rddreg [dreg:$0x15];
	[sflag:s21] =	ssyncadd.s32 $0xFFFFF160  }
0x33: {  	[hbm:s14], [sflag:s5] =	dma.local @!p0 [spmem:s20], $0x60  }
0x34: {  	s5 =	simm.s32 @!p0 $0x4  }
0x35: {  	_ =	swait.ge @!p0 [sflag:s5], $0x60  }
0x36: {  	s23 =	rddreg [dreg:$0x16]  }
0x37: {  	s24 =	rddreg [dreg:$0x11];
	s20 =	sadd.s32 $0x1, s23  }
0x38: {  	p1 =	sne.s32 s20, s24  }
.Ltmp1:
0x39: {  	_ = 	snop;
	(pc) =	sbr.rel @!p1 .LBB2_10-.Ltmp1, $3  }
0x3a: {  	_ =	sdelay $0x1  }
0x3b: {  	[sflag:s5] =	ssyncset.done @!p0 $0x0  }
0x3c: {  	[sflag:s5] =	ssyncadd.s32 @!p0 $0xFFFFFFA0  }
.LBB2_1:
0x3d: {  	[dreg:$0x16] =	wrdreg s20;
	s20 =	simm.s32 $0xC0;
	s23 =	simm.s32 $0x0  }
.LBB2_2:
0x3e: {  	p1 =	sne.s32 s20, $0x4A40;
	[tilespmem:s23+$0x6A0] =	vst v0;
	s24 =	smov.u32 s20;
	s20 =	sadd.s32 $0xC0, s20  }
.Ltmp2:
0x3f: {  	[tilespmem:s23+$0x680] =	vst v0;
	(pc) =	sbr.rel @p1 .LBB2_2-.Ltmp2, $2  }
0x40: {  	[tilespmem:s23+$0x690] =	vst v0;
	_ =	sdelay $0x2  }
0x41: {  	s23 =	sshra.s32 s24, $0x2  }
0x42: {  	[tilespmem:s23+$0x6A0] =	vst v0  }
0x43: {  	[tilespmem:s23+$0x680] =	vst v0  }
0x44: {  	[tilespmem:s23+$0x690] =	vst v0;
	s5 =	rddreg [dreg:$0x5];
	s14 =	simm.s32 $0x4  }
0x45: {  	[spmem:s5] =	stream.linear.scatter [tilespmem:s22], [sflag:$0x4], $0x12C0, $0x38;
	[tilespmem:$0x11480] =	vst v63  }
0x46: {  	_ =	swait.ge [sflag:s14], $0x12C0  }
0x47: {  	[sflag:s14] =	ssyncset.done $0x0  }
0x48: {  	s21 =	rddreg [dreg:$0x7];
	[sflag:s14] =	ssyncadd.s32 $0xFFFFED40  }
0x49: {  	[spmem:s21] =	stream.linear.scatter [tilespmem:s22], [sflag:$0x4], $0x12C0, $0x38;
	[tilespmem:$0x11480] =	vst v63  }
0x4a: {  	_ =	swait.ge [sflag:s14], $0x12C0  }
0x4b: {  	[sflag:s14] =	ssyncset.done $0x0  }
0x4c: {  	s23 =	rddreg [dreg:$0x8];
	[sflag:s14] =	ssyncadd.s32 $0xFFFFED40  }
0x4d: {  	[spmem:s23] =	stream.linear.scatter [tilespmem:s22], [sflag:$0x4], $0x12C0, $0x38;
	[tilespmem:$0x11480] =	vst v63  }
0x4e: {  	_ =	swait.ge [sflag:s14], $0x12C0  }
0x4f: {  	[sflag:s14] =	ssyncset.done $0x0  }
0x50: {  	s24 =	rddreg [dreg:$0x9];
	[sflag:s14] =	ssyncadd.s32 $0xFFFFED40  }
0x51: {  	[spmem:s24] =	stream.linear.scatter [tilespmem:s22], [sflag:$0x4], $0x12C0, $0x38;
	[tilespmem:$0x11480] =	vst v63  }
0x52: {  	_ =	swait.ge [sflag:s14], $0x12C0  }
0x53: {  	[sflag:s14] =	ssyncset.done $0x0  }
0x54: {  	s20 =	rddreg [dreg:$0xa];
	[sflag:s14] =	ssyncadd.s32 $0xFFFFED40  }
0x55: {  	[spmem:s20] =	stream.linear.scatter [tilespmem:s22], [sflag:$0x4], $0x12C0, $0x38;
	[tilespmem:$0x11480] =	vst v63  }
0x56: {  	_ =	swait.ge [sflag:s14], $0x12C0  }
0x57: {  	[sflag:s14] =	ssyncset.done $0x0  }
0x58: {  	s21 =	rddreg [dreg:$0xb];
	[sflag:s14] =	ssyncadd.s32 $0xFFFFED40  }
0x59: {  	[spmem:s21] =	stream.linear.scatter [tilespmem:s22], [sflag:$0x4], $0x12C0, $0x38;
	[tilespmem:$0x11480] =	vst v63  }
0x5a: {  	_ =	swait.ge [sflag:s14], $0x12C0  }
0x5b: {  	[sflag:s14] =	ssyncset.done $0x0  }
0x5c: {  	s23 =	rddreg [dreg:$0xc];
	[sflag:s14] =	ssyncadd.s32 $0xFFFFED40  }
0x5d: {  	[spmem:s23] =	stream.linear.scatter [tilespmem:s22], [sflag:$0x4], $0x780, $0x38;
	[tilespmem:$0x11480] =	vst v63  }
0x5e: {  	_ =	swait.ge [sflag:s14], $0x780  }
0x5f: {  	[sflag:s14] =	ssyncset.done $0x0  }
0x60: {  	[sflag:s14] =	ssyncadd.s32 $0xFFFFF880  }
0x61: {  	[bflag:$0x0] =	sbarrier.arrive $0xFFFF  }
0x62: {  	s24 =	rddreg [dreg:$0xe]  }
.Ltmp3:
0x63: {  	s20 =	simm.s32 $0x0;
	s14 =	rddreg [dreg:$0x6];
	(pc) =	sbr.rel .LBB2_4-.Ltmp3, $4  }
0x64: {  	[tilespmem:s20], [sflag:$0x1] =	stream.linear.gather [hbm4b:s24+s20], $0x1A0, $0x38;
	[tilespmem:$0x11480] =	vst v63  }
0x65: {  	s24 =	rddreg [dreg:$0x12]  }
0x66: {  	s23 =	simm.s32 $0x1;
	s21 =	sadd.s32 s14, s16;
	s24 =	sadd.s32 s16, s24  }
0x67: {  	[tilespmem:s26], [sflag:$0x1] =	stream.linear.gather [hbm4b:s21+s20], $0x1A0, $0x38;
	[tilespmem:$0x11480] =	vst v63  }
.LBB2_8:
0x68: {  	s20 =	sadd.s32 $0x68, s20  }
0x69: {  	p1 =	sne.s32 s20, $0x548  }
.Ltmp4:
0x6a: {  	_ = 	snop;
	(pc) =	sbr.rel @!p1 .LBB2_9-.Ltmp4, $2  }
0x6b: {  	_ =	sdelay $0x2  }
0x6c: {  	s23 =	sadd.s32 $0x2, s23  }
.LBB2_4:
0x6d: {  	_ =	swait.ge [sflag:s28], $0x1A0  }
0x6e: {  	[sflag:s28] =	ssyncset.done $0x0  }
0x6f: {  	[sflag:s28] =	ssyncadd.s32 $0xFFFFFE60  }
0x70: {  	_ =	swait.ge [sflag:s28], $0x1A0  }
0x71: {  	[sflag:s28] =	ssyncset.done $0x0  }
0x72: {  	[sflag:s28] =	ssyncadd.s32 $0xFFFFFE60  }
0x73: {  	[tilespmem:s22], [sflag:$0x2] =	stream.indirect.gather [hbm4b:s1+s29], $0x30, s4, s29, $0xb8;
	[tilespmem:$0x11480] =	vst v63  }
0x74: {  	_ = 	snop  }
0x75: {  	[tilespmem:s31], [sflag:$0x2] =	stream.indirect.gather [hbm4b:s1+s29], $0x30, s30, s29, $0xb8;
	[tilespmem:$0x11480] =	vst v63  }
0x76: {  	p1 =	seq.s32 s20, $0x0  }
0x77: {  	[tilespmem:s3], [sflag:$0x2] =	stream.indirect.gather [hbm4b:s1+s29], $0x30, s0, s29, $0xb8;
	[tilespmem:$0x11480] =	vst v63  }
0x78: {  	s5 =	simm.s32 @!p1 $0x3  }
0x79: {  	[tilespmem:s9], [sflag:$0x2] =	stream.indirect.gather [hbm4b:s1+s29], $0x30, s8, s29, $0xb8;
	[tilespmem:$0x11480] =	vst v63  }
0x7a: {  	_ =	swait.ge @!p1 [sflag:s5], $0x12C0  }
0x7b: {  	[sflag:s5] =	ssyncset.done @!p1 $0x0  }
0x7c: {  	[sflag:s5] =	ssyncadd.s32 @!p1 $0xFFFFED40  }
0x7d: {  	_ =	swait.ge @!p1 [sflag:s5], $0x12C0  }
0x7e: {  	[sflag:s5] =	ssyncset.done @!p1 $0x0  }
0x7f: {  	p2 =	sgt.u32 @!p1 s23, $0x18;
	[sflag:s5] =	ssyncadd.s32 @!p1 $0xFFFFED40  }
0x80: {  	p3 =	por p1, !p2;
	_ =	swait.ge @!p1 [sflag:s5], $0x12C0  }
.Ltmp5:
0x81: {  	[sflag:s5] =	ssyncset.done @!p1 $0x0;
	(pc) =	sbr.rel @!p3 .LBB2_6-.Ltmp5, $4  }
0x82: {  	[sflag:s5] =	ssyncadd.s32 @!p1 $0xFFFFED40  }
0x83: {  	_ =	swait.ge @!p1 [sflag:s5], $0x12C0  }
0x84: {  	[sflag:s5] =	ssyncset.done @!p1 $0x0  }
0x85: {  	p2 =	por @!p1 $0x0, $0x0;
	[sflag:s5] =	ssyncadd.s32 @!p1 $0xFFFFED40  }
0x86: {  	s5 =	smov.u32 s23  }
0x87: {  	s5 =	simm.s32 @p1 $0x1  }
0x88: {  	s14 =	rddreg [dreg:$0xd];
	s5 =	sshll.u32 s5, $0x2  }
0x89: {  	s5 =	sadd.s32 s14, s5  }
0x8a: {  	s5 =	smul.u32 $0xD, s5  }
0x8b: {  	s21 =	rddreg [dreg:$0x4]  }
0x8c: {  	s14 =	sadd.s32 s21, s5  }
0x8d: {  	[tilespmem:s10], [sflag:$0x1] =	stream.linear.gather [hbm4b:s14+s4], $0x1A0, $0x38;
	[tilespmem:$0x11480] =	vst v63  }
0x8e: {  	p2 =	por $0x1, $0x1;
	s5 =	sadd.s32 s16, s5  }
0x8f: {  	[tilespmem:s11], [sflag:$0x1] =	stream.linear.gather [hbm4b:s5+s4], $0x1A0, $0x38;
	[tilespmem:$0x11480] =	vst v63  }
.LBB2_6:
0x90: {  	_ =	swait.ge [sflag:s12], $0x12C0  }
0x91: {  	[sflag:s12] =	ssyncset.done $0x0  }
0x92: {  	[sflag:s12] =	ssyncadd.s32 $0xFFFFED40  }
0x93: {  	_ =	swait.ge [sflag:s12], $0x12C0  }
0x94: {  	[sflag:s12] =	ssyncset.done $0x0  }
0x95: {  	[sflag:s12] =	ssyncadd.s32 $0xFFFFED40  }
0x96: {  	_ =	swait.ge [sflag:s12], $0x12C0  }
0x97: {  	[sflag:s12] =	ssyncset.done $0x0  }
0x98: {  	[sflag:s12] =	ssyncadd.s32 $0xFFFFED40  }
0x99: {  	_ =	swait.ge [sflag:s12], $0x12C0  }
0x9a: {  	[sflag:s12] =	ssyncset.done $0x0  }
0x9b: {  	[sflag:s12] =	ssyncadd.s32 $0xFFFFED40  }
0x9c: {  	[spmem:s2] =	stream.indirect.scatter.add.f32 [tilespmem:s22], [sflag:$0x3], $0x30, s26, s29, $0xb8;
	[tilespmem:$0x11480] =	vst v63  }
0x9d: {  	_ = 	snop  }
0x9e: {  	[spmem:s2] =	stream.indirect.scatter.add.f32 [tilespmem:s31], [sflag:$0x3], $0x30, s13, s29, $0xb8;
	[tilespmem:$0x11480] =	vst v63  }
.Ltmp6:
0x9f: {  	_ = 	snop;
	(pc) =	sbr.rel @!p2 .LBB2_8-.Ltmp6, $4  }
0xa0: {  	_ = 	snop  }
0xa1: {  	[spmem:s2] =	stream.indirect.scatter.add.f32 [tilespmem:s3], [sflag:$0x3], $0x30, s7, s29, $0xb8;
	[tilespmem:$0x11480] =	vst v63  }
0xa2: {  	_ = 	snop  }
0xa3: {  	[spmem:s2] =	stream.indirect.scatter.add.f32 [tilespmem:s9], [sflag:$0x3], $0x30, s15, s29, $0xb8;
	[tilespmem:$0x11480] =	vst v63  }
0xa4: {  	_ =	swait.ge [sflag:s28], $0x1A0  }
0xa5: {  	[sflag:s28] =	ssyncset.done $0x0  }
0xa6: {  	[sflag:s28] =	ssyncadd.s32 $0xFFFFFE60  }
0xa7: {  	_ =	swait.ge [sflag:s28], $0x1A0  }
0xa8: {  	[sflag:s28] =	ssyncset.done $0x0  }
0xa9: {  	[sflag:s28] =	ssyncadd.s32 $0xFFFFFE60  }
0xaa: {  	[tilespmem:s17], [sflag:$0x2] =	stream.indirect.gather [hbm4b:s1+s29], $0x30, s10, s29, $0xb8;
	[tilespmem:$0x11480] =	vst v63  }
0xab: {  	s5 =	simm.s32 $0x208  }
0xac: {  	[tilespmem:s19], [sflag:$0x2] =	stream.indirect.gather [hbm4b:s1+s29], $0x30, s5, s29, $0xb8;
	[tilespmem:$0x11480] =	vst v63  }
0xad: {  	s21 =	simm.s32 $0x270  }
0xae: {  	[tilespmem:s25], [sflag:$0x2] =	stream.indirect.gather [hbm4b:s1+s29], $0x30, s21, s29, $0xb8;
	[tilespmem:$0x11480] =	vst v63  }
0xaf: {  	s14 =	simm.s32 $0x2D8  }
0xb0: {  	[tilespmem:s6], [sflag:$0x2] =	stream.indirect.gather [hbm4b:s1+s29], $0x30, s14, s29, $0xb8;
	[tilespmem:$0x11480] =	vst v63  }
0xb1: {  	_ =	swait.ge [sflag:s18], $0x12C0  }
0xb2: {  	[sflag:s18] =	ssyncset.done $0x0  }
0xb3: {  	[sflag:s18] =	ssyncadd.s32 $0xFFFFED40  }
0xb4: {  	_ =	swait.ge [sflag:s18], $0x12C0  }
0xb5: {  	[sflag:s18] =	ssyncset.done $0x0  }
0xb6: {  	[sflag:s18] =	ssyncadd.s32 $0xFFFFED40  }
0xb7: {  	_ =	swait.ge [sflag:s18], $0x12C0  }
0xb8: {  	[sflag:s18] =	ssyncset.done $0x0  }
0xb9: {  	[sflag:s18] =	ssyncadd.s32 $0xFFFFED40  }
0xba: {  	_ =	swait.ge [sflag:s18], $0x12C0  }
0xbb: {  	p1 =	seq.s32 s20, $0x4E0;
	[sflag:s18] =	ssyncset.done $0x0;
	s5 =	rddreg [dreg:$0x13]  }
0xbc: {  	s14 =	simm.s32 @!p1 $0x0;
	[sflag:s18] =	ssyncadd.s32 $0xFFFFED40;
	s5 =	sadd.s32 @!p1 s20, s5  }
0xbd: {  	[tilespmem:s14], [sflag:$0x1] =	stream.linear.gather @!p1 [hbm4b:s5+s14], $0x1A0, $0x38;
	[tilespmem:$0x11480] =	vst v63  }
0xbe: {  	s21 =	simm.s32 @!p1 $0x340;
	s5 =	sadd.s32 @!p1 s20, s24  }
0xbf: {  	[tilespmem:s21], [sflag:$0x1] =	stream.linear.gather @!p1 [hbm4b:s5+s14], $0x1A0, $0x38;
	[tilespmem:$0x11480] =	vst v63  }
0xc0: {  	_ =	swait.ge [sflag:s12], $0x12C0  }
0xc1: {  	[sflag:s12] =	ssyncset.done $0x0  }
0xc2: {  	[sflag:s12] =	ssyncadd.s32 $0xFFFFED40  }
0xc3: {  	_ =	swait.ge [sflag:s12], $0x12C0  }
0xc4: {  	[sflag:s12] =	ssyncset.done $0x0  }
0xc5: {  	[sflag:s12] =	ssyncadd.s32 $0xFFFFED40  }
0xc6: {  	_ =	swait.ge [sflag:s12], $0x12C0  }
0xc7: {  	[sflag:s12] =	ssyncset.done $0x0  }
0xc8: {  	[sflag:s12] =	ssyncadd.s32 $0xFFFFED40  }
0xc9: {  	_ =	swait.ge [sflag:s12], $0x12C0  }
0xca: {  	[sflag:s12] =	ssyncset.done $0x0  }
0xcb: {  	[sflag:s12] =	ssyncadd.s32 $0xFFFFED40  }
0xcc: {  	[spmem:s2] =	stream.indirect.scatter.add.f32 [tilespmem:s17], [sflag:$0x3], $0x30, s11, s29, $0xb8;
	[tilespmem:$0x11480] =	vst v63  }
0xcd: {  	s21 =	simm.s32 $0x548  }
0xce: {  	[spmem:s2] =	stream.indirect.scatter.add.f32 [tilespmem:s19], [sflag:$0x3], $0x30, s21, s29, $0xb8;
	[tilespmem:$0x11480] =	vst v63  }
.Ltmp7:
0xcf: {  	_ = 	snop;
	(pc) =	sbr.rel .LBB2_8-.Ltmp7, $4  }
0xd0: {  	s14 =	simm.s32 $0x5B0  }
0xd1: {  	[spmem:s2] =	stream.indirect.scatter.add.f32 [tilespmem:s25], [sflag:$0x3], $0x30, s14, s29, $0xb8;
	[tilespmem:$0x11480] =	vst v63  }
0xd2: {  	s21 =	simm.s32 $0x618  }
0xd3: {  	[spmem:s2] =	stream.indirect.scatter.add.f32 [tilespmem:s6], [sflag:$0x3], $0x30, s21, s29, $0xb8;
	[tilespmem:$0x11480] =	vst v63  }
.LBB2_10:
0xd4: {  	_ =	sfence.sel $0x180000  }
0xd5: {  	[bflag:$0x0] =	sbarrier.arrive $0xFFFF  }
0xd6: {  	_ =	strace $0x9000004A  }
0xd7: {  	s0 =	stileid.u32;
	[bflag:$0x2] =	sbarrier.arrive $0xFFFF  }
0xd8: {  	p0 =	sne.s32 s0, $0x0;
	s0 =	rddreg [dreg:$0x3]  }
0xd9: {  	s0 =	sadd.s32 @!p0 $0x100000, s0  }
0xda: {  	[sflag:s0] =	ssyncadd.tile.s32 @!p0 $0x1;
	_ =	shalt  }
.Lfunc_end2:
_tile_overlayer_lowered:
.L_overlay_start_2:
0xdb: {  	(tag) =	ssettag $0x2  }
0xdc: {  	s0 =	rddreg [dreg:$0x0];
	s2 =	stileid.u32  }
0xdd: {  	s1 =	rddreg [dreg:$0x1];
	p0 =	sne.s32 s2, $0x0  }
0xde: {  	s3 =	rddreg [dreg:$0x2];
	[bflag:$0x3] =	sbarrier.arrive $0xFFFF;
	s2 =	simm.s32 @!p0 $0x1C04  }
0xdf: {  	[timem:s3], [sflag:s2] =	dma.local @!p0 [hbm:s0], s1  }
0xe0: {  	s0 =	simm.s32 @!p0 $0x4  }
0xe1: {  	_ =	swait.ge @!p0 [sflag:s0], s1  }
0xe2: {  	s1 =	ssub.s32 @!p0 $0x0, s1;
	[sflag:s0] =	ssyncset.done @!p0 $0x0  }
0xe3: {  	[sflag:s0] =	ssyncadd.s32 @!p0 s1  }
0xe4: {  	[bflag:$0x3] =	sbarrier.arrive $0xFFFF  }
0xe5: {  	_ =	shalt  }

// kernel: kernel.8.cloned.1.call-start
scs
__scs_entry_jumppad:
0x0: {  	(pc) =	sbr.rel $0x88, $3  }
0x1: {  	(tag) =	ssettag $0x0;
	lr =	simm.s32 $0x1  }
0x2: {  	[smem:$0x3F99] =	sst lr;
	_ =	strace $0xD0000000  }
0x3: {  	_ = 	snop  }
0x4: {  	_ = 	snop  }
0x5: {  	_ = 	snop  }
0x6: {  	_ = 	snop  }
0x7: {  	_ = 	snop  }
__scs_overlays_trampoline_lowered:
0x8: {  	[smem:$0x3FA8] =	sst s0  }
0x9: {  	[smem:$0x3FA9] =	sst s1  }
0xa: {  	[smem:$0x3FAA] =	sst s2  }
0xb: {  	[smem:$0x3FAB] =	sst s3  }
0xc: {  	[smem:$0x3FAC] =	sst s4  }
0xd: {  	[smem:$0x3FAD] =	sst s5  }
0xe: {  	[smem:$0x3FAE] =	sst s6  }
0xf: {  	[smem:$0x3FAF] =	sst s7  }
0x10: {  	[smem:$0x3FB0] =	sst s8  }
0x11: {  	[smem:$0x3FB1] =	sst s9;
	s0 =	simm.s32 @!p0 $0x0  }
0x12: {  	s1 =	sld [smem:$0x3F97];
	s0 =	simm.s32 @p0 $0x1  }
0x13: {  	[smem:$0x3FB2] =	sst s0;
	s0 =	simm.s32 @!p1 $0x0  }
0x14: {  	s2 =	sld [smem:$0x3F96];
	s0 =	simm.s32 @p1 $0x1  }
0x15: {  	[smem:$0x3FB3] =	sst s0;
	s0 =	simm.s32 @!p2 $0x0  }
0x16: {  	s3 =	sld [smem:$0x3FDB];
	s0 =	simm.s32 @p2 $0x1  }
0x17: {  	s4 =	simm.s32 $0x1BF5;
	[smem:$0x3FB5] =	sst s0  }
0x18: {  	s0 =	sld [smem:$0x3F98];
	_ =	swait.ge [sflag:s4], $0x0  }
0x19: {  	s7 =	sld [smem:$0x3F99]  }
0x1a: {  	s8 =	sadd.s32 $0xFFFFE003, lr  }
0x1b: {  	s9 =	sadd.s32 $0xFFFFFEF7, lr;
	s5 =	simm.s32 $0xFFFFFFFF;
	p2 =	slt.u32 s8, $0xFFFFF086  }
0x1c: {  	p1 =	slt.u32 s9, $0xF7A;
	s5 =	simm.s32 @!p2 $0x0  }
0x1d: {  	s5 =	simm.s32 @p1 $0x1;
	p0 =	seq.s32 s7, s2  }
0x1e: {  	s7 =	smul.u32 @!p0 $0xF7A, s2;
	p2 =	seq.s32 @!p0 s5, $0x0  }
0x1f: {  	s9 =	smul.u32 $0xF7A, s1;
	s8 =	simm.s32 @!p0 $0x1BF5;
	p2 =	por !p2, p0  }
0x20: {  	[sflag:s8] =	ssyncset.s32 @!p0 $0xFFFFF086;
	s6 =	sadd.s32 @!p0 s3, s7;
	s7 =	simm.s32 @!p0 $0x108  }
0x21: {  	s3 =	sadd.s32 s3, s9;
	s6 =	sadd.s32 @!p0 $0x88, s6;
	s7 =	simm.s32 @p2 $0x1082  }
0x22: {  	[simem:s7], [sflag:s8] =	dma.local @!p0 [hbm:s6], $0xF7A  }
0x23: {  	s9 =	sor.u32 $0xD0000000, s2;
	s6 =	simm.s32 $0x108;
	_ =	swait.ge @!p0 [sflag:s8], $0x0  }
0x24: {  	s3 =	sadd.s32 $0x88, s3;
	s6 =	simm.s32 @!p1 $0x1082;
	[sflag:s4] =	ssyncset.s32 $0xFFFFF086  }
0x25: {  	[simem:s6], [sflag:s4] =	dma.local [hbm:s3], $0xF7A  }
0x26: {  	[smem:$0x3F99] =	sst s1;
	(tag) =	ssettag s2;
	_ =	strace s9  }
0x27: {  	s1 =	sld [smem:$0x3FA9]  }
0x28: {  	s2 =	sld [smem:$0x3FAA]  }
0x29: {  	s4 =	sld [smem:$0x3FAC]  }
0x2a: {  	p0 =	seq.s32 s5, $0x0;
	s5 =	sld [smem:$0x3FAD]  }
0x2b: {  	s6 =	sld [smem:$0x3FAE]  }
0x2c: {  	s7 =	sld [smem:$0x3FAF]  }
0x2d: {  	s3 =	simm.s32 $0x108;
	s8 =	sld [smem:$0x3FB0]  }
0x2e: {  	s3 =	simm.s32 @!p0 $0x1082;
	s9 =	sld [smem:$0x3FB1]  }
0x2f: {  	lr =	sadd.s32 s0, s3;
	s0 =	sld [smem:$0x3FA8]  }
0x30: {  	s3 =	sld [smem:$0x3FAB]  }
0x31: {  	[smem:$0x3FB4] =	sst s10  }
0x32: {  	s10 =	sld [smem:$0x3FB2];
	_ =	sdelay $0x3  }
0x33: {  	p0 =	seq.s32 s10, $0x1;
	s10 =	sld [smem:$0x3FB4];
	_ =	sdelay $0x3  }
0x34: {  	[smem:$0x3FB4] =	sst s10  }
0x35: {  	s10 =	sld [smem:$0x3FB3];
	_ =	sdelay $0x3  }
0x36: {  	p1 =	seq.s32 s10, $0x1;
	s10 =	sld [smem:$0x3FB4];
	_ =	sdelay $0x3  }
0x37: {  	[smem:$0x3FB4] =	sst s10  }
0x38: {  	s10 =	sld [smem:$0x3FB5]  }
0x39: {  	_ = 	snop;
	(pc) =	sbr.ind lr, $3  }
0x3a: {  	_ = 	snop  }
0x3b: {  	_ = 	snop  }
0x3c: {  	p2 =	seq.s32 s10, $0x1;
	s10 =	sld [smem:$0x3FB4]  }
0x3d: {  	_ =	shalt  }
0x3e: {  	_ =	shalt  }
0x3f: {  	_ =	shalt  }
0x40: {  	_ =	shalt  }
0x41: {  	_ =	shalt  }
0x42: {  	_ =	shalt  }
0x43: {  	_ =	shalt  }
0x44: {  	_ =	shalt  }
0x45: {  	_ =	shalt  }
0x46: {  	_ =	shalt  }
0x47: {  	_ =	shalt  }
0x48: {  	_ =	shalt  }
0x49: {  	_ =	shalt  }
0x4a: {  	_ =	shalt  }
0x4b: {  	_ =	shalt  }
0x4c: {  	_ =	shalt  }
0x4d: {  	_ =	shalt  }
0x4e: {  	_ =	shalt  }
0x4f: {  	_ =	shalt  }
0x50: {  	_ =	shalt  }
0x51: {  	_ =	shalt  }
0x52: {  	_ =	shalt  }
0x53: {  	_ =	shalt  }
0x54: {  	_ =	shalt  }
0x55: {  	_ =	shalt  }
0x56: {  	_ =	shalt  }
0x57: {  	_ =	shalt  }
0x58: {  	_ =	shalt  }
0x59: {  	_ =	shalt  }
0x5a: {  	_ =	shalt  }
0x5b: {  	_ =	shalt  }
0x5c: {  	_ =	shalt  }
0x5d: {  	_ =	shalt  }
0x5e: {  	_ =	shalt  }
0x5f: {  	_ =	shalt  }
0x60: {  	_ =	shalt  }
0x61: {  	_ =	shalt  }
0x62: {  	_ =	shalt  }
0x63: {  	_ =	shalt  }
0x64: {  	_ =	shalt  }
0x65: {  	_ =	shalt  }
0x66: {  	_ =	shalt  }
0x67: {  	_ =	shalt  }
0x68: {  	_ =	shalt  }
0x69: {  	_ =	shalt  }
0x6a: {  	_ =	shalt  }
0x6b: {  	_ =	shalt  }
0x6c: {  	_ =	shalt  }
0x6d: {  	_ =	shalt  }
0x6e: {  	_ =	shalt  }
0x6f: {  	_ =	shalt  }
0x70: {  	_ =	shalt  }
0x71: {  	_ =	shalt  }
0x72: {  	_ =	shalt  }
0x73: {  	_ =	shalt  }
0x74: {  	_ =	shalt  }
0x75: {  	_ =	shalt  }
0x76: {  	_ =	shalt  }
0x77: {  	_ =	shalt  }
0x78: {  	_ =	shalt  }
0x79: {  	_ =	shalt  }
0x7a: {  	_ =	shalt  }
0x7b: {  	_ =	shalt  }
0x7c: {  	_ =	shalt  }
0x7d: {  	_ =	shalt  }
0x7e: {  	_ =	shalt  }
0x7f: {  	_ =	shalt  }
0x80: {  	_ =	shalt  }
0x81: {  	_ =	shalt  }
0x82: {  	_ =	shalt  }
0x83: {  	_ =	shalt  }
0x84: {  	_ =	shalt  }
0x85: {  	_ =	shalt  }
0x86: {  	_ =	shalt  }
0x87: {  	_ =	shalt  }
.Lfunc_end0:
.L_simem_size_0:
called_computation_lowered:
.L_overlay_start_0:
0x88: {  	s2 =	sld [smem:$0x3FD9]  }
0x89: {  	s3 =	sld [smem:$0x3FFE];
	_ =	sdelay $0x1  }
0x8a: {  	s1 =	srdreg.scid  }
0x8b: {  	s0 =	sand.u32 $0x1, s1  }
0x8c: {  	s16 =	sshll.u32 s0, $0xA;
	s2 =	sadd.s32 s3, s2  }
0x8d: {  	s2 =	sadd.s32 s2, s16  }
0x8e: {  	[smem:$0x3FC0] =	sst s2  }
0x8f: {  	_ = 	snop  }
0x90: {  	(tm) =	ssettm $0x1  }
0x91: {  	s17 =	sld [smem:$0x3FFB];
	_ =	sdelay $0x3  }
0x92: {  	_ =	strace s17  }
0x93: {  	s2 =	sld [smem:$0x3FFC];
	_ =	sdelay $0x3  }
0x94: {  	_ =	strace s2  }
0x95: {  	s2 =	sld [smem:$0x3FFD];
	_ =	sdelay $0x3  }
0x96: {  	_ =	strace s2  }
0x97: {  	_ =	strace $0x8FFFFFFF  }
0x98: {  	s18 =	sld [smem:$0x3FDB];
	_ =	sdelay $0x1  }
0x99: {  	s19 =	simm.s32 $_scs_section_size  }
0x9a: {  	s4 =	simm.s32 $_size__tile_overlayer_lowered;
	s5 =	simm.s32 $_tile_overlayer_lowered  }
0x9b: {  	s22 =	simm.s32 $0x1BFF;
	s21 =	sshll.u32 s5, $0x1;
	s2 =	sadd.s32 s19, s18  }
0x9c: {  	s6 =	simm.s32 $0x0;
	s20 =	sshll.u32 s4, $0x1;
	s4 =	sadd.s32 s21, s2  }
0x9d: {  	[timem:s6], [sflag:s22] =	dma.local [hbm:s4], s20  }
0x9e: {  	_ =	swait.ge [sflag:s22], s20  }
0x9f: {  	s3 =	ssub.s32 $0x0, s20;
	[sflag:s22] =	ssyncset.done $0x0  }
0xa0: {  	[sflag:s22] =	ssyncadd.s32 s3;
	_ =	sdelay $0x1  }
0xa1: {  	s23 =	simm.s32 $0x1B8B  }
0xa2: {  	_ =	swait.ge [sflag:s23], $0x1  }
0xa3: {  	[sflag:s23] =	ssyncset.done $0x0  }
0xa4: {  	s25 =	simm.s32 $0x1B8E;
	s24 =	sld [smem:$0x3FFE];
	[sflag:s23] =	ssyncadd.s32 $0xFFFFFFFF  }
0xa5: {  	s26 =	simm.s32 $execute0_lowered;
	[smem:$0x3FD2] =	sst s25  }
0xa6: {  	s4 =	sshll.u32 s26, $0x1;
	_ =	strace $0x80000046;
	[dreg:$0x1] =	wrdreg $0xFFFFFFFF  }
0xa7: {  	s28 =	simm.s32 $_size_execute0_lowered;
	s2 =	sadd.s32 s2, s4;
	[dreg:$0x0] =	wrdreg $0x0  }
0xa8: {  	s4 =	sshll.u32 s28, $0x1;
	[dreg:$0x2] =	wrdreg s2  }
0xa9: {  	[dreg:$0x3] =	wrdreg s4  }
0xaa: {  	[dreg:$0x4] =	wrdreg $0xC0  }
0xab: {  	_ =	task [dreg:s6], $0x5FFFF  }
0xac: {  	[dreg:$0x1] =	wrdreg $0xFFFFFFFF  }
0xad: {  	[dreg:$0x0] =	wrdreg $0x60  }
0xae: {  	[dreg:$0x2] =	wrdreg s24  }
0xaf: {  	[dreg:$0x3] =	wrdreg $0x100800  }
0xb0: {  	[dreg:$0x4] =	wrdreg $0x9  }
0xb1: {  	_ =	task.clear_ibuf [dreg:s6], $0x5FFFF;
	_ =	strace $0x90000046  }
0xb2: {  	s29 =	simm.s32 $0x9;
	_ =	strace $0x80000048  }
0xb3: {  	_ =	swait.ge [sflag:s29], $0x1  }
0xb4: {  	[sflag:s29] =	ssyncadd.s32 $0xFFFFFFFF  }
0xb5: {  	_ =	strace $0x90000048  }
0xb6: {  	_ =	sfence  }
0xb7: {  	s30 =	sld [smem:$0x0];
	_ =	sdelay $0x2  }
0xb8: {  	s31 =	sshll.u32 s1, $0xD;
	s1 =	sshrl.u32 s1, $0x2  }
0xb9: {  	s3 =	sand.u32 $0x4000, s31;
	s1 =	sadd.s32 s1, s30  }
0xba: {  	s0 =	sor.u32 s3, s0;
	s1 =	sshll.u32 s1, $0x11  }
0xbb: {  	s0 =	sor.u32 s1, s0  }
0xbc: {  	s0 =	sadd.s32 $0x8F2B, s0  }
0xbd: {  	[sflag:s0] =	ssyncadd.remote.s32 $0x1  }
0xbe: {  	_ =	sfence.sel $0xFFFF  }
0xbf: {  	[dreg:$0x0] =	wrdreg $0xFFFFFFFF;
	(pc) =	sbr.abs _section_cstart, $3  }
0xc0: {  	[dreg:$0x1] =	wrdreg $0xFFFFFFFF  }
0xc1: {  	_ =	task.clear_ibuf [dreg:s6], $0x2FFFF;
	_ =	strace $0x9FFFFFFF  }
0xc2: {  	(tm) =	ssettm $0x7FFFFFFF  }
0xc3: {  	_ =	shalt  }
tec
execute0_lowered:
.L_overlay_start_1:
0x0: {  	(tag) =	ssettag $0x1  }
0x1: {  	s0 =	rddreg [dreg:$0x0]  }
0x2: {  	s1 =	rddreg [dreg:$0x1]  }
0x3: {  	s2 =	simm.s32 $0x0;
	s3 =	srdreg.scid;
	s5 =	stileid.u32  }
0x4: {  	s28 =	simm.s32 $0x1;
	s29 =	simm.s32 $0x64;
	s30 =	simm.s32 $0x68  }
0x5: {  	s31 =	simm.s32 $0x25C0;
	[smem:$0x7FF] =	sst s2;
	s6 =	smul.u32 $0x32000, s5  }
0x6: {  	s4 =	sadd.s32 $0x16400, s0;
	s12 =	sadd.s32 $0x1E00, s0;
	s17 =	smul.u32 $0xC300, s5  }
0x7: {  	s3 =	sand.u32 $0x1, s3;
	s7 =	sadd.s32 $0x2EC00, s0;
	s20 =	smul.u32 $0x514, s5  }
0x8: {  	p0 =	sne.s32 s5, $0xF;
	_ =	strace $0x80000047;
	s8 =	ssub.s32 $0x2, s3  }
0x9: {  	s9 =	sshll.u32 s3, $0x4;
	s26 =	smul.u32 $0xC3500, s3;
	s6 =	sshrl.u32 s6, $0x2  }
0xa: {  	s3 =	smul.u32 $0x5140, s3;
	[dreg:$0x3] =	wrdreg s12;
	s11 =	sadd.s32 s6, s1  }
0xb: {  	s10 =	sshrl.u32 s8, $0x1;
	s6 =	sadd.s32 $0x1F40, s11;
	[dreg:$0x4] =	wrdreg s11  }
0xc: {  	s9 =	sor.u32 s5, s9;
	s25 =	sadd.s32 $0x3E80, s11;
	[dreg:$0x6] =	wrdreg s6  }
0xd: {  	s23 =	sadd.s32 s17, s1;
	s15 =	sadd.s32 $0x5DC0, s11;
	[dreg:$0x7] =	wrdreg s25  }
0xe: {  	s8 =	ssub.s32 s8, s10;
	s16 =	sadd.s32 $0x7D00, s11;
	[dreg:$0x8] =	wrdreg s15  }
0xf: {  	s13 =	smul.u32 $0x514, s9;
	s14 =	sadd.s32 $0x9C40, s11;
	[dreg:$0x9] =	wrdreg s16  }
0x10: {  	s9 =	smul.u32 $0x64, s9;
	s11 =	sadd.s32 $0xBB80, s11;
	[dreg:$0xa] =	wrdreg s14  }
0x11: {  	s19 =	sadd.s32 s17, s26;
	s24 =	sadd.s32 s20, s3;
	[dreg:$0xb] =	wrdreg s11  }
0x12: {  	s3 =	sadd.s32 $0xC3000, s1;
	s10 =	simm.s32 $0x1A0;
	[dreg:$0xc] =	wrdreg s9  }
0x13: {  	s17 =	simm.s32 $0x8380;
	s20 =	simm.s32 $0x0;
	[dreg:$0x5] =	wrdreg s13  }
0x14: {  	s18 =	sadd.s32 s12, s13;
	s9 =	sshrl.u32 s19, $0x3;
	s6 =	sshrl.u32 s26, $0x3  }
0x15: {  	s16 =	sadd.s32 $0xC080, s0;
	s25 =	smax.u32 s8, $0x1;
	s26 =	sshrl.u32 s23, $0x3  }
0x16: {  	s8 =	simm.s32 $0x138;
	s11 =	simm.s32 $0x4E0;
	s13 =	simm.s32 $0x3A8  }
0x17: {  	s15 =	simm.s32 $0x478;
	s19 =	simm.s32 $0xA2C0;
	[dreg:$0xd] =	wrdreg s18  }
0x18: {  	s21 =	sadd.s32 s7, s9;
	s22 =	sadd.s32 s7, s6;
	[dreg:$0x10] =	wrdreg s25  }
0x19: {  	[dreg:$0x13] =	wrdreg s26;
	s26 =	simm.s32 $0x340;
	s9 =	simm.s32 $0x6440  }
0x1a: {  	s7 =	simm.s32 $0x410;
	s25 =	simm.s32 $0xC200;
	s6 =	simm.s32 $0xE140  }
.Ltmp0:
0x1b: {  	[dreg:$0xe] =	wrdreg s21;
	s0 =	sadd.s32 $0x18600, s22;
	(pc) =	sbr.rel .LBB2_1-.Ltmp0, $4  }
0x1c: {  	s18 =	simm.s32 $0x3;
	[dreg:$0xf] =	wrdreg s0;
	s0 =	sadd.s32 $0x68, s24  }
0x1d: {  	s22 =	simm.s32 $0x680;
	[dreg:$0x11] =	wrdreg s0;
	s0 =	sadd.s32 s12, s0  }
0x1e: {  	s12 =	simm.s32 $0x2;
	[dreg:$0x12] =	wrdreg s0;
	s0 =	sshrl.u32 @!p0 s3, $0x3  }
0x1f: {  	v0 =	vimm.f32 $0.0e+00;
	s3 =	simm.s32 $0x4500;
	[dreg:$0x14] =	wrdreg s0;
	s0 =	simm.s32 $0xD0  }
.LBB2_9:
0x20: {  	_ =	swait.ge [sflag:s18], $0x1F40  }
0x21: {  	[sflag:s18] =	ssyncset.done $0x0  }
0x22: {  	[sflag:s18] =	ssyncadd.s32 $0xFFFFE0C0  }
0x23: {  	_ =	swait.ge [sflag:s18], $0x1F40  }
0x24: {  	[sflag:s18] =	ssyncset.done $0x0  }
0x25: {  	[sflag:s18] =	ssyncadd.s32 $0xFFFFE0C0  }
0x26: {  	_ =	swait.ge [sflag:s18], $0x1F40  }
0x27: {  	[sflag:s18] =	ssyncset.done $0x0  }
0x28: {  	[sflag:s18] =	ssyncadd.s32 $0xFFFFE0C0  }
0x29: {  	_ =	swait.ge [sflag:s18], $0x1F40  }
0x2a: {  	[sflag:s18] =	ssyncset.done $0x0  }
0x2b: {  	[sflag:s18] =	ssyncadd.s32 $0xFFFFE0C0  }
0x2c: {  	s5 =	stileid.u32;
	[bflag:$0x0] =	sbarrier.arrive $0xFFFF  }
0x2d: {  	s5 =	sshll.u32 s5, $0x6;
	s14 =	rddreg [dreg:$0xe]  }
0x2e: {  	s21 =	simm.s32 $0x4;
	s5 =	sor.u32 $0x1C04, s5;
	s20 =	rddreg [dreg:$0x13]  }
0x2f: {  	[hbm:s14], [sflag:s5] =	dma.local [spmem:s20], $0x1860  }
0x30: {  	_ =	swait.ge [sflag:s21], $0x1860  }
0x31: {  	[sflag:s21] =	ssyncset.done $0x0;
	s14 =	rddreg [dreg:$0xf]  }
0x32: {  	s20 =	rddreg [dreg:$0x14];
	[sflag:s21] =	ssyncadd.s32 $0xFFFFE7A0  }
0x33: {  	[hbm:s14], [sflag:s5] =	dma.local @!p0 [spmem:s20], $0xA0  }
0x34: {  	s5 =	simm.s32 @!p0 $0x4  }
0x35: {  	_ =	swait.ge @!p0 [sflag:s5], $0xA0  }
0x36: {  	s23 =	rddreg [dreg:$0x15]  }
0x37: {  	s24 =	rddreg [dreg:$0x10];
	s20 =	sadd.s32 $0x1, s23  }
0x38: {  	p1 =	sne.s32 s20, s24  }
.Ltmp1:
0x39: {  	_ = 	snop;
	(pc) =	sbr.rel @!p1 .LBB2_10-.Ltmp1, $3  }
0x3a: {  	_ =	sdelay $0x1  }
0x3b: {  	[sflag:s5] =	ssyncset.done @!p0 $0x0  }
0x3c: {  	[sflag:s5] =	ssyncadd.s32 @!p0 $0xFFFFFF60  }
.LBB2_1:
0x3d: {  	[dreg:$0x15] =	wrdreg s20;
	s23 =	simm.s32 $0x140;
	s20 =	simm.s32 $0x0  }
.LBB2_2:
0x3e: {  	p1 =	sne.s32 s23, $0x7BC0;
	[tilespmem:s20+$0x6C0] =	vst v0;
	s24 =	smov.u32 s23;
	s23 =	sadd.s32 $0x140, s23  }
.Ltmp2:
0x3f: {  	[tilespmem:s20+$0x6B0] =	vst v0;
	(pc) =	sbr.rel @p1 .LBB2_2-.Ltmp2, $4  }
0x40: {  	[tilespmem:s20+$0x6A0] =	vst v0  }
0x41: {  	[tilespmem:s20+$0x680] =	vst v0  }
0x42: {  	[tilespmem:s20+$0x690] =	vst v0  }
0x43: {  	s20 =	sshra.s32 s24, $0x2  }
0x44: {  	[tilespmem:s20+$0x6C0] =	vst v0  }
0x45: {  	[tilespmem:s20+$0x6B0] =	vst v0  }
0x46: {  	[tilespmem:s20+$0x6A0] =	vst v0  }
0x47: {  	[tilespmem:s20+$0x680] =	vst v0  }
0x48: {  	[tilespmem:s20+$0x690] =	vst v0;
	s5 =	rddreg [dreg:$0x4];
	s14 =	simm.s32 $0x4  }
0x49: {  	[spmem:s5] =	stream.linear.scatter [tilespmem:s22], [sflag:$0x4], $0x1F40, $0x38;
	[tilespmem:$0x1C880] =	vst v63  }
0x4a: {  	_ =	swait.ge [sflag:s14], $0x1F40  }
0x4b: {  	[sflag:s14] =	ssyncset.done $0x0  }
0x4c: {  	s24 =	rddreg [dreg:$0x6];
	[sflag:s14] =	ssyncadd.s32 $0xFFFFE0C0  }
0x4d: {  	[spmem:s24] =	stream.linear.scatter [tilespmem:s22], [sflag:$0x4], $0x1F40, $0x38;
	[tilespmem:$0x1C880] =	vst v63  }
0x4e: {  	_ =	swait.ge [sflag:s14], $0x1F40  }
0x4f: {  	[sflag:s14] =	ssyncset.done $0x0  }
0x50: {  	s20 =	rddreg [dreg:$0x7];
	[sflag:s14] =	ssyncadd.s32 $0xFFFFE0C0  }
0x51: {  	[spmem:s20] =	stream.linear.scatter [tilespmem:s22], [sflag:$0x4], $0x1F40, $0x38;
	[tilespmem:$0x1C880] =	vst v63  }
0x52: {  	_ =	swait.ge [sflag:s14], $0x1F40  }
0x53: {  	[sflag:s14] =	ssyncset.done $0x0  }
0x54: {  	s21 =	rddreg [dreg:$0x8];
	[sflag:s14] =	ssyncadd.s32 $0xFFFFE0C0  }
0x55: {  	[spmem:s21] =	stream.linear.scatter [tilespmem:s22], [sflag:$0x4], $0x1F40, $0x38;
	[tilespmem:$0x1C880] =	vst v63  }
0x56: {  	_ =	swait.ge [sflag:s14], $0x1F40  }
0x57: {  	[sflag:s14] =	ssyncset.done $0x0  }
0x58: {  	s23 =	rddreg [dreg:$0x9];
	[sflag:s14] =	ssyncadd.s32 $0xFFFFE0C0  }
0x59: {  	[spmem:s23] =	stream.linear.scatter [tilespmem:s22], [sflag:$0x4], $0x1F40, $0x38;
	[tilespmem:$0x1C880] =	vst v63  }
0x5a: {  	_ =	swait.ge [sflag:s14], $0x1F40  }
0x5b: {  	[sflag:s14] =	ssyncset.done $0x0  }
0x5c: {  	s24 =	rddreg [dreg:$0xa];
	[sflag:s14] =	ssyncadd.s32 $0xFFFFE0C0  }
0x5d: {  	[spmem:s24] =	stream.linear.scatter [tilespmem:s22], [sflag:$0x4], $0x1F40, $0x38;
	[tilespmem:$0x1C880] =	vst v63  }
0x5e: {  	_ =	swait.ge [sflag:s14], $0x1F40  }
0x5f: {  	[sflag:s14] =	ssyncset.done $0x0  }
0x60: {  	s20 =	rddreg [dreg:$0xb];
	[sflag:s14] =	ssyncadd.s32 $0xFFFFE0C0  }
0x61: {  	[spmem:s20] =	stream.linear.scatter [tilespmem:s22], [sflag:$0x4], $0xC80, $0x38;
	[tilespmem:$0x1C880] =	vst v63  }
0x62: {  	_ =	swait.ge [sflag:s14], $0xC80  }
0x63: {  	[sflag:s14] =	ssyncset.done $0x0  }
0x64: {  	[sflag:s14] =	ssyncadd.s32 $0xFFFFF380  }
0x65: {  	[bflag:$0x0] =	sbarrier.arrive $0xFFFF  }
0x66: {  	s21 =	rddreg [dreg:$0xd]  }
.Ltmp3:
0x67: {  	s20 =	simm.s32 $0x0;
	s23 =	rddreg [dreg:$0x5];
	(pc) =	sbr.rel .LBB2_4-.Ltmp3, $4  }
0x68: {  	[tilespmem:s20], [sflag:$0x1] =	stream.linear.gather [hbm4b:s21+s20], $0x1A0, $0x38;
	[tilespmem:$0x1C880] =	vst v63  }
0x69: {  	s24 =	rddreg [dreg:$0x11];
	s23 =	sadd.s32 s23, s16  }
0x6a: {  	[tilespmem:s26], [sflag:$0x1] =	stream.linear.gather [hbm4b:s23+s20], $0x1A0, $0x38;
	[tilespmem:$0x1C880] =	vst v63  }
0x6b: {  	s24 =	sadd.s32 s16, s24;
	s23 =	simm.s32 $0x1  }
.LBB2_8:
0x6c: {  	s20 =	sadd.s32 $0x68, s20  }
0x6d: {  	p1 =	sne.s32 s20, $0x548  }
.Ltmp4:
0x6e: {  	_ = 	snop;
	(pc) =	sbr.rel @!p1 .LBB2_9-.Ltmp4, $2  }
0x6f: {  	_ =	sdelay $0x2  }
0x70: {  	s23 =	sadd.s32 $0x2, s23  }
.LBB2_4:
0x71: {  	_ =	swait.ge [sflag:s28], $0x1A0  }
0x72: {  	[sflag:s28] =	ssyncset.done $0x0  }
0x73: {  	[sflag:s28] =	ssyncadd.s32 $0xFFFFFE60  }
0x74: {  	_ =	swait.ge [sflag:s28], $0x1A0  }
0x75: {  	[sflag:s28] =	ssyncset.done $0x0  }
0x76: {  	[sflag:s28] =	ssyncadd.s32 $0xFFFFFE60  }
0x77: {  	[tilespmem:s22], [sflag:$0x2] =	stream.indirect.gather [hbm4b:s4+s29], $0x50, s2, s29, $0xb8;
	[tilespmem:$0x1C880] =	vst v63  }
0x78: {  	_ = 	snop  }
0x79: {  	[tilespmem:s31], [sflag:$0x2] =	stream.indirect.gather [hbm4b:s4+s29], $0x50, s30, s29, $0xb8;
	[tilespmem:$0x1C880] =	vst v63  }
0x7a: {  	p1 =	seq.s32 s20, $0x0  }
0x7b: {  	[tilespmem:s3], [sflag:$0x2] =	stream.indirect.gather [hbm4b:s4+s29], $0x50, s0, s29, $0xb8;
	[tilespmem:$0x1C880] =	vst v63  }
0x7c: {  	s5 =	simm.s32 @!p1 $0x3  }
0x7d: {  	[tilespmem:s9], [sflag:$0x2] =	stream.indirect.gather [hbm4b:s4+s29], $0x50, s8, s29, $0xb8;
	[tilespmem:$0x1C880] =	vst v63  }
0x7e: {  	_ =	swait.ge @!p1 [sflag:s5], $0x1F40  }
0x7f: {  	[sflag:s5] =	ssyncset.done @!p1 $0x0  }
0x80: {  	[sflag:s5] =	ssyncadd.s32 @!p1 $0xFFFFE0C0  }
0x81: {  	_ =	swait.ge @!p1 [sflag:s5], $0x1F40  }
0x82: {  	[sflag:s5] =	ssyncset.done @!p1 $0x0  }
0x83: {  	p2 =	sgt.u32 @!p1 s23, $0x18;
	[sflag:s5] =	ssyncadd.s32 @!p1 $0xFFFFE0C0  }
0x84: {  	p3 =	por p1, !p2;
	_ =	swait.ge @!p1 [sflag:s5], $0x1F40  }
.Ltmp5:
0x85: {  	[sflag:s5] =	ssyncset.done @!p1 $0x0;
	(pc) =	sbr.rel @!p3 .LBB2_6-.Ltmp5, $4  }
0x86: {  	[sflag:s5] =	ssyncadd.s32 @!p1 $0xFFFFE0C0  }
0x87: {  	_ =	swait.ge @!p1 [sflag:s5], $0x1F40  }
0x88: {  	[sflag:s5] =	ssyncset.done @!p1 $0x0  }
0x89: {  	p2 =	por @!p1 $0x0, $0x0;
	[sflag:s5] =	ssyncadd.s32 @!p1 $0xFFFFE0C0  }
0x8a: {  	s5 =	smov.u32 s23  }
0x8b: {  	s5 =	simm.s32 @p1 $0x1  }
0x8c: {  	s14 =	rddreg [dreg:$0xc];
	s5 =	sshll.u32 s5, $0x2  }
0x8d: {  	s5 =	sadd.s32 s14, s5  }
0x8e: {  	s5 =	smul.u32 $0xD, s5  }
0x8f: {  	s21 =	rddreg [dreg:$0x3]  }
0x90: {  	s14 =	sadd.s32 s21, s5  }
0x91: {  	[tilespmem:s10], [sflag:$0x1] =	stream.linear.gather [hbm4b:s14+s2], $0x1A0, $0x38;
	[tilespmem:$0x1C880] =	vst v63  }
0x92: {  	p2 =	por $0x1, $0x1;
	s5 =	sadd.s32 s16, s5  }
0x93: {  	[tilespmem:s11], [sflag:$0x1] =	stream.linear.gather [hbm4b:s5+s2], $0x1A0, $0x38;
	[tilespmem:$0x1C880] =	vst v63  }
.LBB2_6:
0x94: {  	_ =	swait.ge [sflag:s12], $0x1F40  }
0x95: {  	[sflag:s12] =	ssyncset.done $0x0  }
0x96: {  	[sflag:s12] =	ssyncadd.s32 $0xFFFFE0C0  }
0x97: {  	_ =	swait.ge [sflag:s12], $0x1F40  }
0x98: {  	[sflag:s12] =	ssyncset.done $0x0  }
0x99: {  	[sflag:s12] =	ssyncadd.s32 $0xFFFFE0C0  }
0x9a: {  	_ =	swait.ge [sflag:s12], $0x1F40  }
0x9b: {  	[sflag:s12] =	ssyncset.done $0x0  }
0x9c: {  	[sflag:s12] =	ssyncadd.s32 $0xFFFFE0C0  }
0x9d: {  	_ =	swait.ge [sflag:s12], $0x1F40  }
0x9e: {  	[sflag:s12] =	ssyncset.done $0x0  }
0x9f: {  	[sflag:s12] =	ssyncadd.s32 $0xFFFFE0C0  }
0xa0: {  	[spmem:s1] =	stream.indirect.scatter.add.f32 [tilespmem:s22], [sflag:$0x3], $0x50, s26, s29, $0xb8;
	[tilespmem:$0x1C880] =	vst v63  }
0xa1: {  	_ = 	snop  }
0xa2: {  	[spmem:s1] =	stream.indirect.scatter.add.f32 [tilespmem:s31], [sflag:$0x3], $0x50, s13, s29, $0xb8;
	[tilespmem:$0x1C880] =	vst v63  }
.Ltmp6:
0xa3: {  	_ = 	snop;
	(pc) =	sbr.rel @!p2 .LBB2_8-.Ltmp6, $4  }
0xa4: {  	_ = 	snop  }
0xa5: {  	[spmem:s1] =	stream.indirect.scatter.add.f32 [tilespmem:s3], [sflag:$0x3], $0x50, s7, s29, $0xb8;
	[tilespmem:$0x1C880] =	vst v63  }
0xa6: {  	_ = 	snop  }
0xa7: {  	[spmem:s1] =	stream.indirect.scatter.add.f32 [tilespmem:s9], [sflag:$0x3], $0x50, s15, s29, $0xb8;
	[tilespmem:$0x1C880] =	vst v63  }
0xa8: {  	_ =	swait.ge [sflag:s28], $0x1A0  }
0xa9: {  	[sflag:s28] =	ssyncset.done $0x0  }
0xaa: {  	[sflag:s28] =	ssyncadd.s32 $0xFFFFFE60  }
0xab: {  	_ =	swait.ge [sflag:s28], $0x1A0  }
0xac: {  	[sflag:s28] =	ssyncset.done $0x0  }
0xad: {  	[sflag:s28] =	ssyncadd.s32 $0xFFFFFE60  }
0xae: {  	[tilespmem:s17], [sflag:$0x2] =	stream.indirect.gather [hbm4b:s4+s29], $0x50, s10, s29, $0xb8;
	[tilespmem:$0x1C880] =	vst v63  }
0xaf: {  	s5 =	simm.s32 $0x208  }
0xb0: {  	[tilespmem:s19], [sflag:$0x2] =	stream.indirect.gather [hbm4b:s4+s29], $0x50, s5, s29, $0xb8;
	[tilespmem:$0x1C880] =	vst v63  }
0xb1: {  	s21 =	simm.s32 $0x270  }
0xb2: {  	[tilespmem:s25], [sflag:$0x2] =	stream.indirect.gather [hbm4b:s4+s29], $0x50, s21, s29, $0xb8;
	[tilespmem:$0x1C880] =	vst v63  }
0xb3: {  	s14 =	simm.s32 $0x2D8  }
0xb4: {  	[tilespmem:s6], [sflag:$0x2] =	stream.indirect.gather [hbm4b:s4+s29], $0x50, s14, s29, $0xb8;
	[tilespmem:$0x1C880] =	vst v63  }
0xb5: {  	_ =	swait.ge [sflag:s18], $0x1F40  }
0xb6: {  	[sflag:s18] =	ssyncset.done $0x0  }
0xb7: {  	[sflag:s18] =	ssyncadd.s32 $0xFFFFE0C0  }
0xb8: {  	_ =	swait.ge [sflag:s18], $0x1F40  }
0xb9: {  	[sflag:s18] =	ssyncset.done $0x0  }
0xba: {  	[sflag:s18] =	ssyncadd.s32 $0xFFFFE0C0  }
0xbb: {  	_ =	swait.ge [sflag:s18], $0x1F40  }
0xbc: {  	[sflag:s18] =	ssyncset.done $0x0  }
0xbd: {  	[sflag:s18] =	ssyncadd.s32 $0xFFFFE0C0  }
0xbe: {  	_ =	swait.ge [sflag:s18], $0x1F40  }
0xbf: {  	p1 =	seq.s32 s20, $0x4E0;
	[sflag:s18] =	ssyncset.done $0x0;
	s5 =	rddreg [dreg:$0x12]  }
0xc0: {  	s14 =	simm.s32 @!p1 $0x0;
	[sflag:s18] =	ssyncadd.s32 $0xFFFFE0C0;
	s5 =	sadd.s32 @!p1 s20, s5  }
0xc1: {  	[tilespmem:s14], [sflag:$0x1] =	stream.linear.gather @!p1 [hbm4b:s5+s14], $0x1A0, $0x38;
	[tilespmem:$0x1C880] =	vst v63  }
0xc2: {  	s21 =	simm.s32 @!p1 $0x340;
	s5 =	sadd.s32 @!p1 s20, s24  }
0xc3: {  	[tilespmem:s21], [sflag:$0x1] =	stream.linear.gather @!p1 [hbm4b:s5+s14], $0x1A0, $0x38;
	[tilespmem:$0x1C880] =	vst v63  }
0xc4: {  	_ =	swait.ge [sflag:s12], $0x1F40  }
0xc5: {  	[sflag:s12] =	ssyncset.done $0x0  }
0xc6: {  	[sflag:s12] =	ssyncadd.s32 $0xFFFFE0C0  }
0xc7: {  	_ =	swait.ge [sflag:s12], $0x1F40  }
0xc8: {  	[sflag:s12] =	ssyncset.done $0x0  }
0xc9: {  	[sflag:s12] =	ssyncadd.s32 $0xFFFFE0C0  }
0xca: {  	_ =	swait.ge [sflag:s12], $0x1F40  }
0xcb: {  	[sflag:s12] =	ssyncset.done $0x0  }
0xcc: {  	[sflag:s12] =	ssyncadd.s32 $0xFFFFE0C0  }
0xcd: {  	_ =	swait.ge [sflag:s12], $0x1F40  }
0xce: {  	[sflag:s12] =	ssyncset.done $0x0  }
0xcf: {  	[sflag:s12] =	ssyncadd.s32 $0xFFFFE0C0  }
0xd0: {  	[spmem:s1] =	stream.indirect.scatter.add.f32 [tilespmem:s17], [sflag:$0x3], $0x50, s11, s29, $0xb8;
	[tilespmem:$0x1C880] =	vst v63  }
0xd1: {  	s21 =	simm.s32 $0x548  }
0xd2: {  	[spmem:s1] =	stream.indirect.scatter.add.f32 [tilespmem:s19], [sflag:$0x3], $0x50, s21, s29, $0xb8;
	[tilespmem:$0x1C880] =	vst v63  }
.Ltmp7:
0xd3: {  	_ = 	snop;
	(pc) =	sbr.rel .LBB2_8-.Ltmp7, $4  }
0xd4: {  	s14 =	simm.s32 $0x5B0  }
0xd5: {  	[spmem:s1] =	stream.indirect.scatter.add.f32 [tilespmem:s25], [sflag:$0x3], $0x50, s14, s29, $0xb8;
	[tilespmem:$0x1C880] =	vst v63  }
0xd6: {  	s21 =	simm.s32 $0x618  }
0xd7: {  	[spmem:s1] =	stream.indirect.scatter.add.f32 [tilespmem:s6], [sflag:$0x3], $0x50, s21, s29, $0xb8;
	[tilespmem:$0x1C880] =	vst v63  }
.LBB2_10:
0xd8: {  	_ =	sfence.sel $0x180000  }
0xd9: {  	[bflag:$0x0] =	sbarrier.arrive $0xFFFF  }
0xda: {  	_ =	strace $0x90000047  }
0xdb: {  	s0 =	stileid.u32;
	[bflag:$0x2] =	sbarrier.arrive $0xFFFF  }
0xdc: {  	p0 =	sne.s32 s0, $0x0;
	s0 =	rddreg [dreg:$0x2]  }
0xdd: {  	s0 =	sadd.s32 @!p0 $0x100000, s0  }
0xde: {  	[sflag:s0] =	ssyncadd.tile.s32 @!p0 $0x1;
	_ =	shalt  }
.Lfunc_end2:
_tile_overlayer_lowered:
.L_overlay_start_2:
0xdf: {  	(tag) =	ssettag $0x2  }
0xe0: {  	s0 =	rddreg [dreg:$0x0];
	s2 =	stileid.u32  }
0xe1: {  	s1 =	rddreg [dreg:$0x1];
	p0 =	sne.s32 s2, $0x0  }
0xe2: {  	s3 =	rddreg [dreg:$0x2];
	[bflag:$0x3] =	sbarrier.arrive $0xFFFF;
	s2 =	simm.s32 @!p0 $0x1C04  }
0xe3: {  	[timem:s3], [sflag:s2] =	dma.local @!p0 [hbm:s0], s1  }
0xe4: {  	s0 =	simm.s32 @!p0 $0x4  }
0xe5: {  	_ =	swait.ge @!p0 [sflag:s0], s1  }
0xe6: {  	s1 =	ssub.s32 @!p0 $0x0, s1;
	[sflag:s0] =	ssyncset.done @!p0 $0x0  }
0xe7: {  	[sflag:s0] =	ssyncadd.s32 @!p0 s1  }
0xe8: {  	[bflag:$0x3] =	sbarrier.arrive $0xFFFF  }
0xe9: {  	_ =	shalt  }

</sc_bundles>
